<compile_context>
chip_gen: v7x
topology: tpu7x:2x2x1
jax: 0.10.2.dev20260603
libtpu: 0.0.44.dev20260713+nightly
codegen_flags: <defaults>
</compile_context>

<pallas_src>
import functools

import jax
import jax.numpy as jnp
from jax import lax
from jax.experimental import pallas as pl
from jax.experimental.pallas import tpu as pltpu
from jax.experimental.pallas import tpu_sc as plsc

EPS = 1e-5
NC = 2
NS = 16
NW = NC * NS
CHUNK = 128
BM = 400


NBUF = 2


def _sc_agg_rows(n_pad, h, e):
    nchunk = e // CHUNK
    rows_per_tile = n_pad // NS
    zb = 8
    kpw = nchunk // NW
    assert kpw * NW == nchunk and kpw % 8 == 0
    slots = kpw
    ngroups = slots // NBUF

    mesh = plsc.VectorSubcoreMesh(core_axis_name="c", subcore_axis_name="s")

    @functools.partial(
        pl.kernel,
        out_type=(
            jax.ShapeDtypeStruct((NC, n_pad, h), jnp.float32),
            jax.ShapeDtypeStruct((NC, n_pad), jnp.float32),
        ),
        mesh=mesh,
        scratch_types=[
            pltpu.VMEM((slots, CHUNK), jnp.int32),
            pltpu.VMEM((slots, CHUNK), jnp.int32),
            pltpu.VMEM((CHUNK,), jnp.float32),
            pltpu.VMEM((zb, h), jnp.float32),
            pltpu.VMEM_SHARED((n_pad, h), jnp.float32),
            pltpu.VMEM_SHARED((n_pad,), jnp.float32),
        ] + [pltpu.VMEM((CHUNK, h), jnp.float32)] * NBUF
          + [pltpu.SemaphoreType.DMA] * (3 * NBUF),
    )
    def k(y_hbm, src_hbm, dst_hbm, out_sum, out_deg,
          sbuf, dbuf, ones_v, zblk, acc_sh, deg_sh, *ring):
        rows = ring[:NBUF]
        gsem = ring[NBUF:2 * NBUF]
        ssem = ring[2 * NBUF:3 * NBUF]
        dsem = ring[3 * NBUF:]
        cid = lax.axis_index("c")
        sid = lax.axis_index("s")
        wid = sid * NC + cid
        zero16 = jnp.zeros((16,), jnp.float32)
        one16 = jnp.ones((16,), jnp.float32)
        for r in range(zb):
            for j in range(h // 16):
                zblk[r, pl.ds(j * 16, 16)] = zero16
        for j in range(CHUNK // 16):
            ones_v[pl.ds(j * 16, 16)] = one16
        pltpu.sync_copy(src_hbm.at[pl.ds(wid * kpw, kpw)],
                        sbuf.at[pl.ds(0, kpw)])
        pltpu.sync_copy(dst_hbm.at[pl.ds(wid * kpw, kpw)],
                        dbuf.at[pl.ds(0, kpw)])
        row0 = sid * rows_per_tile
        def zbody(t, c):
            pltpu.sync_copy(zblk, acc_sh.at[pl.ds(row0 + t * zb, zb)])
            return c
        lax.fori_loop(0, rows_per_tile // zb, zbody, 0)
        for t in range(rows_per_tile // CHUNK):
            pltpu.sync_copy(zblk.at[0, pl.ds(0, CHUNK)],
                            deg_sh.at[pl.ds(row0 + t * CHUNK, CHUNK)])
        plsc.subcore_barrier()

        for b in range(NBUF):
            pltpu.make_async_copy(
                y_hbm.at[sbuf.at[b]], rows[b], gsem[b]).start()

        def gbody(g, c):
            t0 = g * NBUF
            for b in range(NBUF):
                pltpu.make_async_copy(
                    y_hbm.at[sbuf.at[t0 + b]], rows[b], gsem[b]).wait()
                pltpu.make_async_copy(
                    rows[b], acc_sh.at[dbuf.at[t0 + b]], ssem[b]).start(add=True)
                pltpu.make_async_copy(
                    ones_v, deg_sh.at[dbuf.at[t0 + b]], dsem[b]).start(add=True)
            for b in range(NBUF):
                nt = t0 + NBUF + b
                pltpu.make_async_copy(
                    rows[b], acc_sh.at[dbuf.at[t0 + b]], ssem[b]).wait()
                pltpu.make_async_copy(
                    ones_v, deg_sh.at[dbuf.at[t0 + b]], dsem[b]).wait()
                pltpu.make_async_copy(
                    y_hbm.at[sbuf.at[nt]], rows[b], gsem[b]).start()
            return c
        lax.fori_loop(0, ngroups - 1, gbody, 0)
        tl0 = (ngroups - 1) * NBUF
        for b in range(NBUF):
            pltpu.make_async_copy(
                y_hbm.at[sbuf.at[tl0 + b]], rows[b], gsem[b]).wait()
            pltpu.make_async_copy(
                rows[b], acc_sh.at[dbuf.at[tl0 + b]], ssem[b]).start(add=True)
            pltpu.make_async_copy(
                ones_v, deg_sh.at[dbuf.at[tl0 + b]], dsem[b]).start(add=True)
        for b in range(NBUF):
            pltpu.make_async_copy(
                rows[b], acc_sh.at[dbuf.at[tl0 + b]], ssem[b]).wait()
            pltpu.make_async_copy(
                ones_v, deg_sh.at[dbuf.at[tl0 + b]], dsem[b]).wait()
        plsc.subcore_barrier()
        pltpu.sync_copy(acc_sh.at[pl.ds(row0, rows_per_tile)],
                        out_sum.at[cid, pl.ds(row0, rows_per_tile)])
        pltpu.sync_copy(deg_sh.at[pl.ds(row0, rows_per_tile)],
                        out_deg.at[cid, pl.ds(row0, rows_per_tile)])

    return k


def _sc_agg_scalar(n_pad, e):
    nchunk = e // CHUNK
    rows_per_tile = n_pad // NS
    kpw = nchunk // NW
    assert kpw * NW == nchunk and kpw % 8 == 0
    slots = kpw
    ngroups = slots // NBUF

    mesh = plsc.VectorSubcoreMesh(core_axis_name="c", subcore_axis_name="s")

    @functools.partial(
        pl.kernel,
        out_type=jax.ShapeDtypeStruct((NC, n_pad), jnp.float32),
        mesh=mesh,
        scratch_types=[
            pltpu.VMEM((slots, CHUNK), jnp.int32),
            pltpu.VMEM((slots, CHUNK), jnp.int32),
            pltpu.VMEM((CHUNK,), jnp.float32),
            pltpu.VMEM_SHARED((n_pad,), jnp.float32),
        ] + [pltpu.VMEM((CHUNK,), jnp.float32)] * NBUF
          + [pltpu.SemaphoreType.DMA] * (2 * NBUF),
    )
    def k(z_hbm, src_hbm, dst_hbm, out_sum, sbuf, dbuf, zrow, acc_sh, *ring):
        vals = ring[:NBUF]
        gsem = ring[NBUF:2 * NBUF]
        ssem = ring[2 * NBUF:]
        cid = lax.axis_index("c")
        sid = lax.axis_index("s")
        wid = sid * NC + cid
        zero16 = jnp.zeros((16,), jnp.float32)
        for j in range(CHUNK // 16):
            zrow[pl.ds(j * 16, 16)] = zero16
        pltpu.sync_copy(src_hbm.at[pl.ds(wid * kpw, kpw)],
                        sbuf.at[pl.ds(0, kpw)])
        pltpu.sync_copy(dst_hbm.at[pl.ds(wid * kpw, kpw)],
                        dbuf.at[pl.ds(0, kpw)])
        row0 = sid * rows_per_tile
        for t in range(rows_per_tile // CHUNK):
            pltpu.sync_copy(zrow, acc_sh.at[pl.ds(row0 + t * CHUNK, CHUNK)])
        plsc.subcore_barrier()

        for b in range(NBUF):
            pltpu.make_async_copy(
                z_hbm.at[sbuf.at[b]], vals[b], gsem[b]).start()

        def gbody(g, c):
            t0 = g * NBUF
            for b in range(NBUF):
                pltpu.make_async_copy(
                    z_hbm.at[sbuf.at[t0 + b]], vals[b], gsem[b]).wait()
                pltpu.make_async_copy(
                    vals[b], acc_sh.at[dbuf.at[t0 + b]], ssem[b]).start(add=True)
            for b in range(NBUF):
                pltpu.make_async_copy(
                    vals[b], acc_sh.at[dbuf.at[t0 + b]], ssem[b]).wait()
                pltpu.make_async_copy(
                    z_hbm.at[sbuf.at[t0 + NBUF + b]], vals[b], gsem[b]).start()
            return c
        lax.fori_loop(0, ngroups - 1, gbody, 0)
        tl0 = (ngroups - 1) * NBUF
        for b in range(NBUF):
            pltpu.make_async_copy(
                z_hbm.at[sbuf.at[tl0 + b]], vals[b], gsem[b]).wait()
            pltpu.make_async_copy(
                vals[b], acc_sh.at[dbuf.at[tl0 + b]], ssem[b]).start(add=True)
        for b in range(NBUF):
            pltpu.make_async_copy(
                vals[b], acc_sh.at[dbuf.at[tl0 + b]], ssem[b]).wait()
        plsc.subcore_barrier()
        pltpu.sync_copy(acc_sh.at[pl.ds(row0, rows_per_tile)],
                        out_sum.at[cid, pl.ds(row0, rows_per_tile)])

    return k


def _mm_body(x_ref, w_ref, y_ref):
    dn = (((1,), (1,)), ((), ()))
    y_ref[...] = lax.dot_general(x_ref[...], w_ref[...], dn,
                                 preferred_element_type=jnp.float32)


def _k2_body(ps0_ref, ps1_ref, yr_ref, pd0_ref, pd1_ref, b1_ref,
             bnw_ref, bnb_ref, bnm_ref, bnv_ref,
             w2l_ref, w2r_ref, wp_ref, b2_ref, bp_ref,
             zl_ref, zr_ref):
    deg = jnp.maximum(pd0_ref[0] + pd1_ref[0], 1.0)
    agg = (ps0_ref[0] + ps1_ref[0]) / deg
    c = agg + b1_ref[...] + yr_ref[...]
    scale = bnw_ref[...] * lax.rsqrt(bnv_ref[...] + EPS)
    h1 = jnp.maximum(scale * (c - bnm_ref[...]) + bnb_ref[...], 0.0)
    dn_c0 = (((0,), (1,)), ((), ()))
    v_l = lax.dot_general(w2l_ref[...], wp_ref[...], dn_c0,
                          preferred_element_type=jnp.float32)
    v_r = lax.dot_general(w2r_ref[...], wp_ref[...], dn_c0,
                          preferred_element_type=jnp.float32)
    dn_r = (((1,), (0,)), ((), ()))
    zl_ref[...] = lax.dot_general(h1, v_l, dn_r,
                                  preferred_element_type=jnp.float32)
    cst = jnp.sum(b2_ref[...] * wp_ref[...]) + bp_ref[0, 0]
    zr_ref[...] = lax.dot_general(h1, v_r, dn_r,
                                  preferred_element_type=jnp.float32) + cst


def _k3_body(p0_ref, p1_ref, pd0_ref, pd1_ref, zr_ref, out_ref):
    deg = jnp.maximum(pd0_ref[0] + pd1_ref[0], 1.0)
    out_ref[...] = (p0_ref[0] + p1_ref[0]) / deg + zr_ref[...]


def kernel(node_feature, edge_index, batch, W1_l, b1, W1_r,
           bn1_w, bn1_b, bn1_m, bn1_v, W2_l, b2, W2_r, Wp, bp):
    n, d_in = node_feature.shape
    h = W1_l.shape[0]
    e = edge_index.shape[1]
    n_pad = ((n + NS * CHUNK - 1) // (NS * CHUNK)) * (NS * CHUNK)
    if n_pad == n:
        n_pad += NS * CHUNK
    src = edge_index[0]
    dst = edge_index[1]

    f32 = jnp.float32
    bm1, bm2, bm3 = 1000, 1000, 2000

    def _mm(w):
        return pl.pallas_call(
            _mm_body,
            grid=(n // bm1,),
            in_specs=[
                pl.BlockSpec((bm1, d_in), lambda i: (i, 0)),
                pl.BlockSpec((h, d_in), lambda i: (0, 0)),
            ],
            out_specs=pl.BlockSpec((bm1, h), lambda i: (i, 0)),
            out_shape=jax.ShapeDtypeStruct((n, h), f32),
        )(node_feature, w)
    y_l = _mm(W1_l)
    y_r = _mm(W1_r)

    nchunk_pad = -(-e // (CHUNK * NW * 8)) * (NW * 8)
    e_pad = nchunk_pad * CHUNK
    pad_iota = jnp.arange(e_pad - e, dtype=jnp.int32)
    pad_src = jax.lax.rem(pad_iota, jnp.int32(n))
    pad_dst = n + jax.lax.rem(pad_iota, jnp.int32(n_pad - n))
    src2d = jnp.concatenate([src, pad_src]).reshape(nchunk_pad, CHUNK)
    dst2d = jnp.concatenate([dst, pad_dst]).reshape(nchunk_pad, CHUNK)

    psum, pdeg = _sc_agg_rows(n_pad, h, e_pad)(y_l, src2d, dst2d)
    pdeg3 = pdeg.reshape(NC, n_pad, 1)

    full = lambda r, c: pl.BlockSpec((r, c), lambda i: (0, 0))
    zl, zr = pl.pallas_call(
        _k2_body,
        grid=(n // bm2,),
        in_specs=[
            pl.BlockSpec((1, bm2, h), lambda i: (0, i, 0)),
            pl.BlockSpec((1, bm2, h), lambda i: (1, i, 0)),
            pl.BlockSpec((bm2, h), lambda i: (i, 0)),
            pl.BlockSpec((1, bm2, 1), lambda i: (0, i, 0)),
            pl.BlockSpec((1, bm2, 1), lambda i: (1, i, 0)),
            full(1, h), full(1, h), full(1, h), full(1, h), full(1, h),
            full(h, h), full(h, h), full(1, h), full(1, h), full(1, 1),
        ],
        out_specs=[
            pl.BlockSpec((bm2, 1), lambda i: (i, 0)),
            pl.BlockSpec((bm2, 1), lambda i: (i, 0)),
        ],
        out_shape=[
            jax.ShapeDtypeStruct((n, 1), f32),
            jax.ShapeDtypeStruct((n, 1), f32),
        ],
    )(psum, psum, y_r, pdeg3, pdeg3,
      b1.reshape(1, h), bn1_w.reshape(1, h), bn1_b.reshape(1, h),
      bn1_m.reshape(1, h), bn1_v.reshape(1, h),
      W2_l, W2_r, Wp, b2.reshape(1, h), bp.reshape(1, 1))

    p2 = _sc_agg_scalar(n_pad, e_pad)(zl.reshape(n), src2d, dst2d)
    p23 = p2.reshape(NC, n_pad, 1)

    out = pl.pallas_call(
        _k3_body,
        grid=(n // bm3,),
        in_specs=[
            pl.BlockSpec((1, bm3, 1), lambda i: (0, i, 0)),
            pl.BlockSpec((1, bm3, 1), lambda i: (1, i, 0)),
            pl.BlockSpec((1, bm3, 1), lambda i: (0, i, 0)),
            pl.BlockSpec((1, bm3, 1), lambda i: (1, i, 0)),
            pl.BlockSpec((bm3, 1), lambda i: (i, 0)),
        ],
        out_specs=pl.BlockSpec((bm3, 1), lambda i: (i, 0)),
        out_shape=jax.ShapeDtypeStruct((n, 1), f32),
    )(p23, p23, pdeg3, pdeg3, zr)
    return out

# --- scband reference (transcript-rebuilt; emitter-appended) ---
"""Pipeline reference for scband-sagenorm-5806795784663 (READ-ONLY COPY).

The authoritative reference and input builder live on the scoring server;
editing this copy changes nothing except your own understanding.
"""

import jax, jax.numpy as jnp
import numpy as np

N = 10000
E = 160000
D_IN = 300
H = 128
EPS = 1e-5


def setup_inputs(seed: int = 0) -> dict:
    key = jax.random.key(seed)
    ks = jax.random.split(key, 12)
    node_feature = jax.random.normal(ks[0], (N, D_IN), dtype=jnp.float32)
    edge_index = jax.random.randint(ks[1], (2, E), 0, N, dtype=jnp.int32)
    batch = jnp.zeros((N,), dtype=jnp.int32)
    s = 0.05
    W1_l = jax.random.normal(ks[2], (H, D_IN), dtype=jnp.float32) * s
    b1 = jnp.zeros((H,), dtype=jnp.float32)
    W1_r = jax.random.normal(ks[3], (H, D_IN), dtype=jnp.float32) * s
    bn1_w = jnp.ones((H,), dtype=jnp.float32)
    bn1_b = jnp.zeros((H,), dtype=jnp.float32)
    bn1_m = jnp.zeros((H,), dtype=jnp.float32)
    bn1_v = jnp.ones((H,), dtype=jnp.float32)
    W2_l = jax.random.normal(ks[4], (H, H), dtype=jnp.float32) * s
    b2 = jnp.zeros((H,), dtype=jnp.float32)
    W2_r = jax.random.normal(ks[5], (H, H), dtype=jnp.float32) * s
    Wp = jax.random.normal(ks[6], (1, H), dtype=jnp.float32) * s
    bp = jnp.zeros((1,), dtype=jnp.float32)
    return {
        "node_feature": node_feature, "edge_index": edge_index, "batch": batch,
        "W1_l": W1_l, "b1": b1, "W1_r": W1_r,
        "bn1_w": bn1_w, "bn1_b": bn1_b, "bn1_m": bn1_m, "bn1_v": bn1_v,
        "W2_l": W2_l, "b2": b2, "W2_r": W2_r,
        "Wp": Wp, "bp": bp,
    }


def _sage_conv(x, src, dst, W_l, b_l, W_r, n):
    # PyG SAGEConv with mean aggregation: out = lin_l(mean_agg(x_src -> dst)) + lin_r(x)
    msg = jnp.take(x, src, axis=0)
    summed = jax.ops.segment_sum(msg, dst, num_segments=n)
    cnt = jax.ops.segment_sum(jnp.ones((src.shape[0], 1), x.dtype), dst, num_segments=n)
    agg = summed / jnp.maximum(cnt, 1.0)
    return agg @ W_l.T + b_l + x @ W_r.T


def reference(node_feature, edge_index, batch, W1_l, b1, W1_r, bn1_w, bn1_b, bn1_m, bn1_v, W2_l, b2, W2_r, Wp, bp):
    src = edge_index[0]
    dst = edge_index[1]
    n = node_feature.shape[0]
    # layer 1: conv -> batchnorm (eval mode, running stats) -> relu -> dropout(p=0, noop)
    h = _sage_conv(node_feature, src, dst, W1_l, b1, W1_r, n)
    h = bn1_w * (h - bn1_m) / jnp.sqrt(bn1_v + EPS) + bn1_b
    h = jax.nn.relu(h)
    # layer 2 (last conv, no bn/act per forward())
    h = _sage_conv(h, src, dst, W2_l, b2, W2_r, n)
    # post_mp linear
    out = h @ Wp.T + bp
    return out

if __name__ == "__main__":
    import jax
    _d = setup_inputs()
    print(jax.jit(kernel)(*tuple(_d.values())))

</pallas_src>

<mosaic_0001>
#map = affine_map<(d0, d1) -> (0, 0)>
#map1 = affine_map<(d0, d1) -> (0, 0, 0)>
module attributes {stable_mosaic.version = 14 : i64} {
  func.func @k(%arg0: i32, %arg1: i32, %arg2: memref<10000x128xf32, #tpu.memory_space<hbm>>, %arg3: memref<1280x128xi32, #tpu.memory_space<hbm>>, %arg4: memref<1280x128xi32, #tpu.memory_space<hbm>>, %arg5: memref<2x10240x128xf32, #tpu.memory_space<hbm>>, %arg6: memref<2x10240xf32, #tpu.memory_space<hbm>>, %arg7: memref<40x128xi32, #tpu.memory_space<vmem>>, %arg8: memref<40x128xi32, #tpu.memory_space<vmem>>, %arg9: memref<128xf32, #tpu.memory_space<vmem>>, %arg10: memref<8x128xf32, #tpu.memory_space<vmem>>, %arg11: memref<10240x128xf32, #tpu.memory_space<vmem_shared>>, %arg12: memref<10240xf32, #tpu.memory_space<vmem_shared>>, %arg13: memref<128x128xf32, #tpu.memory_space<vmem>>, %arg14: memref<128x128xf32, #tpu.memory_space<vmem>>, %arg15: memref<!tpu.dma_semaphore, #tpu.memory_space<semaphore_mem>>, %arg16: memref<!tpu.dma_semaphore, #tpu.memory_space<semaphore_mem>>, %arg17: memref<!tpu.dma_semaphore, #tpu.memory_space<semaphore_mem>>, %arg18: memref<!tpu.dma_semaphore, #tpu.memory_space<semaphore_mem>>, %arg19: memref<!tpu.dma_semaphore, #tpu.memory_space<semaphore_mem>>, %arg20: memref<!tpu.dma_semaphore, #tpu.memory_space<semaphore_mem>>) attributes {dimension_semantics = [#tpu.dimension_semantics<core_parallel>, #tpu.dimension_semantics<subcore_parallel>], iteration_bounds = array<i64: 2, 16>, scalar_prefetch = 0 : i64, scratch_operands = 14 : i64, tpu.core_type = #tpu.core_type<sc_vector_subcore>, window_params = [{transform_indices = #map}, {transform_indices = #map}, {transform_indices = #map}, {transform_indices = #map1}, {transform_indices = #map}]} {
    %mul3A = arith.constant 2 : i32
    %mul3A_0 = arith.muli %arg1, %mul3A : i32
    %add3A = arith.addi %mul3A_0, %arg0 : i32
    %broadcast_in_dim3A = arith.constant 0.000000e+00 : f32
    %broadcast_in_dim3A_1 = vector.broadcast %broadcast_in_dim3A : f32 to vector<16xf32>
    %broadcast_in_dim3A_2 = arith.constant 1.000000e+00 : f32
    %broadcast_in_dim3A_3 = vector.broadcast %broadcast_in_dim3A_2 : f32 to vector<16xf32>
    %swap3A = arith.constant 0 : i32
    %swap3A_4 = arith.index_cast %swap3A : i32 to index
    %swap3A_5 = arith.constant 0 : index
    %swap3A_6 = tpu.vector_load %arg10[%swap3A_4, %swap3A_5] {strides = array<i32>} : memref<8x128xf32, #tpu.memory_space<vmem>>, vector<1x16xf32>,
    %swap3A_7 = vector.shape_cast %swap3A_6 : vector<1x16xf32> to vector<16xf32>
    %swap3A_8 = vector.shape_cast %broadcast_in_dim3A_1 : vector<16xf32> to vector<1x16xf32>
    tpu.vector_store %arg10[%swap3A_4, %swap3A_5], %swap3A_8 {strides = array<i32>} : memref<8x128xf32, #tpu.memory_space<vmem>>, vector<1x16xf32>,
    %swap3A_9 = arith.constant 0 : i32
    %swap3A_10 = arith.index_cast %swap3A_9 : i32 to index
    %swap3A_11 = arith.constant 16 : index
    %swap3A_12 = tpu.vector_load %arg10[%swap3A_10, %swap3A_11] {strides = array<i32>} : memref<8x128xf32, #tpu.memory_space<vmem>>, vector<1x16xf32>,
    %swap3A_13 = vector.shape_cast %swap3A_12 : vector<1x16xf32> to vector<16xf32>
    %swap3A_14 = vector.shape_cast %broadcast_in_dim3A_1 : vector<16xf32> to vector<1x16xf32>
    tpu.vector_store %arg10[%swap3A_10, %swap3A_11], %swap3A_14 {strides = array<i32>} : memref<8x128xf32, #tpu.memory_space<vmem>>, vector<1x16xf32>,
    %swap3A_15 = arith.constant 0 : i32
    %swap3A_16 = arith.index_cast %swap3A_15 : i32 to index
    %swap3A_17 = arith.constant 32 : index
    %swap3A_18 = tpu.vector_load %arg10[%swap3A_16, %swap3A_17] {strides = array<i32>} : memref<8x128xf32, #tpu.memory_space<vmem>>, vector<1x16xf32>,
    %swap3A_19 = vector.shape_cast %swap3A_18 : vector<1x16xf32> to vector<16xf32>
    %swap3A_20 = vector.shape_cast %broadcast_in_dim3A_1 : vector<16xf32> to vector<1x16xf32>
    tpu.vector_store %arg10[%swap3A_16, %swap3A_17], %swap3A_20 {strides = array<i32>} : memref<8x128xf32, #tpu.memory_space<vmem>>, vector<1x16xf32>,
    %swap3A_21 = arith.constant 0 : i32
    %swap3A_22 = arith.index_cast %swap3A_21 : i32 to index
    %swap3A_23 = arith.constant 48 : index
    %swap3A_24 = tpu.vector_load %arg10[%swap3A_22, %swap3A_23] {strides = array<i32>} : memref<8x128xf32, #tpu.memory_space<vmem>>, vector<1x16xf32>,
    %swap3A_25 = vector.shape_cast %swap3A_24 : vector<1x16xf32> to vector<16xf32>
    %swap3A_26 = vector.shape_cast %broadcast_in_dim3A_1 : vector<16xf32> to vector<1x16xf32>
    tpu.vector_store %arg10[%swap3A_22, %swap3A_23], %swap3A_26 {strides = array<i32>} : memref<8x128xf32, #tpu.memory_space<vmem>>, vector<1x16xf32>,
    %swap3A_27 = arith.constant 0 : i32
    %swap3A_28 = arith.index_cast %swap3A_27 : i32 to index
    %swap3A_29 = arith.constant 64 : index
    %swap3A_30 = tpu.vector_load %arg10[%swap3A_28, %swap3A_29] {strides = array<i32>} : memref<8x128xf32, #tpu.memory_space<vmem>>, vector<1x16xf32>,
    %swap3A_31 = vector.shape_cast %swap3A_30 : vector<1x16xf32> to vector<16xf32>
    %swap3A_32 = vector.shape_cast %broadcast_in_dim3A_1 : vector<16xf32> to vector<1x16xf32>
    tpu.vector_store %arg10[%swap3A_28, %swap3A_29], %swap3A_32 {strides = array<i32>} : memref<8x128xf32, #tpu.memory_space<vmem>>, vector<1x16xf32>,
    %swap3A_33 = arith.constant 0 : i32
    %swap3A_34 = arith.index_cast %swap3A_33 : i32 to index
    %swap3A_35 = arith.constant 80 : index
    %swap3A_36 = tpu.vector_load %arg10[%swap3A_34, %swap3A_35] {strides = array<i32>} : memref<8x128xf32, #tpu.memory_space<vmem>>, vector<1x16xf32>,
    %swap3A_37 = vector.shape_cast %swap3A_36 : vector<1x16xf32> to vector<16xf32>
    %swap3A_38 = vector.shape_cast %broadcast_in_dim3A_1 : vector<16xf32> to vector<1x16xf32>
    tpu.vector_store %arg10[%swap3A_34, %swap3A_35], %swap3A_38 {strides = array<i32>} : memref<8x128xf32, #tpu.memory_space<vmem>>, vector<1x16xf32>,
    %swap3A_39 = arith.constant 0 : i32
    %swap3A_40 = arith.index_cast %swap3A_39 : i32 to index
    %swap3A_41 = arith.constant 96 : index
    %swap3A_42 = tpu.vector_load %arg10[%swap3A_40, %swap3A_41] {strides = array<i32>} : memref<8x128xf32, #tpu.memory_space<vmem>>, vector<1x16xf32>,
    %swap3A_43 = vector.shape_cast %swap3A_42 : vector<1x16xf32> to vector<16xf32>
    %swap3A_44 = vector.shape_cast %broadcast_in_dim3A_1 : vector<16xf32> to vector<1x16xf32>
    tpu.vector_store %arg10[%swap3A_40, %swap3A_41], %swap3A_44 {strides = array<i32>} : memref<8x128xf32, #tpu.memory_space<vmem>>, vector<1x16xf32>,
    %swap3A_45 = arith.constant 0 : i32
    %swap3A_46 = arith.index_cast %swap3A_45 : i32 to index
    %swap3A_47 = arith.constant 112 : index
    %swap3A_48 = tpu.vector_load %arg10[%swap3A_46, %swap3A_47] {strides = array<i32>} : memref<8x128xf32, #tpu.memory_space<vmem>>, vector<1x16xf32>,
    %swap3A_49 = vector.shape_cast %swap3A_48 : vector<1x16xf32> to vector<16xf32>
    %swap3A_50 = vector.shape_cast %broadcast_in_dim3A_1 : vector<16xf32> to vector<1x16xf32>
    tpu.vector_store %arg10[%swap3A_46, %swap3A_47], %swap3A_50 {strides = array<i32>} : memref<8x128xf32, #tpu.memory_space<vmem>>, vector<1x16xf32>,
    %swap3A_51 = arith.constant 1 : i32
    %swap3A_52 = arith.index_cast %swap3A_51 : i32 to index
    %swap3A_53 = arith.constant 0 : index
    %swap3A_54 = tpu.vector_load %arg10[%swap3A_52, %swap3A_53] {strides = array<i32>} : memref<8x128xf32, #tpu.memory_space<vmem>>, vector<1x16xf32>,
    %swap3A_55 = vector.shape_cast %swap3A_54 : vector<1x16xf32> to vector<16xf32>
    %swap3A_56 = vector.shape_cast %broadcast_in_dim3A_1 : vector<16xf32> to vector<1x16xf32>
    tpu.vector_store %arg10[%swap3A_52, %swap3A_53], %swap3A_56 {strides = array<i32>} : memref<8x128xf32, #tpu.memory_space<vmem>>, vector<1x16xf32>,
    %swap3A_57 = arith.constant 1 : i32
    %swap3A_58 = arith.index_cast %swap3A_57 : i32 to index
    %swap3A_59 = arith.constant 16 : index
    %swap3A_60 = tpu.vector_load %arg10[%swap3A_58, %swap3A_59] {strides = array<i32>} : memref<8x128xf32, #tpu.memory_space<vmem>>, vector<1x16xf32>,
    %swap3A_61 = vector.shape_cast %swap3A_60 : vector<1x16xf32> to vector<16xf32>
    %swap3A_62 = vector.shape_cast %broadcast_in_dim3A_1 : vector<16xf32> to vector<1x16xf32>
    tpu.vector_store %arg10[%swap3A_58, %swap3A_59], %swap3A_62 {strides = array<i32>} : memref<8x128xf32, #tpu.memory_space<vmem>>, vector<1x16xf32>,
    %swap3A_63 = arith.constant 1 : i32
    %swap3A_64 = arith.index_cast %swap3A_63 : i32 to index
    %swap3A_65 = arith.constant 32 : index
    %swap3A_66 = tpu.vector_load %arg10[%swap3A_64, %swap3A_65] {strides = array<i32>} : memref<8x128xf32, #tpu.memory_space<vmem>>, vector<1x16xf32>,
    %swap3A_67 = vector.shape_cast %swap3A_66 : vector<1x16xf32> to vector<16xf32>
    %swap3A_68 = vector.shape_cast %broadcast_in_dim3A_1 : vector<16xf32> to vector<1x16xf32>
    tpu.vector_store %arg10[%swap3A_64, %swap3A_65], %swap3A_68 {strides = array<i32>} : memref<8x128xf32, #tpu.memory_space<vmem>>, vector<1x16xf32>,
    %swap3A_69 = arith.constant 1 : i32
    %swap3A_70 = arith.index_cast %swap3A_69 : i32 to index
    %swap3A_71 = arith.constant 48 : index
    %swap3A_72 = tpu.vector_load %arg10[%swap3A_70, %swap3A_71] {strides = array<i32>} : memref<8x128xf32, #tpu.memory_space<vmem>>, vector<1x16xf32>,
    %swap3A_73 = vector.shape_cast %swap3A_72 : vector<1x16xf32> to vector<16xf32>
    %swap3A_74 = vector.shape_cast %broadcast_in_dim3A_1 : vector<16xf32> to vector<1x16xf32>
    tpu.vector_store %arg10[%swap3A_70, %swap3A_71], %swap3A_74 {strides = array<i32>} : memref<8x128xf32, #tpu.memory_space<vmem>>, vector<1x16xf32>,
    %swap3A_75 = arith.constant 1 : i32
    %swap3A_76 = arith.index_cast %swap3A_75 : i32 to index
    %swap3A_77 = arith.constant 64 : index
    %swap3A_78 = tpu.vector_load %arg10[%swap3A_76, %swap3A_77] {strides = array<i32>} : memref<8x128xf32, #tpu.memory_space<vmem>>, vector<1x16xf32>,
    %swap3A_79 = vector.shape_cast %swap3A_78 : vector<1x16xf32> to vector<16xf32>
    %swap3A_80 = vector.shape_cast %broadcast_in_dim3A_1 : vector<16xf32> to vector<1x16xf32>
    tpu.vector_store %arg10[%swap3A_76, %swap3A_77], %swap3A_80 {strides = array<i32>} : memref<8x128xf32, #tpu.memory_space<vmem>>, vector<1x16xf32>,
    %swap3A_81 = arith.constant 1 : i32
    %swap3A_82 = arith.index_cast %swap3A_81 : i32 to index
    %swap3A_83 = arith.constant 80 : index
    %swap3A_84 = tpu.vector_load %arg10[%swap3A_82, %swap3A_83] {strides = array<i32>} : memref<8x128xf32, #tpu.memory_space<vmem>>, vector<1x16xf32>,
    %swap3A_85 = vector.shape_cast %swap3A_84 : vector<1x16xf32> to vector<16xf32>
    %swap3A_86 = vector.shape_cast %broadcast_in_dim3A_1 : vector<16xf32> to vector<1x16xf32>
    tpu.vector_store %arg10[%swap3A_82, %swap3A_83], %swap3A_86 {strides = array<i32>} : memref<8x128xf32, #tpu.memory_space<vmem>>, vector<1x16xf32>,
    %swap3A_87 = arith.constant 1 : i32
    %swap3A_88 = arith.index_cast %swap3A_87 : i32 to index
    %swap3A_89 = arith.constant 96 : index
    %swap3A_90 = tpu.vector_load %arg10[%swap3A_88, %swap3A_89] {strides = array<i32>} : memref<8x128xf32, #tpu.memory_space<vmem>>, vector<1x16xf32>,
    %swap3A_91 = vector.shape_cast %swap3A_90 : vector<1x16xf32> to vector<16xf32>
    %swap3A_92 = vector.shape_cast %broadcast_in_dim3A_1 : vector<16xf32> to vector<1x16xf32>
    tpu.vector_store %arg10[%swap3A_88, %swap3A_89], %swap3A_92 {strides = array<i32>} : memref<8x128xf32, #tpu.memory_space<vmem>>, vector<1x16xf32>,
    %swap3A_93 = arith.constant 1 : i32
    %swap3A_94 = arith.index_cast %swap3A_93 : i32 to index
    %swap3A_95 = arith.constant 112 : index
    %swap3A_96 = tpu.vector_load %arg10[%swap3A_94, %swap3A_95] {strides = array<i32>} : memref<8x128xf32, #tpu.memory_space<vmem>>, vector<1x16xf32>,
    %swap3A_97 = vector.shape_cast %swap3A_96 : vector<1x16xf32> to vector<16xf32>
    %swap3A_98 = vector.shape_cast %broadcast_in_dim3A_1 : vector<16xf32> to vector<1x16xf32>
    tpu.vector_store %arg10[%swap3A_94, %swap3A_95], %swap3A_98 {strides = array<i32>} : memref<8x128xf32, #tpu.memory_space<vmem>>, vector<1x16xf32>,
    %swap3A_99 = arith.constant 2 : i32
    %swap3A_100 = arith.index_cast %swap3A_99 : i32 to index
    %swap3A_101 = arith.constant 0 : index
    %swap3A_102 = tpu.vector_load %arg10[%swap3A_100, %swap3A_101] {strides = array<i32>} : memref<8x128xf32, #tpu.memory_space<vmem>>, vector<1x16xf32>,
    %swap3A_103 = vector.shape_cast %swap3A_102 : vector<1x16xf32> to vector<16xf32>
    %swap3A_104 = vector.shape_cast %broadcast_in_dim3A_1 : vector<16xf32> to vector<1x16xf32>
    tpu.vector_store %arg10[%swap3A_100, %swap3A_101], %swap3A_104 {strides = array<i32>} : memref<8x128xf32, #tpu.memory_space<vmem>>, vector<1x16xf32>,
    %swap3A_105 = arith.constant 2 : i32
    %swap3A_106 = arith.index_cast %swap3A_105 : i32 to index
    %swap3A_107 = arith.constant 16 : index
    %swap3A_108 = tpu.vector_load %arg10[%swap3A_106, %swap3A_107] {strides = array<i32>} : memref<8x128xf32, #tpu.memory_space<vmem>>, vector<1x16xf32>,
    %swap3A_109 = vector.shape_cast %swap3A_108 : vector<1x16xf32> to vector<16xf32>
    %swap3A_110 = vector.shape_cast %broadcast_in_dim3A_1 : vector<16xf32> to vector<1x16xf32>
    tpu.vector_store %arg10[%swap3A_106, %swap3A_107], %swap3A_110 {strides = array<i32>} : memref<8x128xf32, #tpu.memory_space<vmem>>, vector<1x16xf32>,
    %swap3A_111 = arith.constant 2 : i32
    %swap3A_112 = arith.index_cast %swap3A_111 : i32 to index
    %swap3A_113 = arith.constant 32 : index
    %swap3A_114 = tpu.vector_load %arg10[%swap3A_112, %swap3A_113] {strides = array<i32>} : memref<8x128xf32, #tpu.memory_space<vmem>>, vector<1x16xf32>,
    %swap3A_115 = vector.shape_cast %swap3A_114 : vector<1x16xf32> to vector<16xf32>
    %swap3A_116 = vector.shape_cast %broadcast_in_dim3A_1 : vector<16xf32> to vector<1x16xf32>
    tpu.vector_store %arg10[%swap3A_112, %swap3A_113], %swap3A_116 {strides = array<i32>} : memref<8x128xf32, #tpu.memory_space<vmem>>, vector<1x16xf32>,
    %swap3A_117 = arith.constant 2 : i32
    %swap3A_118 = arith.index_cast %swap3A_117 : i32 to index
    %swap3A_119 = arith.constant 48 : index
    %swap3A_120 = tpu.vector_load %arg10[%swap3A_118, %swap3A_119] {strides = array<i32>} : memref<8x128xf32, #tpu.memory_space<vmem>>, vector<1x16xf32>,
    %swap3A_121 = vector.shape_cast %swap3A_120 : vector<1x16xf32> to vector<16xf32>
    %swap3A_122 = vector.shape_cast %broadcast_in_dim3A_1 : vector<16xf32> to vector<1x16xf32>
    tpu.vector_store %arg10[%swap3A_118, %swap3A_119], %swap3A_122 {strides = array<i32>} : memref<8x128xf32, #tpu.memory_space<vmem>>, vector<1x16xf32>,
    %swap3A_123 = arith.constant 2 : i32
    %swap3A_124 = arith.index_cast %swap3A_123 : i32 to index
    %swap3A_125 = arith.constant 64 : index
    %swap3A_126 = tpu.vector_load %arg10[%swap3A_124, %swap3A_125] {strides = array<i32>} : memref<8x128xf32, #tpu.memory_space<vmem>>, vector<1x16xf32>,
    %swap3A_127 = vector.shape_cast %swap3A_126 : vector<1x16xf32> to vector<16xf32>
    %swap3A_128 = vector.shape_cast %broadcast_in_dim3A_1 : vector<16xf32> to vector<1x16xf32>
    tpu.vector_store %arg10[%swap3A_124, %swap3A_125], %swap3A_128 {strides = array<i32>} : memref<8x128xf32, #tpu.memory_space<vmem>>, vector<1x16xf32>,
    %swap3A_129 = arith.constant 2 : i32
    %swap3A_130 = arith.index_cast %swap3A_129 : i32 to index
    %swap3A_131 = arith.constant 80 : index
    %swap3A_132 = tpu.vector_load %arg10[%swap3A_130, %swap3A_131] {strides = array<i32>} : memref<8x128xf32, #tpu.memory_space<vmem>>, vector<1x16xf32>,
    %swap3A_133 = vector.shape_cast %swap3A_132 : vector<1x16xf32> to vector<16xf32>
    %swap3A_134 = vector.shape_cast %broadcast_in_dim3A_1 : vector<16xf32> to vector<1x16xf32>
    tpu.vector_store %arg10[%swap3A_130, %swap3A_131], %swap3A_134 {strides = array<i32>} : memref<8x128xf32, #tpu.memory_space<vmem>>, vector<1x16xf32>,
    %swap3A_135 = arith.constant 2 : i32
    %swap3A_136 = arith.index_cast %swap3A_135 : i32 to index
    %swap3A_137 = arith.constant 96 : index
    %swap3A_138 = tpu.vector_load %arg10[%swap3A_136, %swap3A_137] {strides = array<i32>} : memref<8x128xf32, #tpu.memory_space<vmem>>, vector<1x16xf32>,
    %swap3A_139 = vector.shape_cast %swap3A_138 : vector<1x16xf32> to vector<16xf32>
    %swap3A_140 = vector.shape_cast %broadcast_in_dim3A_1 : vector<16xf32> to vector<1x16xf32>
    tpu.vector_store %arg10[%swap3A_136, %swap3A_137], %swap3A_140 {strides = array<i32>} : memref<8x128xf32, #tpu.memory_space<vmem>>, vector<1x16xf32>,
    %swap3A_141 = arith.constant 2 : i32
    %swap3A_142 = arith.index_cast %swap3A_141 : i32 to index
    %swap3A_143 = arith.constant 112 : index
    %swap3A_144 = tpu.vector_load %arg10[%swap3A_142, %swap3A_143] {strides = array<i32>} : memref<8x128xf32, #tpu.memory_space<vmem>>, vector<1x16xf32>,
    %swap3A_145 = vector.shape_cast %swap3A_144 : vector<1x16xf32> to vector<16xf32>
    %swap3A_146 = vector.shape_cast %broadcast_in_dim3A_1 : vector<16xf32> to vector<1x16xf32>
    tpu.vector_store %arg10[%swap3A_142, %swap3A_143], %swap3A_146 {strides = array<i32>} : memref<8x128xf32, #tpu.memory_space<vmem>>, vector<1x16xf32>,
    %swap3A_147 = arith.constant 3 : i32
    %swap3A_148 = arith.index_cast %swap3A_147 : i32 to index
    %swap3A_149 = arith.constant 0 : index
    %swap3A_150 = tpu.vector_load %arg10[%swap3A_148, %swap3A_149] {strides = array<i32>} : memref<8x128xf32, #tpu.memory_space<vmem>>, vector<1x16xf32>,
    %swap3A_151 = vector.shape_cast %swap3A_150 : vector<1x16xf32> to vector<16xf32>
    %swap3A_152 = vector.shape_cast %broadcast_in_dim3A_1 : vector<16xf32> to vector<1x16xf32>
    tpu.vector_store %arg10[%swap3A_148, %swap3A_149], %swap3A_152 {strides = array<i32>} : memref<8x128xf32, #tpu.memory_space<vmem>>, vector<1x16xf32>,
    %swap3A_153 = arith.constant 3 : i32
    %swap3A_154 = arith.index_cast %swap3A_153 : i32 to index
    %swap3A_155 = arith.constant 16 : index
    %swap3A_156 = tpu.vector_load %arg10[%swap3A_154, %swap3A_155] {strides = array<i32>} : memref<8x128xf32, #tpu.memory_space<vmem>>, vector<1x16xf32>,
    %swap3A_157 = vector.shape_cast %swap3A_156 : vector<1x16xf32> to vector<16xf32>
    %swap3A_158 = vector.shape_cast %broadcast_in_dim3A_1 : vector<16xf32> to vector<1x16xf32>
    tpu.vector_store %arg10[%swap3A_154, %swap3A_155], %swap3A_158 {strides = array<i32>} : memref<8x128xf32, #tpu.memory_space<vmem>>, vector<1x16xf32>,
    %swap3A_159 = arith.constant 3 : i32
    %swap3A_160 = arith.index_cast %swap3A_159 : i32 to index
    %swap3A_161 = arith.constant 32 : index
    %swap3A_162 = tpu.vector_load %arg10[%swap3A_160, %swap3A_161] {strides = array<i32>} : memref<8x128xf32, #tpu.memory_space<vmem>>, vector<1x16xf32>,
    %swap3A_163 = vector.shape_cast %swap3A_162 : vector<1x16xf32> to vector<16xf32>
    %swap3A_164 = vector.shape_cast %broadcast_in_dim3A_1 : vector<16xf32> to vector<1x16xf32>
    tpu.vector_store %arg10[%swap3A_160, %swap3A_161], %swap3A_164 {strides = array<i32>} : memref<8x128xf32, #tpu.memory_space<vmem>>, vector<1x16xf32>,
    %swap3A_165 = arith.constant 3 : i32
    %swap3A_166 = arith.index_cast %swap3A_165 : i32 to index
    %swap3A_167 = arith.constant 48 : index
    %swap3A_168 = tpu.vector_load %arg10[%swap3A_166, %swap3A_167] {strides = array<i32>} : memref<8x128xf32, #tpu.memory_space<vmem>>, vector<1x16xf32>,
    %swap3A_169 = vector.shape_cast %swap3A_168 : vector<1x16xf32> to vector<16xf32>
    %swap3A_170 = vector.shape_cast %broadcast_in_dim3A_1 : vector<16xf32> to vector<1x16xf32>
    tpu.vector_store %arg10[%swap3A_166, %swap3A_167], %swap3A_170 {strides = array<i32>} : memref<8x128xf32, #tpu.memory_space<vmem>>, vector<1x16xf32>,
    %swap3A_171 = arith.constant 3 : i32
    %swap3A_172 = arith.index_cast %swap3A_171 : i32 to index
    %swap3A_173 = arith.constant 64 : index
    %swap3A_174 = tpu.vector_load %arg10[%swap3A_172, %swap3A_173] {strides = array<i32>} : memref<8x128xf32, #tpu.memory_space<vmem>>, vector<1x16xf32>,
    %swap3A_175 = vector.shape_cast %swap3A_174 : vector<1x16xf32> to vector<16xf32>
    %swap3A_176 = vector.shape_cast %broadcast_in_dim3A_1 : vector<16xf32> to vector<1x16xf32>
    tpu.vector_store %arg10[%swap3A_172, %swap3A_173], %swap3A_176 {strides = array<i32>} : memref<8x128xf32, #tpu.memory_space<vmem>>, vector<1x16xf32>,
    %swap3A_177 = arith.constant 3 : i32
    %swap3A_178 = arith.index_cast %swap3A_177 : i32 to index
    %swap3A_179 = arith.constant 80 : index
    %swap3A_180 = tpu.vector_load %arg10[%swap3A_178, %swap3A_179] {strides = array<i32>} : memref<8x128xf32, #tpu.memory_space<vmem>>, vector<1x16xf32>,
    %swap3A_181 = vector.shape_cast %swap3A_180 : vector<1x16xf32> to vector<16xf32>
    %swap3A_182 = vector.shape_cast %broadcast_in_dim3A_1 : vector<16xf32> to vector<1x16xf32>
    tpu.vector_store %arg10[%swap3A_178, %swap3A_179], %swap3A_182 {strides = array<i32>} : memref<8x128xf32, #tpu.memory_space<vmem>>, vector<1x16xf32>,
    %swap3A_183 = arith.constant 3 : i32
    %swap3A_184 = arith.index_cast %swap3A_183 : i32 to index
    %swap3A_185 = arith.constant 96 : index
    %swap3A_186 = tpu.vector_load %arg10[%swap3A_184, %swap3A_185] {strides = array<i32>} : memref<8x128xf32, #tpu.memory_space<vmem>>, vector<1x16xf32>,
    %swap3A_187 = vector.shape_cast %swap3A_186 : vector<1x16xf32> to vector<16xf32>
    %swap3A_188 = vector.shape_cast %broadcast_in_dim3A_1 : vector<16xf32> to vector<1x16xf32>
    tpu.vector_store %arg10[%swap3A_184, %swap3A_185], %swap3A_188 {strides = array<i32>} : memref<8x128xf32, #tpu.memory_space<vmem>>, vector<1x16xf32>,
    %swap3A_189 = arith.constant 3 : i32
    %swap3A_190 = arith.index_cast %swap3A_189 : i32 to index
    %swap3A_191 = arith.constant 112 : index
    %swap3A_192 = tpu.vector_load %arg10[%swap3A_190, %swap3A_191] {strides = array<i32>} : memref<8x128xf32, #tpu.memory_space<vmem>>, vector<1x16xf32>,
    %swap3A_193 = vector.shape_cast %swap3A_192 : vector<1x16xf32> to vector<16xf32>
    %swap3A_194 = vector.shape_cast %broadcast_in_dim3A_1 : vector<16xf32> to vector<1x16xf32>
    tpu.vector_store %arg10[%swap3A_190, %swap3A_191], %swap3A_194 {strides = array<i32>} : memref<8x128xf32, #tpu.memory_space<vmem>>, vector<1x16xf32>,
    %swap3A_195 = arith.constant 4 : i32
    %swap3A_196 = arith.index_cast %swap3A_195 : i32 to index
    %swap3A_197 = arith.constant 0 : index
    %swap3A_198 = tpu.vector_load %arg10[%swap3A_196, %swap3A_197] {strides = array<i32>} : memref<8x128xf32, #tpu.memory_space<vmem>>, vector<1x16xf32>,
    %swap3A_199 = vector.shape_cast %swap3A_198 : vector<1x16xf32> to vector<16xf32>
    %swap3A_200 = vector.shape_cast %broadcast_in_dim3A_1 : vector<16xf32> to vector<1x16xf32>
    tpu.vector_store %arg10[%swap3A_196, %swap3A_197], %swap3A_200 {strides = array<i32>} : memref<8x128xf32, #tpu.memory_space<vmem>>, vector<1x16xf32>,
    %swap3A_201 = arith.constant 4 : i32
    %swap3A_202 = arith.index_cast %swap3A_201 : i32 to index
    %swap3A_203 = arith.constant 16 : index
    %swap3A_204 = tpu.vector_load %arg10[%swap3A_202, %swap3A_203] {strides = array<i32>} : memref<8x128xf32, #tpu.memory_space<vmem>>, vector<1x16xf32>,
    %swap3A_205 = vector.shape_cast %swap3A_204 : vector<1x16xf32> to vector<16xf32>
    %swap3A_206 = vector.shape_cast %broadcast_in_dim3A_1 : vector<16xf32> to vector<1x16xf32>
    tpu.vector_store %arg10[%swap3A_202, %swap3A_203], %swap3A_206 {strides = array<i32>} : memref<8x128xf32, #tpu.memory_space<vmem>>, vector<1x16xf32>,
    %swap3A_207 = arith.constant 4 : i32
    %swap3A_208 = arith.index_cast %swap3A_207 : i32 to index
    %swap3A_209 = arith.constant 32 : index
    %swap3A_210 = tpu.vector_load %arg10[%swap3A_208, %swap3A_209] {strides = array<i32>} : memref<8x128xf32, #tpu.memory_space<vmem>>, vector<1x16xf32>,
    %swap3A_211 = vector.shape_cast %swap3A_210 : vector<1x16xf32> to vector<16xf32>
    %swap3A_212 = vector.shape_cast %broadcast_in_dim3A_1 : vector<16xf32> to vector<1x16xf32>
    tpu.vector_store %arg10[%swap3A_208, %swap3A_209], %swap3A_212 {strides = array<i32>} : memref<8x128xf32, #tpu.memory_space<vmem>>, vector<1x16xf32>,
    %swap3A_213 = arith.constant 4 : i32
    %swap3A_214 = arith.index_cast %swap3A_213 : i32 to index
    %swap3A_215 = arith.constant 48 : index
    %swap3A_216 = tpu.vector_load %arg10[%swap3A_214, %swap3A_215] {strides = array<i32>} : memref<8x128xf32, #tpu.memory_space<vmem>>, vector<1x16xf32>,
    %swap3A_217 = vector.shape_cast %swap3A_216 : vector<1x16xf32> to vector<16xf32>
    %swap3A_218 = vector.shape_cast %broadcast_in_dim3A_1 : vector<16xf32> to vector<1x16xf32>
    tpu.vector_store %arg10[%swap3A_214, %swap3A_215], %swap3A_218 {strides = array<i32>} : memref<8x128xf32, #tpu.memory_space<vmem>>, vector<1x16xf32>,
    %swap3A_219 = arith.constant 4 : i32
    %swap3A_220 = arith.index_cast %swap3A_219 : i32 to index
    %swap3A_221 = arith.constant 64 : index
    %swap3A_222 = tpu.vector_load %arg10[%swap3A_220, %swap3A_221] {strides = array<i32>} : memref<8x128xf32, #tpu.memory_space<vmem>>, vector<1x16xf32>,
    %swap3A_223 = vector.shape_cast %swap3A_222 : vector<1x16xf32> to vector<16xf32>
    %swap3A_224 = vector.shape_cast %broadcast_in_dim3A_1 : vector<16xf32> to vector<1x16xf32>
    tpu.vector_store %arg10[%swap3A_220, %swap3A_221], %swap3A_224 {strides = array<i32>} : memref<8x128xf32, #tpu.memory_space<vmem>>, vector<1x16xf32>,
    %swap3A_225 = arith.constant 4 : i32
    %swap3A_226 = arith.index_cast %swap3A_225 : i32 to index
    %swap3A_227 = arith.constant 80 : index
    %swap3A_228 = tpu.vector_load %arg10[%swap3A_226, %swap3A_227] {strides = array<i32>} : memref<8x128xf32, #tpu.memory_space<vmem>>, vector<1x16xf32>,
    %swap3A_229 = vector.shape_cast %swap3A_228 : vector<1x16xf32> to vector<16xf32>
    %swap3A_230 = vector.shape_cast %broadcast_in_dim3A_1 : vector<16xf32> to vector<1x16xf32>
    tpu.vector_store %arg10[%swap3A_226, %swap3A_227], %swap3A_230 {strides = array<i32>} : memref<8x128xf32, #tpu.memory_space<vmem>>, vector<1x16xf32>,
    %swap3A_231 = arith.constant 4 : i32
    %swap3A_232 = arith.index_cast %swap3A_231 : i32 to index
    %swap3A_233 = arith.constant 96 : index
    %swap3A_234 = tpu.vector_load %arg10[%swap3A_232, %swap3A_233] {strides = array<i32>} : memref<8x128xf32, #tpu.memory_space<vmem>>, vector<1x16xf32>,
    %swap3A_235 = vector.shape_cast %swap3A_234 : vector<1x16xf32> to vector<16xf32>
    %swap3A_236 = vector.shape_cast %broadcast_in_dim3A_1 : vector<16xf32> to vector<1x16xf32>
    tpu.vector_store %arg10[%swap3A_232, %swap3A_233], %swap3A_236 {strides = array<i32>} : memref<8x128xf32, #tpu.memory_space<vmem>>, vector<1x16xf32>,
    %swap3A_237 = arith.constant 4 : i32
    %swap3A_238 = arith.index_cast %swap3A_237 : i32 to index
    %swap3A_239 = arith.constant 112 : index
    %swap3A_240 = tpu.vector_load %arg10[%swap3A_238, %swap3A_239] {strides = array<i32>} : memref<8x128xf32, #tpu.memory_space<vmem>>, vector<1x16xf32>,
    %swap3A_241 = vector.shape_cast %swap3A_240 : vector<1x16xf32> to vector<16xf32>
    %swap3A_242 = vector.shape_cast %broadcast_in_dim3A_1 : vector<16xf32> to vector<1x16xf32>
    tpu.vector_store %arg10[%swap3A_238, %swap3A_239], %swap3A_242 {strides = array<i32>} : memref<8x128xf32, #tpu.memory_space<vmem>>, vector<1x16xf32>,
    %swap3A_243 = arith.constant 5 : i32
    %swap3A_244 = arith.index_cast %swap3A_243 : i32 to index
    %swap3A_245 = arith.constant 0 : index
    %swap3A_246 = tpu.vector_load %arg10[%swap3A_244, %swap3A_245] {strides = array<i32>} : memref<8x128xf32, #tpu.memory_space<vmem>>, vector<1x16xf32>,
    %swap3A_247 = vector.shape_cast %swap3A_246 : vector<1x16xf32> to vector<16xf32>
    %swap3A_248 = vector.shape_cast %broadcast_in_dim3A_1 : vector<16xf32> to vector<1x16xf32>
    tpu.vector_store %arg10[%swap3A_244, %swap3A_245], %swap3A_248 {strides = array<i32>} : memref<8x128xf32, #tpu.memory_space<vmem>>, vector<1x16xf32>,
    %swap3A_249 = arith.constant 5 : i32
    %swap3A_250 = arith.index_cast %swap3A_249 : i32 to index
    %swap3A_251 = arith.constant 16 : index
    %swap3A_252 = tpu.vector_load %arg10[%swap3A_250, %swap3A_251] {strides = array<i32>} : memref<8x128xf32, #tpu.memory_space<vmem>>, vector<1x16xf32>,
    %swap3A_253 = vector.shape_cast %swap3A_252 : vector<1x16xf32> to vector<16xf32>
    %swap3A_254 = vector.shape_cast %broadcast_in_dim3A_1 : vector<16xf32> to vector<1x16xf32>
    tpu.vector_store %arg10[%swap3A_250, %swap3A_251], %swap3A_254 {strides = array<i32>} : memref<8x128xf32, #tpu.memory_space<vmem>>, vector<1x16xf32>,
    %swap3A_255 = arith.constant 5 : i32
    %swap3A_256 = arith.index_cast %swap3A_255 : i32 to index
    %swap3A_257 = arith.constant 32 : index
    %swap3A_258 = tpu.vector_load %arg10[%swap3A_256, %swap3A_257] {strides = array<i32>} : memref<8x128xf32, #tpu.memory_space<vmem>>, vector<1x16xf32>,
    %swap3A_259 = vector.shape_cast %swap3A_258 : vector<1x16xf32> to vector<16xf32>
    %swap3A_260 = vector.shape_cast %broadcast_in_dim3A_1 : vector<16xf32> to vector<1x16xf32>
    tpu.vector_store %arg10[%swap3A_256, %swap3A_257], %swap3A_260 {strides = array<i32>} : memref<8x128xf32, #tpu.memory_space<vmem>>, vector<1x16xf32>,
    %swap3A_261 = arith.constant 5 : i32
    %swap3A_262 = arith.index_cast %swap3A_261 : i32 to index
    %swap3A_263 = arith.constant 48 : index
    %swap3A_264 = tpu.vector_load %arg10[%swap3A_262, %swap3A_263] {strides = array<i32>} : memref<8x128xf32, #tpu.memory_space<vmem>>, vector<1x16xf32>,
    %swap3A_265 = vector.shape_cast %swap3A_264 : vector<1x16xf32> to vector<16xf32>
    %swap3A_266 = vector.shape_cast %broadcast_in_dim3A_1 : vector<16xf32> to vector<1x16xf32>
    tpu.vector_store %arg10[%swap3A_262, %swap3A_263], %swap3A_266 {strides = array<i32>} : memref<8x128xf32, #tpu.memory_space<vmem>>, vector<1x16xf32>,
    %swap3A_267 = arith.constant 5 : i32
    %swap3A_268 = arith.index_cast %swap3A_267 : i32 to index
    %swap3A_269 = arith.constant 64 : index
    %swap3A_270 = tpu.vector_load %arg10[%swap3A_268, %swap3A_269] {strides = array<i32>} : memref<8x128xf32, #tpu.memory_space<vmem>>, vector<1x16xf32>,
    %swap3A_271 = vector.shape_cast %swap3A_270 : vector<1x16xf32> to vector<16xf32>
    %swap3A_272 = vector.shape_cast %broadcast_in_dim3A_1 : vector<16xf32> to vector<1x16xf32>
    tpu.vector_store %arg10[%swap3A_268, %swap3A_269], %swap3A_272 {strides = array<i32>} : memref<8x128xf32, #tpu.memory_space<vmem>>, vector<1x16xf32>,
    %swap3A_273 = arith.constant 5 : i32
    %swap3A_274 = arith.index_cast %swap3A_273 : i32 to index
    %swap3A_275 = arith.constant 80 : index
    %swap3A_276 = tpu.vector_load %arg10[%swap3A_274, %swap3A_275] {strides = array<i32>} : memref<8x128xf32, #tpu.memory_space<vmem>>, vector<1x16xf32>,
    %swap3A_277 = vector.shape_cast %swap3A_276 : vector<1x16xf32> to vector<16xf32>
    %swap3A_278 = vector.shape_cast %broadcast_in_dim3A_1 : vector<16xf32> to vector<1x16xf32>
    tpu.vector_store %arg10[%swap3A_274, %swap3A_275], %swap3A_278 {strides = array<i32>} : memref<8x128xf32, #tpu.memory_space<vmem>>, vector<1x16xf32>,
    %swap3A_279 = arith.constant 5 : i32
    %swap3A_280 = arith.index_cast %swap3A_279 : i32 to index
    %swap3A_281 = arith.constant 96 : index
    %swap3A_282 = tpu.vector_load %arg10[%swap3A_280, %swap3A_281] {strides = array<i32>} : memref<8x128xf32, #tpu.memory_space<vmem>>, vector<1x16xf32>,
    %swap3A_283 = vector.shape_cast %swap3A_282 : vector<1x16xf32> to vector<16xf32>
    %swap3A_284 = vector.shape_cast %broadcast_in_dim3A_1 : vector<16xf32> to vector<1x16xf32>
    tpu.vector_store %arg10[%swap3A_280, %swap3A_281], %swap3A_284 {strides = array<i32>} : memref<8x128xf32, #tpu.memory_space<vmem>>, vector<1x16xf32>,
    %swap3A_285 = arith.constant 5 : i32
    %swap3A_286 = arith.index_cast %swap3A_285 : i32 to index
    %swap3A_287 = arith.constant 112 : index
    %swap3A_288 = tpu.vector_load %arg10[%swap3A_286, %swap3A_287] {strides = array<i32>} : memref<8x128xf32, #tpu.memory_space<vmem>>, vector<1x16xf32>,
    %swap3A_289 = vector.shape_cast %swap3A_288 : vector<1x16xf32> to vector<16xf32>
    %swap3A_290 = vector.shape_cast %broadcast_in_dim3A_1 : vector<16xf32> to vector<1x16xf32>
    tpu.vector_store %arg10[%swap3A_286, %swap3A_287], %swap3A_290 {strides = array<i32>} : memref<8x128xf32, #tpu.memory_space<vmem>>, vector<1x16xf32>,
    %swap3A_291 = arith.constant 6 : i32
    %swap3A_292 = arith.index_cast %swap3A_291 : i32 to index
    %swap3A_293 = arith.constant 0 : index
    %swap3A_294 = tpu.vector_load %arg10[%swap3A_292, %swap3A_293] {strides = array<i32>} : memref<8x128xf32, #tpu.memory_space<vmem>>, vector<1x16xf32>,
    %swap3A_295 = vector.shape_cast %swap3A_294 : vector<1x16xf32> to vector<16xf32>
    %swap3A_296 = vector.shape_cast %broadcast_in_dim3A_1 : vector<16xf32> to vector<1x16xf32>
    tpu.vector_store %arg10[%swap3A_292, %swap3A_293], %swap3A_296 {strides = array<i32>} : memref<8x128xf32, #tpu.memory_space<vmem>>, vector<1x16xf32>,
    %swap3A_297 = arith.constant 6 : i32
    %swap3A_298 = arith.index_cast %swap3A_297 : i32 to index
    %swap3A_299 = arith.constant 16 : index
    %swap3A_300 = tpu.vector_load %arg10[%swap3A_298, %swap3A_299] {strides = array<i32>} : memref<8x128xf32, #tpu.memory_space<vmem>>, vector<1x16xf32>,
    %swap3A_301 = vector.shape_cast %swap3A_300 : vector<1x16xf32> to vector<16xf32>
    %swap3A_302 = vector.shape_cast %broadcast_in_dim3A_1 : vector<16xf32> to vector<1x16xf32>
    tpu.vector_store %arg10[%swap3A_298, %swap3A_299], %swap3A_302 {strides = array<i32>} : memref<8x128xf32, #tpu.memory_space<vmem>>, vector<1x16xf32>,
    %swap3A_303 = arith.constant 6 : i32
    %swap3A_304 = arith.index_cast %swap3A_303 : i32 to index
    %swap3A_305 = arith.constant 32 : index
    %swap3A_306 = tpu.vector_load %arg10[%swap3A_304, %swap3A_305] {strides = array<i32>} : memref<8x128xf32, #tpu.memory_space<vmem>>, vector<1x16xf32>,
    %swap3A_307 = vector.shape_cast %swap3A_306 : vector<1x16xf32> to vector<16xf32>
    %swap3A_308 = vector.shape_cast %broadcast_in_dim3A_1 : vector<16xf32> to vector<1x16xf32>
    tpu.vector_store %arg10[%swap3A_304, %swap3A_305], %swap3A_308 {strides = array<i32>} : memref<8x128xf32, #tpu.memory_space<vmem>>, vector<1x16xf32>,
    %swap3A_309 = arith.constant 6 : i32
    %swap3A_310 = arith.index_cast %swap3A_309 : i32 to index
    %swap3A_311 = arith.constant 48 : index
    %swap3A_312 = tpu.vector_load %arg10[%swap3A_310, %swap3A_311] {strides = array<i32>} : memref<8x128xf32, #tpu.memory_space<vmem>>, vector<1x16xf32>,
    %swap3A_313 = vector.shape_cast %swap3A_312 : vector<1x16xf32> to vector<16xf32>
    %swap3A_314 = vector.shape_cast %broadcast_in_dim3A_1 : vector<16xf32> to vector<1x16xf32>
    tpu.vector_store %arg10[%swap3A_310, %swap3A_311], %swap3A_314 {strides = array<i32>} : memref<8x128xf32, #tpu.memory_space<vmem>>, vector<1x16xf32>,
    %swap3A_315 = arith.constant 6 : i32
    %swap3A_316 = arith.index_cast %swap3A_315 : i32 to index
    %swap3A_317 = arith.constant 64 : index
    %swap3A_318 = tpu.vector_load %arg10[%swap3A_316, %swap3A_317] {strides = array<i32>} : memref<8x128xf32, #tpu.memory_space<vmem>>, vector<1x16xf32>,
    %swap3A_319 = vector.shape_cast %swap3A_318 : vector<1x16xf32> to vector<16xf32>
    %swap3A_320 = vector.shape_cast %broadcast_in_dim3A_1 : vector<16xf32> to vector<1x16xf32>
    tpu.vector_store %arg10[%swap3A_316, %swap3A_317], %swap3A_320 {strides = array<i32>} : memref<8x128xf32, #tpu.memory_space<vmem>>, vector<1x16xf32>,
    %swap3A_321 = arith.constant 6 : i32
    %swap3A_322 = arith.index_cast %swap3A_321 : i32 to index
    %swap3A_323 = arith.constant 80 : index
    %swap3A_324 = tpu.vector_load %arg10[%swap3A_322, %swap3A_323] {strides = array<i32>} : memref<8x128xf32, #tpu.memory_space<vmem>>, vector<1x16xf32>,
    %swap3A_325 = vector.shape_cast %swap3A_324 : vector<1x16xf32> to vector<16xf32>
    %swap3A_326 = vector.shape_cast %broadcast_in_dim3A_1 : vector<16xf32> to vector<1x16xf32>
    tpu.vector_store %arg10[%swap3A_322, %swap3A_323], %swap3A_326 {strides = array<i32>} : memref<8x128xf32, #tpu.memory_space<vmem>>, vector<1x16xf32>,
    %swap3A_327 = arith.constant 6 : i32
    %swap3A_328 = arith.index_cast %swap3A_327 : i32 to index
    %swap3A_329 = arith.constant 96 : index
    %swap3A_330 = tpu.vector_load %arg10[%swap3A_328, %swap3A_329] {strides = array<i32>} : memref<8x128xf32, #tpu.memory_space<vmem>>, vector<1x16xf32>,
    %swap3A_331 = vector.shape_cast %swap3A_330 : vector<1x16xf32> to vector<16xf32>
    %swap3A_332 = vector.shape_cast %broadcast_in_dim3A_1 : vector<16xf32> to vector<1x16xf32>
    tpu.vector_store %arg10[%swap3A_328, %swap3A_329], %swap3A_332 {strides = array<i32>} : memref<8x128xf32, #tpu.memory_space<vmem>>, vector<1x16xf32>,
    %swap3A_333 = arith.constant 6 : i32
    %swap3A_334 = arith.index_cast %swap3A_333 : i32 to index
    %swap3A_335 = arith.constant 112 : index
    %swap3A_336 = tpu.vector_load %arg10[%swap3A_334, %swap3A_335] {strides = array<i32>} : memref<8x128xf32, #tpu.memory_space<vmem>>, vector<1x16xf32>,
    %swap3A_337 = vector.shape_cast %swap3A_336 : vector<1x16xf32> to vector<16xf32>
    %swap3A_338 = vector.shape_cast %broadcast_in_dim3A_1 : vector<16xf32> to vector<1x16xf32>
    tpu.vector_store %arg10[%swap3A_334, %swap3A_335], %swap3A_338 {strides = array<i32>} : memref<8x128xf32, #tpu.memory_space<vmem>>, vector<1x16xf32>,
    %swap3A_339 = arith.constant 7 : i32
    %swap3A_340 = arith.index_cast %swap3A_339 : i32 to index
    %swap3A_341 = arith.constant 0 : index
    %swap3A_342 = tpu.vector_load %arg10[%swap3A_340, %swap3A_341] {strides = array<i32>} : memref<8x128xf32, #tpu.memory_space<vmem>>, vector<1x16xf32>,
    %swap3A_343 = vector.shape_cast %swap3A_342 : vector<1x16xf32> to vector<16xf32>
    %swap3A_344 = vector.shape_cast %broadcast_in_dim3A_1 : vector<16xf32> to vector<1x16xf32>
    tpu.vector_store %arg10[%swap3A_340, %swap3A_341], %swap3A_344 {strides = array<i32>} : memref<8x128xf32, #tpu.memory_space<vmem>>, vector<1x16xf32>,
    %swap3A_345 = arith.constant 7 : i32
    %swap3A_346 = arith.index_cast %swap3A_345 : i32 to index
    %swap3A_347 = arith.constant 16 : index
    %swap3A_348 = tpu.vector_load %arg10[%swap3A_346, %swap3A_347] {strides = array<i32>} : memref<8x128xf32, #tpu.memory_space<vmem>>, vector<1x16xf32>,
    %swap3A_349 = vector.shape_cast %swap3A_348 : vector<1x16xf32> to vector<16xf32>
    %swap3A_350 = vector.shape_cast %broadcast_in_dim3A_1 : vector<16xf32> to vector<1x16xf32>
    tpu.vector_store %arg10[%swap3A_346, %swap3A_347], %swap3A_350 {strides = array<i32>} : memref<8x128xf32, #tpu.memory_space<vmem>>, vector<1x16xf32>,
    %swap3A_351 = arith.constant 7 : i32
    %swap3A_352 = arith.index_cast %swap3A_351 : i32 to index
    %swap3A_353 = arith.constant 32 : index
    %swap3A_354 = tpu.vector_load %arg10[%swap3A_352, %swap3A_353] {strides = array<i32>} : memref<8x128xf32, #tpu.memory_space<vmem>>, vector<1x16xf32>,
    %swap3A_355 = vector.shape_cast %swap3A_354 : vector<1x16xf32> to vector<16xf32>
    %swap3A_356 = vector.shape_cast %broadcast_in_dim3A_1 : vector<16xf32> to vector<1x16xf32>
    tpu.vector_store %arg10[%swap3A_352, %swap3A_353], %swap3A_356 {strides = array<i32>} : memref<8x128xf32, #tpu.memory_space<vmem>>, vector<1x16xf32>,
    %swap3A_357 = arith.constant 7 : i32
    %swap3A_358 = arith.index_cast %swap3A_357 : i32 to index
    %swap3A_359 = arith.constant 48 : index
    %swap3A_360 = tpu.vector_load %arg10[%swap3A_358, %swap3A_359] {strides = array<i32>} : memref<8x128xf32, #tpu.memory_space<vmem>>, vector<1x16xf32>,
    %swap3A_361 = vector.shape_cast %swap3A_360 : vector<1x16xf32> to vector<16xf32>
    %swap3A_362 = vector.shape_cast %broadcast_in_dim3A_1 : vector<16xf32> to vector<1x16xf32>
    tpu.vector_store %arg10[%swap3A_358, %swap3A_359], %swap3A_362 {strides = array<i32>} : memref<8x128xf32, #tpu.memory_space<vmem>>, vector<1x16xf32>,
    %swap3A_363 = arith.constant 7 : i32
    %swap3A_364 = arith.index_cast %swap3A_363 : i32 to index
    %swap3A_365 = arith.constant 64 : index
    %swap3A_366 = tpu.vector_load %arg10[%swap3A_364, %swap3A_365] {strides = array<i32>} : memref<8x128xf32, #tpu.memory_space<vmem>>, vector<1x16xf32>,
    %swap3A_367 = vector.shape_cast %swap3A_366 : vector<1x16xf32> to vector<16xf32>
    %swap3A_368 = vector.shape_cast %broadcast_in_dim3A_1 : vector<16xf32> to vector<1x16xf32>
    tpu.vector_store %arg10[%swap3A_364, %swap3A_365], %swap3A_368 {strides = array<i32>} : memref<8x128xf32, #tpu.memory_space<vmem>>, vector<1x16xf32>,
    %swap3A_369 = arith.constant 7 : i32
    %swap3A_370 = arith.index_cast %swap3A_369 : i32 to index
    %swap3A_371 = arith.constant 80 : index
    %swap3A_372 = tpu.vector_load %arg10[%swap3A_370, %swap3A_371] {strides = array<i32>} : memref<8x128xf32, #tpu.memory_space<vmem>>, vector<1x16xf32>,
    %swap3A_373 = vector.shape_cast %swap3A_372 : vector<1x16xf32> to vector<16xf32>
    %swap3A_374 = vector.shape_cast %broadcast_in_dim3A_1 : vector<16xf32> to vector<1x16xf32>
    tpu.vector_store %arg10[%swap3A_370, %swap3A_371], %swap3A_374 {strides = array<i32>} : memref<8x128xf32, #tpu.memory_space<vmem>>, vector<1x16xf32>,
    %swap3A_375 = arith.constant 7 : i32
    %swap3A_376 = arith.index_cast %swap3A_375 : i32 to index
    %swap3A_377 = arith.constant 96 : index
    %swap3A_378 = tpu.vector_load %arg10[%swap3A_376, %swap3A_377] {strides = array<i32>} : memref<8x128xf32, #tpu.memory_space<vmem>>, vector<1x16xf32>,
    %swap3A_379 = vector.shape_cast %swap3A_378 : vector<1x16xf32> to vector<16xf32>
    %swap3A_380 = vector.shape_cast %broadcast_in_dim3A_1 : vector<16xf32> to vector<1x16xf32>
    tpu.vector_store %arg10[%swap3A_376, %swap3A_377], %swap3A_380 {strides = array<i32>} : memref<8x128xf32, #tpu.memory_space<vmem>>, vector<1x16xf32>,
    %swap3A_381 = arith.constant 7 : i32
    %swap3A_382 = arith.index_cast %swap3A_381 : i32 to index
    %swap3A_383 = arith.constant 112 : index
    %swap3A_384 = tpu.vector_load %arg10[%swap3A_382, %swap3A_383] {strides = array<i32>} : memref<8x128xf32, #tpu.memory_space<vmem>>, vector<1x16xf32>,
    %swap3A_385 = vector.shape_cast %swap3A_384 : vector<1x16xf32> to vector<16xf32>
    %swap3A_386 = vector.shape_cast %broadcast_in_dim3A_1 : vector<16xf32> to vector<1x16xf32>
    tpu.vector_store %arg10[%swap3A_382, %swap3A_383], %swap3A_386 {strides = array<i32>} : memref<8x128xf32, #tpu.memory_space<vmem>>, vector<1x16xf32>,
    %swap3A_387 = arith.constant 0 : index
    %swap3A_388 = tpu.vector_load %arg9[%swap3A_387] {strides = array<i32>} : memref<128xf32, #tpu.memory_space<vmem>>, vector<16xf32>,
    %swap3A_389 = vector.shape_cast %swap3A_388 : vector<16xf32> to vector<16xf32>
    %swap3A_390 = vector.shape_cast %broadcast_in_dim3A_3 : vector<16xf32> to vector<16xf32>
    tpu.vector_store %arg9[%swap3A_387], %swap3A_390 {strides = array<i32>} : memref<128xf32, #tpu.memory_space<vmem>>, vector<16xf32>,
    %swap3A_391 = arith.constant 16 : index
    %swap3A_392 = tpu.vector_load %arg9[%swap3A_391] {strides = array<i32>} : memref<128xf32, #tpu.memory_space<vmem>>, vector<16xf32>,
    %swap3A_393 = vector.shape_cast %swap3A_392 : vector<16xf32> to vector<16xf32>
    %swap3A_394 = vector.shape_cast %broadcast_in_dim3A_3 : vector<16xf32> to vector<16xf32>
    tpu.vector_store %arg9[%swap3A_391], %swap3A_394 {strides = array<i32>} : memref<128xf32, #tpu.memory_space<vmem>>, vector<16xf32>,
    %swap3A_395 = arith.constant 32 : index
    %swap3A_396 = tpu.vector_load %arg9[%swap3A_395] {strides = array<i32>} : memref<128xf32, #tpu.memory_space<vmem>>, vector<16xf32>,
    %swap3A_397 = vector.shape_cast %swap3A_396 : vector<16xf32> to vector<16xf32>
    %swap3A_398 = vector.shape_cast %broadcast_in_dim3A_3 : vector<16xf32> to vector<16xf32>
    tpu.vector_store %arg9[%swap3A_395], %swap3A_398 {strides = array<i32>} : memref<128xf32, #tpu.memory_space<vmem>>, vector<16xf32>,
    %swap3A_399 = arith.constant 48 : index
    %swap3A_400 = tpu.vector_load %arg9[%swap3A_399] {strides = array<i32>} : memref<128xf32, #tpu.memory_space<vmem>>, vector<16xf32>,
    %swap3A_401 = vector.shape_cast %swap3A_400 : vector<16xf32> to vector<16xf32>
    %swap3A_402 = vector.shape_cast %broadcast_in_dim3A_3 : vector<16xf32> to vector<16xf32>
    tpu.vector_store %arg9[%swap3A_399], %swap3A_402 {strides = array<i32>} : memref<128xf32, #tpu.memory_space<vmem>>, vector<16xf32>,
    %swap3A_403 = arith.constant 64 : index
    %swap3A_404 = tpu.vector_load %arg9[%swap3A_403] {strides = array<i32>} : memref<128xf32, #tpu.memory_space<vmem>>, vector<16xf32>,
    %swap3A_405 = vector.shape_cast %swap3A_404 : vector<16xf32> to vector<16xf32>
    %swap3A_406 = vector.shape_cast %broadcast_in_dim3A_3 : vector<16xf32> to vector<16xf32>
    tpu.vector_store %arg9[%swap3A_403], %swap3A_406 {strides = array<i32>} : memref<128xf32, #tpu.memory_space<vmem>>, vector<16xf32>,
    %swap3A_407 = arith.constant 80 : index
    %swap3A_408 = tpu.vector_load %arg9[%swap3A_407] {strides = array<i32>} : memref<128xf32, #tpu.memory_space<vmem>>, vector<16xf32>,
    %swap3A_409 = vector.shape_cast %swap3A_408 : vector<16xf32> to vector<16xf32>
    %swap3A_410 = vector.shape_cast %broadcast_in_dim3A_3 : vector<16xf32> to vector<16xf32>
    tpu.vector_store %arg9[%swap3A_407], %swap3A_410 {strides = array<i32>} : memref<128xf32, #tpu.memory_space<vmem>>, vector<16xf32>,
    %swap3A_411 = arith.constant 96 : index
    %swap3A_412 = tpu.vector_load %arg9[%swap3A_411] {strides = array<i32>} : memref<128xf32, #tpu.memory_space<vmem>>, vector<16xf32>,
    %swap3A_413 = vector.shape_cast %swap3A_412 : vector<16xf32> to vector<16xf32>
    %swap3A_414 = vector.shape_cast %broadcast_in_dim3A_3 : vector<16xf32> to vector<16xf32>
    tpu.vector_store %arg9[%swap3A_411], %swap3A_414 {strides = array<i32>} : memref<128xf32, #tpu.memory_space<vmem>>, vector<16xf32>,
    %swap3A_415 = arith.constant 112 : index
    %swap3A_416 = tpu.vector_load %arg9[%swap3A_415] {strides = array<i32>} : memref<128xf32, #tpu.memory_space<vmem>>, vector<16xf32>,
    %swap3A_417 = vector.shape_cast %swap3A_416 : vector<16xf32> to vector<16xf32>
    %swap3A_418 = vector.shape_cast %broadcast_in_dim3A_3 : vector<16xf32> to vector<16xf32>
    tpu.vector_store %arg9[%swap3A_415], %swap3A_418 {strides = array<i32>} : memref<128xf32, #tpu.memory_space<vmem>>, vector<16xf32>,
    %mul3A_419 = arith.constant 40 : i32
    %mul3A_420 = arith.muli %add3A, %mul3A_419 : i32
    "tpu.region"() ({
      %run_scoped3A_529 = tpu.sem_alloc : memref<!tpu.dma_semaphore, #tpu.memory_space<semaphore_mem>>
      %dma_start3A_530 = arith.constant 0 : i32
      %dma_start3A_531 = arith.constant 0 : i32
      %dma_start3A_532 = tpu.memref_slice %arg7[%dma_start3A_530, %dma_start3A_531] : memref<40x128xi32, #tpu.memory_space<vmem>> -> memref<40x128xi32, #tpu.memory_space<vmem>>
      %dma_start3A_533 = arith.constant 0 : i32
      %dma_start3A_534 = tpu.memref_slice %arg3[%mul3A_420, %dma_start3A_533] : memref<1280x128xi32, #tpu.memory_space<hbm>> -> memref<40x128xi32, #tpu.memory_space<hbm>>
      %dma_start3A_535 = arith.constant 0 : i32
      %dma_start3A_536 = arith.constant 0 : i32
      %dma_start3A_537 = tpu.memref_slice %arg7[%dma_start3A_535, %dma_start3A_536] : memref<40x128xi32, #tpu.memory_space<vmem>> -> memref<40x128xi32, #tpu.memory_space<vmem>>
      %dma_start3A_538 = arith.constant 0 : i32
      %dma_start3A_539 = tpu.memref_slice %arg3[%mul3A_420, %dma_start3A_538] : memref<1280x128xi32, #tpu.memory_space<hbm>> -> memref<40x128xi32, #tpu.memory_space<hbm>>
      tpu.enqueue_dma source(%dma_start3A_539 : memref<40x128xi32, #tpu.memory_space<hbm>>) target(%dma_start3A_537 : memref<40x128xi32, #tpu.memory_space<vmem>>) target_semaphore(%run_scoped3A_529 : memref<!tpu.dma_semaphore, #tpu.memory_space<semaphore_mem>>)
      %dma_wait3A_540 = arith.constant 0 : i32
      %dma_wait3A_541 = arith.constant 0 : i32
      %dma_wait3A_542 = tpu.memref_slice %arg7[%dma_wait3A_540, %dma_wait3A_541] : memref<40x128xi32, #tpu.memory_space<vmem>> -> memref<40x128xi32, #tpu.memory_space<vmem>>
      %dma_wait3A_543 = arith.constant 0 : i32
      %dma_wait3A_544 = tpu.memref_slice %arg3[%mul3A_420, %dma_wait3A_543] : memref<1280x128xi32, #tpu.memory_space<hbm>> -> memref<40x128xi32, #tpu.memory_space<hbm>>
      %dma_wait3A_545 = arith.constant 0 : i32
      %dma_wait3A_546 = arith.constant 0 : i32
      %dma_wait3A_547 = tpu.memref_slice %arg7[%dma_wait3A_545, %dma_wait3A_546] : memref<40x128xi32, #tpu.memory_space<vmem>> -> memref<40x128xi32, #tpu.memory_space<vmem>>
      %dma_wait3A_548 = arith.constant 0 : i32
      %dma_wait3A_549 = tpu.memref_slice %arg3[%mul3A_420, %dma_wait3A_548] : memref<1280x128xi32, #tpu.memory_space<hbm>> -> memref<40x128xi32, #tpu.memory_space<hbm>>
      tpu.wait_dma2 semaphore(%run_scoped3A_529 : memref<!tpu.dma_semaphore, #tpu.memory_space<semaphore_mem>>) src(%dma_wait3A_549 : memref<40x128xi32, #tpu.memory_space<hbm>>) dst(%dma_wait3A_547 : memref<40x128xi32, #tpu.memory_space<vmem>>)
      tpu.yield
    }) : () -> ()
    %mul3A_421 = arith.constant 40 : i32
    %mul3A_422 = arith.muli %add3A, %mul3A_421 : i32
    "tpu.region"() ({
      %run_scoped3A_529 = tpu.sem_alloc : memref<!tpu.dma_semaphore, #tpu.memory_space<semaphore_mem>>
      %dma_start3A_530 = arith.constant 0 : i32
      %dma_start3A_531 = arith.constant 0 : i32
      %dma_start3A_532 = tpu.memref_slice %arg8[%dma_start3A_530, %dma_start3A_531] : memref<40x128xi32, #tpu.memory_space<vmem>> -> memref<40x128xi32, #tpu.memory_space<vmem>>
      %dma_start3A_533 = arith.constant 0 : i32
      %dma_start3A_534 = tpu.memref_slice %arg4[%mul3A_422, %dma_start3A_533] : memref<1280x128xi32, #tpu.memory_space<hbm>> -> memref<40x128xi32, #tpu.memory_space<hbm>>
      %dma_start3A_535 = arith.constant 0 : i32
      %dma_start3A_536 = arith.constant 0 : i32
      %dma_start3A_537 = tpu.memref_slice %arg8[%dma_start3A_535, %dma_start3A_536] : memref<40x128xi32, #tpu.memory_space<vmem>> -> memref<40x128xi32, #tpu.memory_space<vmem>>
      %dma_start3A_538 = arith.constant 0 : i32
      %dma_start3A_539 = tpu.memref_slice %arg4[%mul3A_422, %dma_start3A_538] : memref<1280x128xi32, #tpu.memory_space<hbm>> -> memref<40x128xi32, #tpu.memory_space<hbm>>
      tpu.enqueue_dma source(%dma_start3A_539 : memref<40x128xi32, #tpu.memory_space<hbm>>) target(%dma_start3A_537 : memref<40x128xi32, #tpu.memory_space<vmem>>) target_semaphore(%run_scoped3A_529 : memref<!tpu.dma_semaphore, #tpu.memory_space<semaphore_mem>>)
      %dma_wait3A_540 = arith.constant 0 : i32
      %dma_wait3A_541 = arith.constant 0 : i32
      %dma_wait3A_542 = tpu.memref_slice %arg8[%dma_wait3A_540, %dma_wait3A_541] : memref<40x128xi32, #tpu.memory_space<vmem>> -> memref<40x128xi32, #tpu.memory_space<vmem>>
      %dma_wait3A_543 = arith.constant 0 : i32
      %dma_wait3A_544 = tpu.memref_slice %arg4[%mul3A_422, %dma_wait3A_543] : memref<1280x128xi32, #tpu.memory_space<hbm>> -> memref<40x128xi32, #tpu.memory_space<hbm>>
      %dma_wait3A_545 = arith.constant 0 : i32
      %dma_wait3A_546 = arith.constant 0 : i32
      %dma_wait3A_547 = tpu.memref_slice %arg8[%dma_wait3A_545, %dma_wait3A_546] : memref<40x128xi32, #tpu.memory_space<vmem>> -> memref<40x128xi32, #tpu.memory_space<vmem>>
      %dma_wait3A_548 = arith.constant 0 : i32
      %dma_wait3A_549 = tpu.memref_slice %arg4[%mul3A_422, %dma_wait3A_548] : memref<1280x128xi32, #tpu.memory_space<hbm>> -> memref<40x128xi32, #tpu.memory_space<hbm>>
      tpu.wait_dma2 semaphore(%run_scoped3A_529 : memref<!tpu.dma_semaphore, #tpu.memory_space<semaphore_mem>>) src(%dma_wait3A_549 : memref<40x128xi32, #tpu.memory_space<hbm>>) dst(%dma_wait3A_547 : memref<40x128xi32, #tpu.memory_space<vmem>>)
      tpu.yield
    }) : () -> ()
    %mul3A_423 = arith.constant 640 : i32
    %mul3A_424 = arith.muli %arg1, %mul3A_423 : i32
    %scan3A = arith.constant 0 : i32
    %scan3A_425 = arith.constant 0 : i32
    %scan3A_426 = arith.constant 80 : i32
    %scan3A_427 = arith.addi %scan3A_425, %scan3A_426 : i32
    %scan3A_428 = arith.constant 1 : i32
    scf.for %scan3A_529 = %scan3A_425 to %scan3A_427 step %scan3A_428  : i32 {
      %mul3A_530 = arith.constant 8 : i32
      %mul3A_531 = arith.muli %scan3A_529, %mul3A_530 : i32
      %add3A_532 = arith.addi %mul3A_424, %mul3A_531 : i32
      "tpu.region"() ({
        %run_scoped3A_533 = tpu.sem_alloc : memref<!tpu.dma_semaphore, #tpu.memory_space<semaphore_mem>>
        %dma_start3A_534 = arith.constant 0 : i32
        %dma_start3A_535 = tpu.memref_slice %arg11[%add3A_532, %dma_start3A_534] : memref<10240x128xf32, #tpu.memory_space<vmem_shared>> -> memref<8x128xf32, #tpu.memory_space<vmem_shared>>
        %dma_start3A_536 = arith.constant 0 : i32
        %dma_start3A_537 = tpu.memref_slice %arg11[%add3A_532, %dma_start3A_536] : memref<10240x128xf32, #tpu.memory_space<vmem_shared>> -> memref<8x128xf32, #tpu.memory_space<vmem_shared>>
        tpu.enqueue_dma source(%arg10 : memref<8x128xf32, #tpu.memory_space<vmem>>) target(%dma_start3A_537 : memref<8x128xf32, #tpu.memory_space<vmem_shared>>) target_semaphore(%run_scoped3A_533 : memref<!tpu.dma_semaphore, #tpu.memory_space<semaphore_mem>>)
        %dma_wait3A_538 = arith.constant 0 : i32
        %dma_wait3A_539 = tpu.memref_slice %arg11[%add3A_532, %dma_wait3A_538] : memref<10240x128xf32, #tpu.memory_space<vmem_shared>> -> memref<8x128xf32, #tpu.memory_space<vmem_shared>>
        %dma_wait3A_540 = arith.constant 0 : i32
        %dma_wait3A_541 = tpu.memref_slice %arg11[%add3A_532, %dma_wait3A_540] : memref<10240x128xf32, #tpu.memory_space<vmem_shared>> -> memref<8x128xf32, #tpu.memory_space<vmem_shared>>
        tpu.wait_dma2 semaphore(%run_scoped3A_533 : memref<!tpu.dma_semaphore, #tpu.memory_space<semaphore_mem>>) src(%arg10 : memref<8x128xf32, #tpu.memory_space<vmem>>) dst(%dma_wait3A_541 : memref<8x128xf32, #tpu.memory_space<vmem_shared>>)
        tpu.yield
      }) : () -> ()
    }
    %scan3A_429 = arith.constant 80 : i32
    %add3A_430 = arith.constant 0 : i32
    %add3A_431 = arith.addi %mul3A_424, %add3A_430 : i32
    %run_scoped3A = arith.constant 0 : i32
    "tpu.region"() ({
      %run_scoped3A_529 = tpu.sem_alloc : memref<!tpu.dma_semaphore, #tpu.memory_space<semaphore_mem>>
      %dma_start3A_530 = arith.constant 0 : i32
      %dma_start3A_531 = tpu.memref_slice %arg10[%run_scoped3A, %dma_start3A_530] : memref<8x128xf32, #tpu.memory_space<vmem>> -> memref<1x128xf32, #tpu.memory_space<vmem>>
      %dma_start3A_532 = tpu.memref_squeeze %dma_start3A_531 : memref<1x128xf32, #tpu.memory_space<vmem>> -> memref<128xf32, #tpu.memory_space<vmem>>
      %dma_start3A_533 = tpu.memref_slice %arg12[%add3A_431] : memref<10240xf32, #tpu.memory_space<vmem_shared>> -> memref<128xf32, #tpu.memory_space<vmem_shared>>
      %dma_start3A_534 = tpu.memref_slice %arg12[%add3A_431] : memref<10240xf32, #tpu.memory_space<vmem_shared>> -> memref<128xf32, #tpu.memory_space<vmem_shared>>
      %dma_start3A_535 = arith.constant 0 : i32
      %dma_start3A_536 = tpu.memref_slice %arg10[%run_scoped3A, %dma_start3A_535] : memref<8x128xf32, #tpu.memory_space<vmem>> -> memref<1x128xf32, #tpu.memory_space<vmem>>
      %dma_start3A_537 = tpu.memref_squeeze %dma_start3A_536 : memref<1x128xf32, #tpu.memory_space<vmem>> -> memref<128xf32, #tpu.memory_space<vmem>>
      tpu.enqueue_dma source(%dma_start3A_537 : memref<128xf32, #tpu.memory_space<vmem>>) target(%dma_start3A_534 : memref<128xf32, #tpu.memory_space<vmem_shared>>) target_semaphore(%run_scoped3A_529 : memref<!tpu.dma_semaphore, #tpu.memory_space<semaphore_mem>>)
      %dma_wait3A_538 = arith.constant 0 : i32
      %dma_wait3A_539 = tpu.memref_slice %arg10[%run_scoped3A, %dma_wait3A_538] : memref<8x128xf32, #tpu.memory_space<vmem>> -> memref<1x128xf32, #tpu.memory_space<vmem>>
      %dma_wait3A_540 = tpu.memref_squeeze %dma_wait3A_539 : memref<1x128xf32, #tpu.memory_space<vmem>> -> memref<128xf32, #tpu.memory_space<vmem>>
      %dma_wait3A_541 = tpu.memref_slice %arg12[%add3A_431] : memref<10240xf32, #tpu.memory_space<vmem_shared>> -> memref<128xf32, #tpu.memory_space<vmem_shared>>
      %dma_wait3A_542 = tpu.memref_slice %arg12[%add3A_431] : memref<10240xf32, #tpu.memory_space<vmem_shared>> -> memref<128xf32, #tpu.memory_space<vmem_shared>>
      %dma_wait3A_543 = arith.constant 0 : i32
      %dma_wait3A_544 = tpu.memref_slice %arg10[%run_scoped3A, %dma_wait3A_543] : memref<8x128xf32, #tpu.memory_space<vmem>> -> memref<1x128xf32, #tpu.memory_space<vmem>>
      %dma_wait3A_545 = tpu.memref_squeeze %dma_wait3A_544 : memref<1x128xf32, #tpu.memory_space<vmem>> -> memref<128xf32, #tpu.memory_space<vmem>>
      tpu.wait_dma2 semaphore(%run_scoped3A_529 : memref<!tpu.dma_semaphore, #tpu.memory_space<semaphore_mem>>) src(%dma_wait3A_545 : memref<128xf32, #tpu.memory_space<vmem>>) dst(%dma_wait3A_542 : memref<128xf32, #tpu.memory_space<vmem_shared>>)
      tpu.yield
    }) : () -> ()
    %add3A_432 = arith.constant 128 : i32
    %add3A_433 = arith.addi %mul3A_424, %add3A_432 : i32
    %run_scoped3A_434 = arith.constant 0 : i32
    "tpu.region"() ({
      %run_scoped3A_529 = tpu.sem_alloc : memref<!tpu.dma_semaphore, #tpu.memory_space<semaphore_mem>>
      %dma_start3A_530 = arith.constant 0 : i32
      %dma_start3A_531 = tpu.memref_slice %arg10[%run_scoped3A_434, %dma_start3A_530] : memref<8x128xf32, #tpu.memory_space<vmem>> -> memref<1x128xf32, #tpu.memory_space<vmem>>
      %dma_start3A_532 = tpu.memref_squeeze %dma_start3A_531 : memref<1x128xf32, #tpu.memory_space<vmem>> -> memref<128xf32, #tpu.memory_space<vmem>>
      %dma_start3A_533 = tpu.memref_slice %arg12[%add3A_433] : memref<10240xf32, #tpu.memory_space<vmem_shared>> -> memref<128xf32, #tpu.memory_space<vmem_shared>>
      %dma_start3A_534 = tpu.memref_slice %arg12[%add3A_433] : memref<10240xf32, #tpu.memory_space<vmem_shared>> -> memref<128xf32, #tpu.memory_space<vmem_shared>>
      %dma_start3A_535 = arith.constant 0 : i32
      %dma_start3A_536 = tpu.memref_slice %arg10[%run_scoped3A_434, %dma_start3A_535] : memref<8x128xf32, #tpu.memory_space<vmem>> -> memref<1x128xf32, #tpu.memory_space<vmem>>
      %dma_start3A_537 = tpu.memref_squeeze %dma_start3A_536 : memref<1x128xf32, #tpu.memory_space<vmem>> -> memref<128xf32, #tpu.memory_space<vmem>>
      tpu.enqueue_dma source(%dma_start3A_537 : memref<128xf32, #tpu.memory_space<vmem>>) target(%dma_start3A_534 : memref<128xf32, #tpu.memory_space<vmem_shared>>) target_semaphore(%run_scoped3A_529 : memref<!tpu.dma_semaphore, #tpu.memory_space<semaphore_mem>>)
      %dma_wait3A_538 = arith.constant 0 : i32
      %dma_wait3A_539 = tpu.memref_slice %arg10[%run_scoped3A_434, %dma_wait3A_538] : memref<8x128xf32, #tpu.memory_space<vmem>> -> memref<1x128xf32, #tpu.memory_space<vmem>>
      %dma_wait3A_540 = tpu.memref_squeeze %dma_wait3A_539 : memref<1x128xf32, #tpu.memory_space<vmem>> -> memref<128xf32, #tpu.memory_space<vmem>>
      %dma_wait3A_541 = tpu.memref_slice %arg12[%add3A_433] : memref<10240xf32, #tpu.memory_space<vmem_shared>> -> memref<128xf32, #tpu.memory_space<vmem_shared>>
      %dma_wait3A_542 = tpu.memref_slice %arg12[%add3A_433] : memref<10240xf32, #tpu.memory_space<vmem_shared>> -> memref<128xf32, #tpu.memory_space<vmem_shared>>
      %dma_wait3A_543 = arith.constant 0 : i32
      %dma_wait3A_544 = tpu.memref_slice %arg10[%run_scoped3A_434, %dma_wait3A_543] : memref<8x128xf32, #tpu.memory_space<vmem>> -> memref<1x128xf32, #tpu.memory_space<vmem>>
      %dma_wait3A_545 = tpu.memref_squeeze %dma_wait3A_544 : memref<1x128xf32, #tpu.memory_space<vmem>> -> memref<128xf32, #tpu.memory_space<vmem>>
      tpu.wait_dma2 semaphore(%run_scoped3A_529 : memref<!tpu.dma_semaphore, #tpu.memory_space<semaphore_mem>>) src(%dma_wait3A_545 : memref<128xf32, #tpu.memory_space<vmem>>) dst(%dma_wait3A_542 : memref<128xf32, #tpu.memory_space<vmem_shared>>)
      tpu.yield
    }) : () -> ()
    %add3A_435 = arith.constant 256 : i32
    %add3A_436 = arith.addi %mul3A_424, %add3A_435 : i32
    %run_scoped3A_437 = arith.constant 0 : i32
    "tpu.region"() ({
      %run_scoped3A_529 = tpu.sem_alloc : memref<!tpu.dma_semaphore, #tpu.memory_space<semaphore_mem>>
      %dma_start3A_530 = arith.constant 0 : i32
      %dma_start3A_531 = tpu.memref_slice %arg10[%run_scoped3A_437, %dma_start3A_530] : memref<8x128xf32, #tpu.memory_space<vmem>> -> memref<1x128xf32, #tpu.memory_space<vmem>>
      %dma_start3A_532 = tpu.memref_squeeze %dma_start3A_531 : memref<1x128xf32, #tpu.memory_space<vmem>> -> memref<128xf32, #tpu.memory_space<vmem>>
      %dma_start3A_533 = tpu.memref_slice %arg12[%add3A_436] : memref<10240xf32, #tpu.memory_space<vmem_shared>> -> memref<128xf32, #tpu.memory_space<vmem_shared>>
      %dma_start3A_534 = tpu.memref_slice %arg12[%add3A_436] : memref<10240xf32, #tpu.memory_space<vmem_shared>> -> memref<128xf32, #tpu.memory_space<vmem_shared>>
      %dma_start3A_535 = arith.constant 0 : i32
      %dma_start3A_536 = tpu.memref_slice %arg10[%run_scoped3A_437, %dma_start3A_535] : memref<8x128xf32, #tpu.memory_space<vmem>> -> memref<1x128xf32, #tpu.memory_space<vmem>>
      %dma_start3A_537 = tpu.memref_squeeze %dma_start3A_536 : memref<1x128xf32, #tpu.memory_space<vmem>> -> memref<128xf32, #tpu.memory_space<vmem>>
      tpu.enqueue_dma source(%dma_start3A_537 : memref<128xf32, #tpu.memory_space<vmem>>) target(%dma_start3A_534 : memref<128xf32, #tpu.memory_space<vmem_shared>>) target_semaphore(%run_scoped3A_529 : memref<!tpu.dma_semaphore, #tpu.memory_space<semaphore_mem>>)
      %dma_wait3A_538 = arith.constant 0 : i32
      %dma_wait3A_539 = tpu.memref_slice %arg10[%run_scoped3A_437, %dma_wait3A_538] : memref<8x128xf32, #tpu.memory_space<vmem>> -> memref<1x128xf32, #tpu.memory_space<vmem>>
      %dma_wait3A_540 = tpu.memref_squeeze %dma_wait3A_539 : memref<1x128xf32, #tpu.memory_space<vmem>> -> memref<128xf32, #tpu.memory_space<vmem>>
      %dma_wait3A_541 = tpu.memref_slice %arg12[%add3A_436] : memref<10240xf32, #tpu.memory_space<vmem_shared>> -> memref<128xf32, #tpu.memory_space<vmem_shared>>
      %dma_wait3A_542 = tpu.memref_slice %arg12[%add3A_436] : memref<10240xf32, #tpu.memory_space<vmem_shared>> -> memref<128xf32, #tpu.memory_space<vmem_shared>>
      %dma_wait3A_543 = arith.constant 0 : i32
      %dma_wait3A_544 = tpu.memref_slice %arg10[%run_scoped3A_437, %dma_wait3A_543] : memref<8x128xf32, #tpu.memory_space<vmem>> -> memref<1x128xf32, #tpu.memory_space<vmem>>
      %dma_wait3A_545 = tpu.memref_squeeze %dma_wait3A_544 : memref<1x128xf32, #tpu.memory_space<vmem>> -> memref<128xf32, #tpu.memory_space<vmem>>
      tpu.wait_dma2 semaphore(%run_scoped3A_529 : memref<!tpu.dma_semaphore, #tpu.memory_space<semaphore_mem>>) src(%dma_wait3A_545 : memref<128xf32, #tpu.memory_space<vmem>>) dst(%dma_wait3A_542 : memref<128xf32, #tpu.memory_space<vmem_shared>>)
      tpu.yield
    }) : () -> ()
    %add3A_438 = arith.constant 384 : i32
    %add3A_439 = arith.addi %mul3A_424, %add3A_438 : i32
    %run_scoped3A_440 = arith.constant 0 : i32
    "tpu.region"() ({
      %run_scoped3A_529 = tpu.sem_alloc : memref<!tpu.dma_semaphore, #tpu.memory_space<semaphore_mem>>
      %dma_start3A_530 = arith.constant 0 : i32
      %dma_start3A_531 = tpu.memref_slice %arg10[%run_scoped3A_440, %dma_start3A_530] : memref<8x128xf32, #tpu.memory_space<vmem>> -> memref<1x128xf32, #tpu.memory_space<vmem>>
      %dma_start3A_532 = tpu.memref_squeeze %dma_start3A_531 : memref<1x128xf32, #tpu.memory_space<vmem>> -> memref<128xf32, #tpu.memory_space<vmem>>
      %dma_start3A_533 = tpu.memref_slice %arg12[%add3A_439] : memref<10240xf32, #tpu.memory_space<vmem_shared>> -> memref<128xf32, #tpu.memory_space<vmem_shared>>
      %dma_start3A_534 = tpu.memref_slice %arg12[%add3A_439] : memref<10240xf32, #tpu.memory_space<vmem_shared>> -> memref<128xf32, #tpu.memory_space<vmem_shared>>
      %dma_start3A_535 = arith.constant 0 : i32
      %dma_start3A_536 = tpu.memref_slice %arg10[%run_scoped3A_440, %dma_start3A_535] : memref<8x128xf32, #tpu.memory_space<vmem>> -> memref<1x128xf32, #tpu.memory_space<vmem>>
      %dma_start3A_537 = tpu.memref_squeeze %dma_start3A_536 : memref<1x128xf32, #tpu.memory_space<vmem>> -> memref<128xf32, #tpu.memory_space<vmem>>
      tpu.enqueue_dma source(%dma_start3A_537 : memref<128xf32, #tpu.memory_space<vmem>>) target(%dma_start3A_534 : memref<128xf32, #tpu.memory_space<vmem_shared>>) target_semaphore(%run_scoped3A_529 : memref<!tpu.dma_semaphore, #tpu.memory_space<semaphore_mem>>)
      %dma_wait3A_538 = arith.constant 0 : i32
      %dma_wait3A_539 = tpu.memref_slice %arg10[%run_scoped3A_440, %dma_wait3A_538] : memref<8x128xf32, #tpu.memory_space<vmem>> -> memref<1x128xf32, #tpu.memory_space<vmem>>
      %dma_wait3A_540 = tpu.memref_squeeze %dma_wait3A_539 : memref<1x128xf32, #tpu.memory_space<vmem>> -> memref<128xf32, #tpu.memory_space<vmem>>
      %dma_wait3A_541 = tpu.memref_slice %arg12[%add3A_439] : memref<10240xf32, #tpu.memory_space<vmem_shared>> -> memref<128xf32, #tpu.memory_space<vmem_shared>>
      %dma_wait3A_542 = tpu.memref_slice %arg12[%add3A_439] : memref<10240xf32, #tpu.memory_space<vmem_shared>> -> memref<128xf32, #tpu.memory_space<vmem_shared>>
      %dma_wait3A_543 = arith.constant 0 : i32
      %dma_wait3A_544 = tpu.memref_slice %arg10[%run_scoped3A_440, %dma_wait3A_543] : memref<8x128xf32, #tpu.memory_space<vmem>> -> memref<1x128xf32, #tpu.memory_space<vmem>>
      %dma_wait3A_545 = tpu.memref_squeeze %dma_wait3A_544 : memref<1x128xf32, #tpu.memory_space<vmem>> -> memref<128xf32, #tpu.memory_space<vmem>>
      tpu.wait_dma2 semaphore(%run_scoped3A_529 : memref<!tpu.dma_semaphore, #tpu.memory_space<semaphore_mem>>) src(%dma_wait3A_545 : memref<128xf32, #tpu.memory_space<vmem>>) dst(%dma_wait3A_542 : memref<128xf32, #tpu.memory_space<vmem_shared>>)
      tpu.yield
    }) : () -> ()
    %add3A_441 = arith.constant 512 : i32
    %add3A_442 = arith.addi %mul3A_424, %add3A_441 : i32
    %run_scoped3A_443 = arith.constant 0 : i32
    "tpu.region"() ({
      %run_scoped3A_529 = tpu.sem_alloc : memref<!tpu.dma_semaphore, #tpu.memory_space<semaphore_mem>>
      %dma_start3A_530 = arith.constant 0 : i32
      %dma_start3A_531 = tpu.memref_slice %arg10[%run_scoped3A_443, %dma_start3A_530] : memref<8x128xf32, #tpu.memory_space<vmem>> -> memref<1x128xf32, #tpu.memory_space<vmem>>
      %dma_start3A_532 = tpu.memref_squeeze %dma_start3A_531 : memref<1x128xf32, #tpu.memory_space<vmem>> -> memref<128xf32, #tpu.memory_space<vmem>>
      %dma_start3A_533 = tpu.memref_slice %arg12[%add3A_442] : memref<10240xf32, #tpu.memory_space<vmem_shared>> -> memref<128xf32, #tpu.memory_space<vmem_shared>>
      %dma_start3A_534 = tpu.memref_slice %arg12[%add3A_442] : memref<10240xf32, #tpu.memory_space<vmem_shared>> -> memref<128xf32, #tpu.memory_space<vmem_shared>>
      %dma_start3A_535 = arith.constant 0 : i32
      %dma_start3A_536 = tpu.memref_slice %arg10[%run_scoped3A_443, %dma_start3A_535] : memref<8x128xf32, #tpu.memory_space<vmem>> -> memref<1x128xf32, #tpu.memory_space<vmem>>
      %dma_start3A_537 = tpu.memref_squeeze %dma_start3A_536 : memref<1x128xf32, #tpu.memory_space<vmem>> -> memref<128xf32, #tpu.memory_space<vmem>>
      tpu.enqueue_dma source(%dma_start3A_537 : memref<128xf32, #tpu.memory_space<vmem>>) target(%dma_start3A_534 : memref<128xf32, #tpu.memory_space<vmem_shared>>) target_semaphore(%run_scoped3A_529 : memref<!tpu.dma_semaphore, #tpu.memory_space<semaphore_mem>>)
      %dma_wait3A_538 = arith.constant 0 : i32
      %dma_wait3A_539 = tpu.memref_slice %arg10[%run_scoped3A_443, %dma_wait3A_538] : memref<8x128xf32, #tpu.memory_space<vmem>> -> memref<1x128xf32, #tpu.memory_space<vmem>>
      %dma_wait3A_540 = tpu.memref_squeeze %dma_wait3A_539 : memref<1x128xf32, #tpu.memory_space<vmem>> -> memref<128xf32, #tpu.memory_space<vmem>>
      %dma_wait3A_541 = tpu.memref_slice %arg12[%add3A_442] : memref<10240xf32, #tpu.memory_space<vmem_shared>> -> memref<128xf32, #tpu.memory_space<vmem_shared>>
      %dma_wait3A_542 = tpu.memref_slice %arg12[%add3A_442] : memref<10240xf32, #tpu.memory_space<vmem_shared>> -> memref<128xf32, #tpu.memory_space<vmem_shared>>
      %dma_wait3A_543 = arith.constant 0 : i32
      %dma_wait3A_544 = tpu.memref_slice %arg10[%run_scoped3A_443, %dma_wait3A_543] : memref<8x128xf32, #tpu.memory_space<vmem>> -> memref<1x128xf32, #tpu.memory_space<vmem>>
      %dma_wait3A_545 = tpu.memref_squeeze %dma_wait3A_544 : memref<1x128xf32, #tpu.memory_space<vmem>> -> memref<128xf32, #tpu.memory_space<vmem>>
      tpu.wait_dma2 semaphore(%run_scoped3A_529 : memref<!tpu.dma_semaphore, #tpu.memory_space<semaphore_mem>>) src(%dma_wait3A_545 : memref<128xf32, #tpu.memory_space<vmem>>) dst(%dma_wait3A_542 : memref<128xf32, #tpu.memory_space<vmem_shared>>)
      tpu.yield
    }) : () -> ()
    %barrier3A = arith.constant 0 : index
    tpu.barrier barrier_id(%barrier3A)
    %dma_start3A = arith.constant 0 : i32
    %dma_start3A_444 = arith.constant 0 : i32
    %dma_start3A_445 = tpu.memref_slice %arg7[%dma_start3A, %dma_start3A_444] : memref<40x128xi32, #tpu.memory_space<vmem>> -> memref<1x128xi32, #tpu.memory_space<vmem>>
    %dma_start3A_446 = tpu.memref_squeeze %dma_start3A_445 : memref<1x128xi32, #tpu.memory_space<vmem>> -> memref<128xi32, #tpu.memory_space<vmem>>
    %dma_start3A_447 = arith.constant 0 : i32
    %dma_start3A_448 = arith.constant 0 : i32
    %dma_start3A_449 = tpu.memref_slice %arg2[%dma_start3A_447, %dma_start3A_448] : memref<10000x128xf32, #tpu.memory_space<hbm>> -> memref<10000x128xf32, #tpu.memory_space<hbm>>
    tpu.enqueue_indirect_dma source(%dma_start3A_449 : memref<10000x128xf32, #tpu.memory_space<hbm>>) target(%arg13 : memref<128x128xf32, #tpu.memory_space<vmem>>) offsets(%dma_start3A_446 : memref<128xi32, #tpu.memory_space<vmem>>) semaphore(%arg15 : memref<!tpu.dma_semaphore, #tpu.memory_space<semaphore_mem>>)
    %dma_start3A_450 = arith.constant 1 : i32
    %dma_start3A_451 = arith.constant 0 : i32
    %dma_start3A_452 = tpu.memref_slice %arg7[%dma_start3A_450, %dma_start3A_451] : memref<40x128xi32, #tpu.memory_space<vmem>> -> memref<1x128xi32, #tpu.memory_space<vmem>>
    %dma_start3A_453 = tpu.memref_squeeze %dma_start3A_452 : memref<1x128xi32, #tpu.memory_space<vmem>> -> memref<128xi32, #tpu.memory_space<vmem>>
    %dma_start3A_454 = arith.constant 0 : i32
    %dma_start3A_455 = arith.constant 0 : i32
    %dma_start3A_456 = tpu.memref_slice %arg2[%dma_start3A_454, %dma_start3A_455] : memref<10000x128xf32, #tpu.memory_space<hbm>> -> memref<10000x128xf32, #tpu.memory_space<hbm>>
    tpu.enqueue_indirect_dma source(%dma_start3A_456 : memref<10000x128xf32, #tpu.memory_space<hbm>>) target(%arg14 : memref<128x128xf32, #tpu.memory_space<vmem>>) offsets(%dma_start3A_453 : memref<128xi32, #tpu.memory_space<vmem>>) semaphore(%arg16 : memref<!tpu.dma_semaphore, #tpu.memory_space<semaphore_mem>>)
    %scan3A_457 = arith.constant 0 : i32
    %scan3A_458 = arith.constant 0 : i32
    %scan3A_459 = arith.constant 19 : i32
    %scan3A_460 = arith.addi %scan3A_458, %scan3A_459 : i32
    %scan3A_461 = arith.constant 1 : i32
    scf.for %scan3A_529 = %scan3A_458 to %scan3A_460 step %scan3A_461  : i32 {
      %mul3A_530 = arith.constant 2 : i32
      %mul3A_531 = arith.muli %scan3A_529, %mul3A_530 : i32
      %add3A_532 = arith.constant 0 : i32
      %add3A_533 = arith.addi %mul3A_531, %add3A_532 : i32
      %dma_wait3A_534 = arith.constant 0 : i32
      %dma_wait3A_535 = tpu.memref_slice %arg7[%add3A_533, %dma_wait3A_534] : memref<40x128xi32, #tpu.memory_space<vmem>> -> memref<1x128xi32, #tpu.memory_space<vmem>>
      %dma_wait3A_536 = tpu.memref_squeeze %dma_wait3A_535 : memref<1x128xi32, #tpu.memory_space<vmem>> -> memref<128xi32, #tpu.memory_space<vmem>>
      %dma_wait3A_537 = arith.constant 0 : i32
      %dma_wait3A_538 = arith.constant 0 : i32
      %dma_wait3A_539 = tpu.memref_slice %arg2[%dma_wait3A_537, %dma_wait3A_538] : memref<10000x128xf32, #tpu.memory_space<hbm>> -> memref<10000x128xf32, #tpu.memory_space<hbm>>
      tpu.wait_indirect_dma semaphore(%arg15 : memref<!tpu.dma_semaphore, #tpu.memory_space<semaphore_mem>>) src(%dma_wait3A_539 : memref<10000x128xf32, #tpu.memory_space<hbm>>) dst(%arg13 : memref<128x128xf32, #tpu.memory_space<vmem>>)
      %add3A_540 = arith.constant 0 : i32
      %add3A_541 = arith.addi %mul3A_531, %add3A_540 : i32
      %dma_start3A_542 = arith.constant 0 : i32
      %dma_start3A_543 = tpu.memref_slice %arg8[%add3A_541, %dma_start3A_542] : memref<40x128xi32, #tpu.memory_space<vmem>> -> memref<1x128xi32, #tpu.memory_space<vmem>>
      %dma_start3A_544 = tpu.memref_squeeze %dma_start3A_543 : memref<1x128xi32, #tpu.memory_space<vmem>> -> memref<128xi32, #tpu.memory_space<vmem>>
      %dma_start3A_545 = arith.constant 0 : i32
      %dma_start3A_546 = arith.constant 0 : i32
      %dma_start3A_547 = tpu.memref_slice %arg11[%dma_start3A_545, %dma_start3A_546] : memref<10240x128xf32, #tpu.memory_space<vmem_shared>> -> memref<10240x128xf32, #tpu.memory_space<vmem_shared>>
      tpu.enqueue_indirect_dma source(%arg13 : memref<128x128xf32, #tpu.memory_space<vmem>>) target(%dma_start3A_547 : memref<10240x128xf32, #tpu.memory_space<vmem_shared>>) offsets(%dma_start3A_544 : memref<128xi32, #tpu.memory_space<vmem>>) semaphore(%arg17 : memref<!tpu.dma_semaphore, #tpu.memory_space<semaphore_mem>>) {add = true}
      %add3A_548 = arith.constant 0 : i32
      %add3A_549 = arith.addi %mul3A_531, %add3A_548 : i32
      %dma_start3A_550 = arith.constant 0 : i32
      %dma_start3A_551 = tpu.memref_slice %arg8[%add3A_549, %dma_start3A_550] : memref<40x128xi32, #tpu.memory_space<vmem>> -> memref<1x128xi32, #tpu.memory_space<vmem>>
      %dma_start3A_552 = tpu.memref_squeeze %dma_start3A_551 : memref<1x128xi32, #tpu.memory_space<vmem>> -> memref<128xi32, #tpu.memory_space<vmem>>
      %dma_start3A_553 = arith.constant 0 : i32
      %dma_start3A_554 = tpu.memref_slice %arg12[%dma_start3A_553] : memref<10240xf32, #tpu.memory_space<vmem_shared>> -> memref<10240xf32, #tpu.memory_space<vmem_shared>>
      tpu.enqueue_indirect_dma source(%arg9 : memref<128xf32, #tpu.memory_space<vmem>>) target(%dma_start3A_554 : memref<10240xf32, #tpu.memory_space<vmem_shared>>) offsets(%dma_start3A_552 : memref<128xi32, #tpu.memory_space<vmem>>) semaphore(%arg19 : memref<!tpu.dma_semaphore, #tpu.memory_space<semaphore_mem>>) {add = true}
      %add3A_555 = arith.constant 1 : i32
      %add3A_556 = arith.addi %mul3A_531, %add3A_555 : i32
      %dma_wait3A_557 = arith.constant 0 : i32
      %dma_wait3A_558 = tpu.memref_slice %arg7[%add3A_556, %dma_wait3A_557] : memref<40x128xi32, #tpu.memory_space<vmem>> -> memref<1x128xi32, #tpu.memory_space<vmem>>
      %dma_wait3A_559 = tpu.memref_squeeze %dma_wait3A_558 : memref<1x128xi32, #tpu.memory_space<vmem>> -> memref<128xi32, #tpu.memory_space<vmem>>
      %dma_wait3A_560 = arith.constant 0 : i32
      %dma_wait3A_561 = arith.constant 0 : i32
      %dma_wait3A_562 = tpu.memref_slice %arg2[%dma_wait3A_560, %dma_wait3A_561] : memref<10000x128xf32, #tpu.memory_space<hbm>> -> memref<10000x128xf32, #tpu.memory_space<hbm>>
      tpu.wait_indirect_dma semaphore(%arg16 : memref<!tpu.dma_semaphore, #tpu.memory_space<semaphore_mem>>) src(%dma_wait3A_562 : memref<10000x128xf32, #tpu.memory_space<hbm>>) dst(%arg14 : memref<128x128xf32, #tpu.memory_space<vmem>>)
      %add3A_563 = arith.constant 1 : i32
      %add3A_564 = arith.addi %mul3A_531, %add3A_563 : i32
      %dma_start3A_565 = arith.constant 0 : i32
      %dma_start3A_566 = tpu.memref_slice %arg8[%add3A_564, %dma_start3A_565] : memref<40x128xi32, #tpu.memory_space<vmem>> -> memref<1x128xi32, #tpu.memory_space<vmem>>
      %dma_start3A_567 = tpu.memref_squeeze %dma_start3A_566 : memref<1x128xi32, #tpu.memory_space<vmem>> -> memref<128xi32, #tpu.memory_space<vmem>>
      %dma_start3A_568 = arith.constant 0 : i32
      %dma_start3A_569 = arith.constant 0 : i32
      %dma_start3A_570 = tpu.memref_slice %arg11[%dma_start3A_568, %dma_start3A_569] : memref<10240x128xf32, #tpu.memory_space<vmem_shared>> -> memref<10240x128xf32, #tpu.memory_space<vmem_shared>>
      tpu.enqueue_indirect_dma source(%arg14 : memref<128x128xf32, #tpu.memory_space<vmem>>) target(%dma_start3A_570 : memref<10240x128xf32, #tpu.memory_space<vmem_shared>>) offsets(%dma_start3A_567 : memref<128xi32, #tpu.memory_space<vmem>>) semaphore(%arg18 : memref<!tpu.dma_semaphore, #tpu.memory_space<semaphore_mem>>) {add = true}
      %add3A_571 = arith.constant 1 : i32
      %add3A_572 = arith.addi %mul3A_531, %add3A_571 : i32
      %dma_start3A_573 = arith.constant 0 : i32
      %dma_start3A_574 = tpu.memref_slice %arg8[%add3A_572, %dma_start3A_573] : memref<40x128xi32, #tpu.memory_space<vmem>> -> memref<1x128xi32, #tpu.memory_space<vmem>>
      %dma_start3A_575 = tpu.memref_squeeze %dma_start3A_574 : memref<1x128xi32, #tpu.memory_space<vmem>> -> memref<128xi32, #tpu.memory_space<vmem>>
      %dma_start3A_576 = arith.constant 0 : i32
      %dma_start3A_577 = tpu.memref_slice %arg12[%dma_start3A_576] : memref<10240xf32, #tpu.memory_space<vmem_shared>> -> memref<10240xf32, #tpu.memory_space<vmem_shared>>
      tpu.enqueue_indirect_dma source(%arg9 : memref<128xf32, #tpu.memory_space<vmem>>) target(%dma_start3A_577 : memref<10240xf32, #tpu.memory_space<vmem_shared>>) offsets(%dma_start3A_575 : memref<128xi32, #tpu.memory_space<vmem>>) semaphore(%arg20 : memref<!tpu.dma_semaphore, #tpu.memory_space<semaphore_mem>>) {add = true}
      %add3A_578 = arith.constant 2 : i32
      %add3A_579 = arith.addi %mul3A_531, %add3A_578 : i32
      %add3A_580 = arith.constant 0 : i32
      %add3A_581 = arith.addi %add3A_579, %add3A_580 : i32
      %add3A_582 = arith.constant 0 : i32
      %add3A_583 = arith.addi %mul3A_531, %add3A_582 : i32
      %dma_wait3A_584 = arith.constant 0 : i32
      %dma_wait3A_585 = tpu.memref_slice %arg8[%add3A_583, %dma_wait3A_584] : memref<40x128xi32, #tpu.memory_space<vmem>> -> memref<1x128xi32, #tpu.memory_space<vmem>>
      %dma_wait3A_586 = tpu.memref_squeeze %dma_wait3A_585 : memref<1x128xi32, #tpu.memory_space<vmem>> -> memref<128xi32, #tpu.memory_space<vmem>>
      %dma_wait3A_587 = arith.constant 0 : i32
      %dma_wait3A_588 = arith.constant 0 : i32
      %dma_wait3A_589 = tpu.memref_slice %arg11[%dma_wait3A_587, %dma_wait3A_588] : memref<10240x128xf32, #tpu.memory_space<vmem_shared>> -> memref<10240x128xf32, #tpu.memory_space<vmem_shared>>
      tpu.wait_indirect_dma semaphore(%arg17 : memref<!tpu.dma_semaphore, #tpu.memory_space<semaphore_mem>>) src(%arg13 : memref<128x128xf32, #tpu.memory_space<vmem>>) dst(%dma_wait3A_589 : memref<10240x128xf32, #tpu.memory_space<vmem_shared>>)
      %add3A_590 = arith.constant 0 : i32
      %add3A_591 = arith.addi %mul3A_531, %add3A_590 : i32
      %dma_wait3A_592 = arith.constant 0 : i32
      %dma_wait3A_593 = tpu.memref_slice %arg8[%add3A_591, %dma_wait3A_592] : memref<40x128xi32, #tpu.memory_space<vmem>> -> memref<1x128xi32, #tpu.memory_space<vmem>>
      %dma_wait3A_594 = tpu.memref_squeeze %dma_wait3A_593 : memref<1x128xi32, #tpu.memory_space<vmem>> -> memref<128xi32, #tpu.memory_space<vmem>>
      %dma_wait3A_595 = arith.constant 0 : i32
      %dma_wait3A_596 = tpu.memref_slice %arg12[%dma_wait3A_595] : memref<10240xf32, #tpu.memory_space<vmem_shared>> -> memref<10240xf32, #tpu.memory_space<vmem_shared>>
      tpu.wait_indirect_dma semaphore(%arg19 : memref<!tpu.dma_semaphore, #tpu.memory_space<semaphore_mem>>) src(%arg9 : memref<128xf32, #tpu.memory_space<vmem>>) dst(%dma_wait3A_596 : memref<10240xf32, #tpu.memory_space<vmem_shared>>)
      %dma_start3A_597 = arith.constant 0 : i32
      %dma_start3A_598 = tpu.memref_slice %arg7[%add3A_581, %dma_start3A_597] : memref<40x128xi32, #tpu.memory_space<vmem>> -> memref<1x128xi32, #tpu.memory_space<vmem>>
      %dma_start3A_599 = tpu.memref_squeeze %dma_start3A_598 : memref<1x128xi32, #tpu.memory_space<vmem>> -> memref<128xi32, #tpu.memory_space<vmem>>
      %dma_start3A_600 = arith.constant 0 : i32
      %dma_start3A_601 = arith.constant 0 : i32
      %dma_start3A_602 = tpu.memref_slice %arg2[%dma_start3A_600, %dma_start3A_601] : memref<10000x128xf32, #tpu.memory_space<hbm>> -> memref<10000x128xf32, #tpu.memory_space<hbm>>
      tpu.enqueue_indirect_dma source(%dma_start3A_602 : memref<10000x128xf32, #tpu.memory_space<hbm>>) target(%arg13 : memref<128x128xf32, #tpu.memory_space<vmem>>) offsets(%dma_start3A_599 : memref<128xi32, #tpu.memory_space<vmem>>) semaphore(%arg15 : memref<!tpu.dma_semaphore, #tpu.memory_space<semaphore_mem>>)
      %add3A_603 = arith.constant 2 : i32
      %add3A_604 = arith.addi %mul3A_531, %add3A_603 : i32
      %add3A_605 = arith.constant 1 : i32
      %add3A_606 = arith.addi %add3A_604, %add3A_605 : i32
      %add3A_607 = arith.constant 1 : i32
      %add3A_608 = arith.addi %mul3A_531, %add3A_607 : i32
      %dma_wait3A_609 = arith.constant 0 : i32
      %dma_wait3A_610 = tpu.memref_slice %arg8[%add3A_608, %dma_wait3A_609] : memref<40x128xi32, #tpu.memory_space<vmem>> -> memref<1x128xi32, #tpu.memory_space<vmem>>
      %dma_wait3A_611 = tpu.memref_squeeze %dma_wait3A_610 : memref<1x128xi32, #tpu.memory_space<vmem>> -> memref<128xi32, #tpu.memory_space<vmem>>
      %dma_wait3A_612 = arith.constant 0 : i32
      %dma_wait3A_613 = arith.constant 0 : i32
      %dma_wait3A_614 = tpu.memref_slice %arg11[%dma_wait3A_612, %dma_wait3A_613] : memref<10240x128xf32, #tpu.memory_space<vmem_shared>> -> memref<10240x128xf32, #tpu.memory_space<vmem_shared>>
      tpu.wait_indirect_dma semaphore(%arg18 : memref<!tpu.dma_semaphore, #tpu.memory_space<semaphore_mem>>) src(%arg14 : memref<128x128xf32, #tpu.memory_space<vmem>>) dst(%dma_wait3A_614 : memref<10240x128xf32, #tpu.memory_space<vmem_shared>>)
      %add3A_615 = arith.constant 1 : i32
      %add3A_616 = arith.addi %mul3A_531, %add3A_615 : i32
      %dma_wait3A_617 = arith.constant 0 : i32
      %dma_wait3A_618 = tpu.memref_slice %arg8[%add3A_616, %dma_wait3A_617] : memref<40x128xi32, #tpu.memory_space<vmem>> -> memref<1x128xi32, #tpu.memory_space<vmem>>
      %dma_wait3A_619 = tpu.memref_squeeze %dma_wait3A_618 : memref<1x128xi32, #tpu.memory_space<vmem>> -> memref<128xi32, #tpu.memory_space<vmem>>
      %dma_wait3A_620 = arith.constant 0 : i32
      %dma_wait3A_621 = tpu.memref_slice %arg12[%dma_wait3A_620] : memref<10240xf32, #tpu.memory_space<vmem_shared>> -> memref<10240xf32, #tpu.memory_space<vmem_shared>>
      tpu.wait_indirect_dma semaphore(%arg20 : memref<!tpu.dma_semaphore, #tpu.memory_space<semaphore_mem>>) src(%arg9 : memref<128xf32, #tpu.memory_space<vmem>>) dst(%dma_wait3A_621 : memref<10240xf32, #tpu.memory_space<vmem_shared>>)
      %dma_start3A_622 = arith.constant 0 : i32
      %dma_start3A_623 = tpu.memref_slice %arg7[%add3A_606, %dma_start3A_622] : memref<40x128xi32, #tpu.memory_space<vmem>> -> memref<1x128xi32, #tpu.memory_space<vmem>>
      %dma_start3A_624 = tpu.memref_squeeze %dma_start3A_623 : memref<1x128xi32, #tpu.memory_space<vmem>> -> memref<128xi32, #tpu.memory_space<vmem>>
      %dma_start3A_625 = arith.constant 0 : i32
      %dma_start3A_626 = arith.constant 0 : i32
      %dma_start3A_627 = tpu.memref_slice %arg2[%dma_start3A_625, %dma_start3A_626] : memref<10000x128xf32, #tpu.memory_space<hbm>> -> memref<10000x128xf32, #tpu.memory_space<hbm>>
      tpu.enqueue_indirect_dma source(%dma_start3A_627 : memref<10000x128xf32, #tpu.memory_space<hbm>>) target(%arg14 : memref<128x128xf32, #tpu.memory_space<vmem>>) offsets(%dma_start3A_624 : memref<128xi32, #tpu.memory_space<vmem>>) semaphore(%arg16 : memref<!tpu.dma_semaphore, #tpu.memory_space<semaphore_mem>>)
    }
    %scan3A_462 = arith.constant 19 : i32
    %dma_wait3A = arith.constant 38 : i32
    %dma_wait3A_463 = arith.constant 0 : i32
    %dma_wait3A_464 = tpu.memref_slice %arg7[%dma_wait3A, %dma_wait3A_463] : memref<40x128xi32, #tpu.memory_space<vmem>> -> memref<1x128xi32, #tpu.memory_space<vmem>>
    %dma_wait3A_465 = tpu.memref_squeeze %dma_wait3A_464 : memref<1x128xi32, #tpu.memory_space<vmem>> -> memref<128xi32, #tpu.memory_space<vmem>>
    %dma_wait3A_466 = arith.constant 0 : i32
    %dma_wait3A_467 = arith.constant 0 : i32
    %dma_wait3A_468 = tpu.memref_slice %arg2[%dma_wait3A_466, %dma_wait3A_467] : memref<10000x128xf32, #tpu.memory_space<hbm>> -> memref<10000x128xf32, #tpu.memory_space<hbm>>
    tpu.wait_indirect_dma semaphore(%arg15 : memref<!tpu.dma_semaphore, #tpu.memory_space<semaphore_mem>>) src(%dma_wait3A_468 : memref<10000x128xf32, #tpu.memory_space<hbm>>) dst(%arg13 : memref<128x128xf32, #tpu.memory_space<vmem>>)
    %dma_start3A_469 = arith.constant 38 : i32
    %dma_start3A_470 = arith.constant 0 : i32
    %dma_start3A_471 = tpu.memref_slice %arg8[%dma_start3A_469, %dma_start3A_470] : memref<40x128xi32, #tpu.memory_space<vmem>> -> memref<1x128xi32, #tpu.memory_space<vmem>>
    %dma_start3A_472 = tpu.memref_squeeze %dma_start3A_471 : memref<1x128xi32, #tpu.memory_space<vmem>> -> memref<128xi32, #tpu.memory_space<vmem>>
    %dma_start3A_473 = arith.constant 0 : i32
    %dma_start3A_474 = arith.constant 0 : i32
    %dma_start3A_475 = tpu.memref_slice %arg11[%dma_start3A_473, %dma_start3A_474] : memref<10240x128xf32, #tpu.memory_space<vmem_shared>> -> memref<10240x128xf32, #tpu.memory_space<vmem_shared>>
    tpu.enqueue_indirect_dma source(%arg13 : memref<128x128xf32, #tpu.memory_space<vmem>>) target(%dma_start3A_475 : memref<10240x128xf32, #tpu.memory_space<vmem_shared>>) offsets(%dma_start3A_472 : memref<128xi32, #tpu.memory_space<vmem>>) semaphore(%arg17 : memref<!tpu.dma_semaphore, #tpu.memory_space<semaphore_mem>>) {add = true}
    %dma_start3A_476 = arith.constant 38 : i32
    %dma_start3A_477 = arith.constant 0 : i32
    %dma_start3A_478 = tpu.memref_slice %arg8[%dma_start3A_476, %dma_start3A_477] : memref<40x128xi32, #tpu.memory_space<vmem>> -> memref<1x128xi32, #tpu.memory_space<vmem>>
    %dma_start3A_479 = tpu.memref_squeeze %dma_start3A_478 : memref<1x128xi32, #tpu.memory_space<vmem>> -> memref<128xi32, #tpu.memory_space<vmem>>
    %dma_start3A_480 = arith.constant 0 : i32
    %dma_start3A_481 = tpu.memref_slice %arg12[%dma_start3A_480] : memref<10240xf32, #tpu.memory_space<vmem_shared>> -> memref<10240xf32, #tpu.memory_space<vmem_shared>>
    tpu.enqueue_indirect_dma source(%arg9 : memref<128xf32, #tpu.memory_space<vmem>>) target(%dma_start3A_481 : memref<10240xf32, #tpu.memory_space<vmem_shared>>) offsets(%dma_start3A_479 : memref<128xi32, #tpu.memory_space<vmem>>) semaphore(%arg19 : memref<!tpu.dma_semaphore, #tpu.memory_space<semaphore_mem>>) {add = true}
    %dma_wait3A_482 = arith.constant 39 : i32
    %dma_wait3A_483 = arith.constant 0 : i32
    %dma_wait3A_484 = tpu.memref_slice %arg7[%dma_wait3A_482, %dma_wait3A_483] : memref<40x128xi32, #tpu.memory_space<vmem>> -> memref<1x128xi32, #tpu.memory_space<vmem>>
    %dma_wait3A_485 = tpu.memref_squeeze %dma_wait3A_484 : memref<1x128xi32, #tpu.memory_space<vmem>> -> memref<128xi32, #tpu.memory_space<vmem>>
    %dma_wait3A_486 = arith.constant 0 : i32
    %dma_wait3A_487 = arith.constant 0 : i32
    %dma_wait3A_488 = tpu.memref_slice %arg2[%dma_wait3A_486, %dma_wait3A_487] : memref<10000x128xf32, #tpu.memory_space<hbm>> -> memref<10000x128xf32, #tpu.memory_space<hbm>>
    tpu.wait_indirect_dma semaphore(%arg16 : memref<!tpu.dma_semaphore, #tpu.memory_space<semaphore_mem>>) src(%dma_wait3A_488 : memref<10000x128xf32, #tpu.memory_space<hbm>>) dst(%arg14 : memref<128x128xf32, #tpu.memory_space<vmem>>)
    %dma_start3A_489 = arith.constant 39 : i32
    %dma_start3A_490 = arith.constant 0 : i32
    %dma_start3A_491 = tpu.memref_slice %arg8[%dma_start3A_489, %dma_start3A_490] : memref<40x128xi32, #tpu.memory_space<vmem>> -> memref<1x128xi32, #tpu.memory_space<vmem>>
    %dma_start3A_492 = tpu.memref_squeeze %dma_start3A_491 : memref<1x128xi32, #tpu.memory_space<vmem>> -> memref<128xi32, #tpu.memory_space<vmem>>
    %dma_start3A_493 = arith.constant 0 : i32
    %dma_start3A_494 = arith.constant 0 : i32
    %dma_start3A_495 = tpu.memref_slice %arg11[%dma_start3A_493, %dma_start3A_494] : memref<10240x128xf32, #tpu.memory_space<vmem_shared>> -> memref<10240x128xf32, #tpu.memory_space<vmem_shared>>
    tpu.enqueue_indirect_dma source(%arg14 : memref<128x128xf32, #tpu.memory_space<vmem>>) target(%dma_start3A_495 : memref<10240x128xf32, #tpu.memory_space<vmem_shared>>) offsets(%dma_start3A_492 : memref<128xi32, #tpu.memory_space<vmem>>) semaphore(%arg18 : memref<!tpu.dma_semaphore, #tpu.memory_space<semaphore_mem>>) {add = true}
    %dma_start3A_496 = arith.constant 39 : i32
    %dma_start3A_497 = arith.constant 0 : i32
    %dma_start3A_498 = tpu.memref_slice %arg8[%dma_start3A_496, %dma_start3A_497] : memref<40x128xi32, #tpu.memory_space<vmem>> -> memref<1x128xi32, #tpu.memory_space<vmem>>
    %dma_start3A_499 = tpu.memref_squeeze %dma_start3A_498 : memref<1x128xi32, #tpu.memory_space<vmem>> -> memref<128xi32, #tpu.memory_space<vmem>>
    %dma_start3A_500 = arith.constant 0 : i32
    %dma_start3A_501 = tpu.memref_slice %arg12[%dma_start3A_500] : memref<10240xf32, #tpu.memory_space<vmem_shared>> -> memref<10240xf32, #tpu.memory_space<vmem_shared>>
    tpu.enqueue_indirect_dma source(%arg9 : memref<128xf32, #tpu.memory_space<vmem>>) target(%dma_start3A_501 : memref<10240xf32, #tpu.memory_space<vmem_shared>>) offsets(%dma_start3A_499 : memref<128xi32, #tpu.memory_space<vmem>>) semaphore(%arg20 : memref<!tpu.dma_semaphore, #tpu.memory_space<semaphore_mem>>) {add = true}
    %dma_wait3A_502 = arith.constant 38 : i32
    %dma_wait3A_503 = arith.constant 0 : i32
    %dma_wait3A_504 = tpu.memref_slice %arg8[%dma_wait3A_502, %dma_wait3A_503] : memref<40x128xi32, #tpu.memory_space<vmem>> -> memref<1x128xi32, #tpu.memory_space<vmem>>
    %dma_wait3A_505 = tpu.memref_squeeze %dma_wait3A_504 : memref<1x128xi32, #tpu.memory_space<vmem>> -> memref<128xi32, #tpu.memory_space<vmem>>
    %dma_wait3A_506 = arith.constant 0 : i32
    %dma_wait3A_507 = arith.constant 0 : i32
    %dma_wait3A_508 = tpu.memref_slice %arg11[%dma_wait3A_506, %dma_wait3A_507] : memref<10240x128xf32, #tpu.memory_space<vmem_shared>> -> memref<10240x128xf32, #tpu.memory_space<vmem_shared>>
    tpu.wait_indirect_dma semaphore(%arg17 : memref<!tpu.dma_semaphore, #tpu.memory_space<semaphore_mem>>) src(%arg13 : memref<128x128xf32, #tpu.memory_space<vmem>>) dst(%dma_wait3A_508 : memref<10240x128xf32, #tpu.memory_space<vmem_shared>>)
    %dma_wait3A_509 = arith.constant 38 : i32
    %dma_wait3A_510 = arith.constant 0 : i32
    %dma_wait3A_511 = tpu.memref_slice %arg8[%dma_wait3A_509, %dma_wait3A_510] : memref<40x128xi32, #tpu.memory_space<vmem>> -> memref<1x128xi32, #tpu.memory_space<vmem>>
    %dma_wait3A_512 = tpu.memref_squeeze %dma_wait3A_511 : memref<1x128xi32, #tpu.memory_space<vmem>> -> memref<128xi32, #tpu.memory_space<vmem>>
    %dma_wait3A_513 = arith.constant 0 : i32
    %dma_wait3A_514 = tpu.memref_slice %arg12[%dma_wait3A_513] : memref<10240xf32, #tpu.memory_space<vmem_shared>> -> memref<10240xf32, #tpu.memory_space<vmem_shared>>
    tpu.wait_indirect_dma semaphore(%arg19 : memref<!tpu.dma_semaphore, #tpu.memory_space<semaphore_mem>>) src(%arg9 : memref<128xf32, #tpu.memory_space<vmem>>) dst(%dma_wait3A_514 : memref<10240xf32, #tpu.memory_space<vmem_shared>>)
    %dma_wait3A_515 = arith.constant 39 : i32
    %dma_wait3A_516 = arith.constant 0 : i32
    %dma_wait3A_517 = tpu.memref_slice %arg8[%dma_wait3A_515, %dma_wait3A_516] : memref<40x128xi32, #tpu.memory_space<vmem>> -> memref<1x128xi32, #tpu.memory_space<vmem>>
    %dma_wait3A_518 = tpu.memref_squeeze %dma_wait3A_517 : memref<1x128xi32, #tpu.memory_space<vmem>> -> memref<128xi32, #tpu.memory_space<vmem>>
    %dma_wait3A_519 = arith.constant 0 : i32
    %dma_wait3A_520 = arith.constant 0 : i32
    %dma_wait3A_521 = tpu.memref_slice %arg11[%dma_wait3A_519, %dma_wait3A_520] : memref<10240x128xf32, #tpu.memory_space<vmem_shared>> -> memref<10240x128xf32, #tpu.memory_space<vmem_shared>>
    tpu.wait_indirect_dma semaphore(%arg18 : memref<!tpu.dma_semaphore, #tpu.memory_space<semaphore_mem>>) src(%arg14 : memref<128x128xf32, #tpu.memory_space<vmem>>) dst(%dma_wait3A_521 : memref<10240x128xf32, #tpu.memory_space<vmem_shared>>)
    %dma_wait3A_522 = arith.constant 39 : i32
    %dma_wait3A_523 = arith.constant 0 : i32
    %dma_wait3A_524 = tpu.memref_slice %arg8[%dma_wait3A_522, %dma_wait3A_523] : memref<40x128xi32, #tpu.memory_space<vmem>> -> memref<1x128xi32, #tpu.memory_space<vmem>>
    %dma_wait3A_525 = tpu.memref_squeeze %dma_wait3A_524 : memref<1x128xi32, #tpu.memory_space<vmem>> -> memref<128xi32, #tpu.memory_space<vmem>>
    %dma_wait3A_526 = arith.constant 0 : i32
    %dma_wait3A_527 = tpu.memref_slice %arg12[%dma_wait3A_526] : memref<10240xf32, #tpu.memory_space<vmem_shared>> -> memref<10240xf32, #tpu.memory_space<vmem_shared>>
    tpu.wait_indirect_dma semaphore(%arg20 : memref<!tpu.dma_semaphore, #tpu.memory_space<semaphore_mem>>) src(%arg9 : memref<128xf32, #tpu.memory_space<vmem>>) dst(%dma_wait3A_527 : memref<10240xf32, #tpu.memory_space<vmem_shared>>)
    %barrier3A_528 = arith.constant 0 : index
    tpu.barrier barrier_id(%barrier3A_528)
    "tpu.region"() ({
      %run_scoped3A_529 = tpu.sem_alloc : memref<!tpu.dma_semaphore, #tpu.memory_space<semaphore_mem>>
      %dma_start3A_530 = arith.constant 0 : i32
      %dma_start3A_531 = tpu.memref_slice %arg5[%arg0, %mul3A_424, %dma_start3A_530] : memref<2x10240x128xf32, #tpu.memory_space<hbm>> -> memref<1x640x128xf32, #tpu.memory_space<hbm>>
      %dma_start3A_532 = tpu.memref_squeeze %dma_start3A_531 : memref<1x640x128xf32, #tpu.memory_space<hbm>> -> memref<640x128xf32, #tpu.memory_space<hbm>>
      %dma_start3A_533 = arith.constant 0 : i32
      %dma_start3A_534 = tpu.memref_slice %arg11[%mul3A_424, %dma_start3A_533] : memref<10240x128xf32, #tpu.memory_space<vmem_shared>> -> memref<640x128xf32, #tpu.memory_space<vmem_shared>>
      tpu.enqueue_dma source(%dma_start3A_534 : memref<640x128xf32, #tpu.memory_space<vmem_shared>>) target(%dma_start3A_532 : memref<640x128xf32, #tpu.memory_space<hbm>>) target_semaphore(%run_scoped3A_529 : memref<!tpu.dma_semaphore, #tpu.memory_space<semaphore_mem>>)
      %dma_wait3A_535 = arith.constant 0 : i32
      %dma_wait3A_536 = tpu.memref_slice %arg5[%arg0, %mul3A_424, %dma_wait3A_535] : memref<2x10240x128xf32, #tpu.memory_space<hbm>> -> memref<1x640x128xf32, #tpu.memory_space<hbm>>
      %dma_wait3A_537 = tpu.memref_squeeze %dma_wait3A_536 : memref<1x640x128xf32, #tpu.memory_space<hbm>> -> memref<640x128xf32, #tpu.memory_space<hbm>>
      %dma_wait3A_538 = arith.constant 0 : i32
      %dma_wait3A_539 = tpu.memref_slice %arg11[%mul3A_424, %dma_wait3A_538] : memref<10240x128xf32, #tpu.memory_space<vmem_shared>> -> memref<640x128xf32, #tpu.memory_space<vmem_shared>>
      tpu.wait_dma2 semaphore(%run_scoped3A_529 : memref<!tpu.dma_semaphore, #tpu.memory_space<semaphore_mem>>) src(%dma_wait3A_539 : memref<640x128xf32, #tpu.memory_space<vmem_shared>>) dst(%dma_wait3A_537 : memref<640x128xf32, #tpu.memory_space<hbm>>)
      tpu.yield
    }) : () -> ()
    "tpu.region"() ({
      %run_scoped3A_529 = tpu.sem_alloc : memref<!tpu.dma_semaphore, #tpu.memory_space<semaphore_mem>>
      %dma_start3A_530 = tpu.memref_slice %arg6[%arg0, %mul3A_424] : memref<2x10240xf32, #tpu.memory_space<hbm>> -> memref<1x640xf32, #tpu.memory_space<hbm>>
      %dma_start3A_531 = tpu.memref_squeeze %dma_start3A_530 : memref<1x640xf32, #tpu.memory_space<hbm>> -> memref<640xf32, #tpu.memory_space<hbm>>
      %dma_start3A_532 = tpu.memref_slice %arg12[%mul3A_424] : memref<10240xf32, #tpu.memory_space<vmem_shared>> -> memref<640xf32, #tpu.memory_space<vmem_shared>>
      tpu.enqueue_dma source(%dma_start3A_532 : memref<640xf32, #tpu.memory_space<vmem_shared>>) target(%dma_start3A_531 : memref<640xf32, #tpu.memory_space<hbm>>) target_semaphore(%run_scoped3A_529 : memref<!tpu.dma_semaphore, #tpu.memory_space<semaphore_mem>>)
      %dma_wait3A_533 = tpu.memref_slice %arg6[%arg0, %mul3A_424] : memref<2x10240xf32, #tpu.memory_space<hbm>> -> memref<1x640xf32, #tpu.memory_space<hbm>>
      %dma_wait3A_534 = tpu.memref_squeeze %dma_wait3A_533 : memref<1x640xf32, #tpu.memory_space<hbm>> -> memref<640xf32, #tpu.memory_space<hbm>>
      %dma_wait3A_535 = tpu.memref_slice %arg12[%mul3A_424] : memref<10240xf32, #tpu.memory_space<vmem_shared>> -> memref<640xf32, #tpu.memory_space<vmem_shared>>
      tpu.wait_dma2 semaphore(%run_scoped3A_529 : memref<!tpu.dma_semaphore, #tpu.memory_space<semaphore_mem>>) src(%dma_wait3A_535 : memref<640xf32, #tpu.memory_space<vmem_shared>>) dst(%dma_wait3A_534 : memref<640xf32, #tpu.memory_space<hbm>>)
      tpu.yield
    }) : () -> ()
    return
  }
}

#map = affine_map<(d0, d1) -> (0)>
#map1 = affine_map<(d0, d1) -> (0, 0)>
module attributes {stable_mosaic.version = 14 : i64} {
  func.func @k(%arg0: i32, %arg1: i32, %arg2: memref<10000xf32, #tpu.memory_space<hbm>>, %arg3: memref<1280x128xi32, #tpu.memory_space<hbm>>, %arg4: memref<1280x128xi32, #tpu.memory_space<hbm>>, %arg5: memref<2x10240xf32, #tpu.memory_space<hbm>>, %arg6: memref<40x128xi32, #tpu.memory_space<vmem>>, %arg7: memref<40x128xi32, #tpu.memory_space<vmem>>, %arg8: memref<128xf32, #tpu.memory_space<vmem>>, %arg9: memref<10240xf32, #tpu.memory_space<vmem_shared>>, %arg10: memref<128xf32, #tpu.memory_space<vmem>>, %arg11: memref<128xf32, #tpu.memory_space<vmem>>, %arg12: memref<!tpu.dma_semaphore, #tpu.memory_space<semaphore_mem>>, %arg13: memref<!tpu.dma_semaphore, #tpu.memory_space<semaphore_mem>>, %arg14: memref<!tpu.dma_semaphore, #tpu.memory_space<semaphore_mem>>, %arg15: memref<!tpu.dma_semaphore, #tpu.memory_space<semaphore_mem>>) attributes {dimension_semantics = [#tpu.dimension_semantics<core_parallel>, #tpu.dimension_semantics<subcore_parallel>], iteration_bounds = array<i64: 2, 16>, scalar_prefetch = 0 : i64, scratch_operands = 10 : i64, tpu.core_type = #tpu.core_type<sc_vector_subcore>, window_params = [{transform_indices = #map}, {transform_indices = #map1}, {transform_indices = #map1}, {transform_indices = #map1}]} {
    %mul3A = arith.constant 2 : i32
    %mul3A_0 = arith.muli %arg1, %mul3A : i32
    %add3A = arith.addi %mul3A_0, %arg0 : i32
    %broadcast_in_dim3A = arith.constant 0.000000e+00 : f32
    %broadcast_in_dim3A_1 = vector.broadcast %broadcast_in_dim3A : f32 to vector<16xf32>
    %swap3A = arith.constant 0 : index
    %swap3A_2 = tpu.vector_load %arg8[%swap3A] {strides = array<i32>} : memref<128xf32, #tpu.memory_space<vmem>>, vector<16xf32>,
    %swap3A_3 = vector.shape_cast %swap3A_2 : vector<16xf32> to vector<16xf32>
    %swap3A_4 = vector.shape_cast %broadcast_in_dim3A_1 : vector<16xf32> to vector<16xf32>
    tpu.vector_store %arg8[%swap3A], %swap3A_4 {strides = array<i32>} : memref<128xf32, #tpu.memory_space<vmem>>, vector<16xf32>,
    %swap3A_5 = arith.constant 16 : index
    %swap3A_6 = tpu.vector_load %arg8[%swap3A_5] {strides = array<i32>} : memref<128xf32, #tpu.memory_space<vmem>>, vector<16xf32>,
    %swap3A_7 = vector.shape_cast %swap3A_6 : vector<16xf32> to vector<16xf32>
    %swap3A_8 = vector.shape_cast %broadcast_in_dim3A_1 : vector<16xf32> to vector<16xf32>
    tpu.vector_store %arg8[%swap3A_5], %swap3A_8 {strides = array<i32>} : memref<128xf32, #tpu.memory_space<vmem>>, vector<16xf32>,
    %swap3A_9 = arith.constant 32 : index
    %swap3A_10 = tpu.vector_load %arg8[%swap3A_9] {strides = array<i32>} : memref<128xf32, #tpu.memory_space<vmem>>, vector<16xf32>,
    %swap3A_11 = vector.shape_cast %swap3A_10 : vector<16xf32> to vector<16xf32>
    %swap3A_12 = vector.shape_cast %broadcast_in_dim3A_1 : vector<16xf32> to vector<16xf32>
    tpu.vector_store %arg8[%swap3A_9], %swap3A_12 {strides = array<i32>} : memref<128xf32, #tpu.memory_space<vmem>>, vector<16xf32>,
    %swap3A_13 = arith.constant 48 : index
    %swap3A_14 = tpu.vector_load %arg8[%swap3A_13] {strides = array<i32>} : memref<128xf32, #tpu.memory_space<vmem>>, vector<16xf32>,
    %swap3A_15 = vector.shape_cast %swap3A_14 : vector<16xf32> to vector<16xf32>
    %swap3A_16 = vector.shape_cast %broadcast_in_dim3A_1 : vector<16xf32> to vector<16xf32>
    tpu.vector_store %arg8[%swap3A_13], %swap3A_16 {strides = array<i32>} : memref<128xf32, #tpu.memory_space<vmem>>, vector<16xf32>,
    %swap3A_17 = arith.constant 64 : index
    %swap3A_18 = tpu.vector_load %arg8[%swap3A_17] {strides = array<i32>} : memref<128xf32, #tpu.memory_space<vmem>>, vector<16xf32>,
    %swap3A_19 = vector.shape_cast %swap3A_18 : vector<16xf32> to vector<16xf32>
    %swap3A_20 = vector.shape_cast %broadcast_in_dim3A_1 : vector<16xf32> to vector<16xf32>
    tpu.vector_store %arg8[%swap3A_17], %swap3A_20 {strides = array<i32>} : memref<128xf32, #tpu.memory_space<vmem>>, vector<16xf32>,
    %swap3A_21 = arith.constant 80 : index
    %swap3A_22 = tpu.vector_load %arg8[%swap3A_21] {strides = array<i32>} : memref<128xf32, #tpu.memory_space<vmem>>, vector<16xf32>,
    %swap3A_23 = vector.shape_cast %swap3A_22 : vector<16xf32> to vector<16xf32>
    %swap3A_24 = vector.shape_cast %broadcast_in_dim3A_1 : vector<16xf32> to vector<16xf32>
    tpu.vector_store %arg8[%swap3A_21], %swap3A_24 {strides = array<i32>} : memref<128xf32, #tpu.memory_space<vmem>>, vector<16xf32>,
    %swap3A_25 = arith.constant 96 : index
    %swap3A_26 = tpu.vector_load %arg8[%swap3A_25] {strides = array<i32>} : memref<128xf32, #tpu.memory_space<vmem>>, vector<16xf32>,
    %swap3A_27 = vector.shape_cast %swap3A_26 : vector<16xf32> to vector<16xf32>
    %swap3A_28 = vector.shape_cast %broadcast_in_dim3A_1 : vector<16xf32> to vector<16xf32>
    tpu.vector_store %arg8[%swap3A_25], %swap3A_28 {strides = array<i32>} : memref<128xf32, #tpu.memory_space<vmem>>, vector<16xf32>,
    %swap3A_29 = arith.constant 112 : index
    %swap3A_30 = tpu.vector_load %arg8[%swap3A_29] {strides = array<i32>} : memref<128xf32, #tpu.memory_space<vmem>>, vector<16xf32>,
    %swap3A_31 = vector.shape_cast %swap3A_30 : vector<16xf32> to vector<16xf32>
    %swap3A_32 = vector.shape_cast %broadcast_in_dim3A_1 : vector<16xf32> to vector<16xf32>
    tpu.vector_store %arg8[%swap3A_29], %swap3A_32 {strides = array<i32>} : memref<128xf32, #tpu.memory_space<vmem>>, vector<16xf32>,
    %mul3A_33 = arith.constant 40 : i32
    %mul3A_34 = arith.muli %add3A, %mul3A_33 : i32
    "tpu.region"() ({
      %run_scoped3A = tpu.sem_alloc : memref<!tpu.dma_semaphore, #tpu.memory_space<semaphore_mem>>
      %dma_start3A_101 = arith.constant 0 : i32
      %dma_start3A_102 = arith.constant 0 : i32
      %dma_start3A_103 = tpu.memref_slice %arg6[%dma_start3A_101, %dma_start3A_102] : memref<40x128xi32, #tpu.memory_space<vmem>> -> memref<40x128xi32, #tpu.memory_space<vmem>>
      %dma_start3A_104 = arith.constant 0 : i32
      %dma_start3A_105 = tpu.memref_slice %arg3[%mul3A_34, %dma_start3A_104] : memref<1280x128xi32, #tpu.memory_space<hbm>> -> memref<40x128xi32, #tpu.memory_space<hbm>>
      %dma_start3A_106 = arith.constant 0 : i32
      %dma_start3A_107 = arith.constant 0 : i32
      %dma_start3A_108 = tpu.memref_slice %arg6[%dma_start3A_106, %dma_start3A_107] : memref<40x128xi32, #tpu.memory_space<vmem>> -> memref<40x128xi32, #tpu.memory_space<vmem>>
      %dma_start3A_109 = arith.constant 0 : i32
      %dma_start3A_110 = tpu.memref_slice %arg3[%mul3A_34, %dma_start3A_109] : memref<1280x128xi32, #tpu.memory_space<hbm>> -> memref<40x128xi32, #tpu.memory_space<hbm>>
      tpu.enqueue_dma source(%dma_start3A_110 : memref<40x128xi32, #tpu.memory_space<hbm>>) target(%dma_start3A_108 : memref<40x128xi32, #tpu.memory_space<vmem>>) target_semaphore(%run_scoped3A : memref<!tpu.dma_semaphore, #tpu.memory_space<semaphore_mem>>)
      %dma_wait3A_111 = arith.constant 0 : i32
      %dma_wait3A_112 = arith.constant 0 : i32
      %dma_wait3A_113 = tpu.memref_slice %arg6[%dma_wait3A_111, %dma_wait3A_112] : memref<40x128xi32, #tpu.memory_space<vmem>> -> memref<40x128xi32, #tpu.memory_space<vmem>>
      %dma_wait3A_114 = arith.constant 0 : i32
      %dma_wait3A_115 = tpu.memref_slice %arg3[%mul3A_34, %dma_wait3A_114] : memref<1280x128xi32, #tpu.memory_space<hbm>> -> memref<40x128xi32, #tpu.memory_space<hbm>>
      %dma_wait3A_116 = arith.constant 0 : i32
      %dma_wait3A_117 = arith.constant 0 : i32
      %dma_wait3A_118 = tpu.memref_slice %arg6[%dma_wait3A_116, %dma_wait3A_117] : memref<40x128xi32, #tpu.memory_space<vmem>> -> memref<40x128xi32, #tpu.memory_space<vmem>>
      %dma_wait3A_119 = arith.constant 0 : i32
      %dma_wait3A_120 = tpu.memref_slice %arg3[%mul3A_34, %dma_wait3A_119] : memref<1280x128xi32, #tpu.memory_space<hbm>> -> memref<40x128xi32, #tpu.memory_space<hbm>>
      tpu.wait_dma2 semaphore(%run_scoped3A : memref<!tpu.dma_semaphore, #tpu.memory_space<semaphore_mem>>) src(%dma_wait3A_120 : memref<40x128xi32, #tpu.memory_space<hbm>>) dst(%dma_wait3A_118 : memref<40x128xi32, #tpu.memory_space<vmem>>)
      tpu.yield
    }) : () -> ()
    %mul3A_35 = arith.constant 40 : i32
    %mul3A_36 = arith.muli %add3A, %mul3A_35 : i32
    "tpu.region"() ({
      %run_scoped3A = tpu.sem_alloc : memref<!tpu.dma_semaphore, #tpu.memory_space<semaphore_mem>>
      %dma_start3A_101 = arith.constant 0 : i32
      %dma_start3A_102 = arith.constant 0 : i32
      %dma_start3A_103 = tpu.memref_slice %arg7[%dma_start3A_101, %dma_start3A_102] : memref<40x128xi32, #tpu.memory_space<vmem>> -> memref<40x128xi32, #tpu.memory_space<vmem>>
      %dma_start3A_104 = arith.constant 0 : i32
      %dma_start3A_105 = tpu.memref_slice %arg4[%mul3A_36, %dma_start3A_104] : memref<1280x128xi32, #tpu.memory_space<hbm>> -> memref<40x128xi32, #tpu.memory_space<hbm>>
      %dma_start3A_106 = arith.constant 0 : i32
      %dma_start3A_107 = arith.constant 0 : i32
      %dma_start3A_108 = tpu.memref_slice %arg7[%dma_start3A_106, %dma_start3A_107] : memref<40x128xi32, #tpu.memory_space<vmem>> -> memref<40x128xi32, #tpu.memory_space<vmem>>
      %dma_start3A_109 = arith.constant 0 : i32
      %dma_start3A_110 = tpu.memref_slice %arg4[%mul3A_36, %dma_start3A_109] : memref<1280x128xi32, #tpu.memory_space<hbm>> -> memref<40x128xi32, #tpu.memory_space<hbm>>
      tpu.enqueue_dma source(%dma_start3A_110 : memref<40x128xi32, #tpu.memory_space<hbm>>) target(%dma_start3A_108 : memref<40x128xi32, #tpu.memory_space<vmem>>) target_semaphore(%run_scoped3A : memref<!tpu.dma_semaphore, #tpu.memory_space<semaphore_mem>>)
      %dma_wait3A_111 = arith.constant 0 : i32
      %dma_wait3A_112 = arith.constant 0 : i32
      %dma_wait3A_113 = tpu.memref_slice %arg7[%dma_wait3A_111, %dma_wait3A_112] : memref<40x128xi32, #tpu.memory_space<vmem>> -> memref<40x128xi32, #tpu.memory_space<vmem>>
      %dma_wait3A_114 = arith.constant 0 : i32
      %dma_wait3A_115 = tpu.memref_slice %arg4[%mul3A_36, %dma_wait3A_114] : memref<1280x128xi32, #tpu.memory_space<hbm>> -> memref<40x128xi32, #tpu.memory_space<hbm>>
      %dma_wait3A_116 = arith.constant 0 : i32
      %dma_wait3A_117 = arith.constant 0 : i32
      %dma_wait3A_118 = tpu.memref_slice %arg7[%dma_wait3A_116, %dma_wait3A_117] : memref<40x128xi32, #tpu.memory_space<vmem>> -> memref<40x128xi32, #tpu.memory_space<vmem>>
      %dma_wait3A_119 = arith.constant 0 : i32
      %dma_wait3A_120 = tpu.memref_slice %arg4[%mul3A_36, %dma_wait3A_119] : memref<1280x128xi32, #tpu.memory_space<hbm>> -> memref<40x128xi32, #tpu.memory_space<hbm>>
      tpu.wait_dma2 semaphore(%run_scoped3A : memref<!tpu.dma_semaphore, #tpu.memory_space<semaphore_mem>>) src(%dma_wait3A_120 : memref<40x128xi32, #tpu.memory_space<hbm>>) dst(%dma_wait3A_118 : memref<40x128xi32, #tpu.memory_space<vmem>>)
      tpu.yield
    }) : () -> ()
    %mul3A_37 = arith.constant 640 : i32
    %mul3A_38 = arith.muli %arg1, %mul3A_37 : i32
    %add3A_39 = arith.constant 0 : i32
    %add3A_40 = arith.addi %mul3A_38, %add3A_39 : i32
    "tpu.region"() ({
      %run_scoped3A = tpu.sem_alloc : memref<!tpu.dma_semaphore, #tpu.memory_space<semaphore_mem>>
      %dma_start3A_101 = tpu.memref_slice %arg9[%add3A_40] : memref<10240xf32, #tpu.memory_space<vmem_shared>> -> memref<128xf32, #tpu.memory_space<vmem_shared>>
      %dma_start3A_102 = tpu.memref_slice %arg9[%add3A_40] : memref<10240xf32, #tpu.memory_space<vmem_shared>> -> memref<128xf32, #tpu.memory_space<vmem_shared>>
      tpu.enqueue_dma source(%arg8 : memref<128xf32, #tpu.memory_space<vmem>>) target(%dma_start3A_102 : memref<128xf32, #tpu.memory_space<vmem_shared>>) target_semaphore(%run_scoped3A : memref<!tpu.dma_semaphore, #tpu.memory_space<semaphore_mem>>)
      %dma_wait3A_103 = tpu.memref_slice %arg9[%add3A_40] : memref<10240xf32, #tpu.memory_space<vmem_shared>> -> memref<128xf32, #tpu.memory_space<vmem_shared>>
      %dma_wait3A_104 = tpu.memref_slice %arg9[%add3A_40] : memref<10240xf32, #tpu.memory_space<vmem_shared>> -> memref<128xf32, #tpu.memory_space<vmem_shared>>
      tpu.wait_dma2 semaphore(%run_scoped3A : memref<!tpu.dma_semaphore, #tpu.memory_space<semaphore_mem>>) src(%arg8 : memref<128xf32, #tpu.memory_space<vmem>>) dst(%dma_wait3A_104 : memref<128xf32, #tpu.memory_space<vmem_shared>>)
      tpu.yield
    }) : () -> ()
    %add3A_41 = arith.constant 128 : i32
    %add3A_42 = arith.addi %mul3A_38, %add3A_41 : i32
    "tpu.region"() ({
      %run_scoped3A = tpu.sem_alloc : memref<!tpu.dma_semaphore, #tpu.memory_space<semaphore_mem>>
      %dma_start3A_101 = tpu.memref_slice %arg9[%add3A_42] : memref<10240xf32, #tpu.memory_space<vmem_shared>> -> memref<128xf32, #tpu.memory_space<vmem_shared>>
      %dma_start3A_102 = tpu.memref_slice %arg9[%add3A_42] : memref<10240xf32, #tpu.memory_space<vmem_shared>> -> memref<128xf32, #tpu.memory_space<vmem_shared>>
      tpu.enqueue_dma source(%arg8 : memref<128xf32, #tpu.memory_space<vmem>>) target(%dma_start3A_102 : memref<128xf32, #tpu.memory_space<vmem_shared>>) target_semaphore(%run_scoped3A : memref<!tpu.dma_semaphore, #tpu.memory_space<semaphore_mem>>)
      %dma_wait3A_103 = tpu.memref_slice %arg9[%add3A_42] : memref<10240xf32, #tpu.memory_space<vmem_shared>> -> memref<128xf32, #tpu.memory_space<vmem_shared>>
      %dma_wait3A_104 = tpu.memref_slice %arg9[%add3A_42] : memref<10240xf32, #tpu.memory_space<vmem_shared>> -> memref<128xf32, #tpu.memory_space<vmem_shared>>
      tpu.wait_dma2 semaphore(%run_scoped3A : memref<!tpu.dma_semaphore, #tpu.memory_space<semaphore_mem>>) src(%arg8 : memref<128xf32, #tpu.memory_space<vmem>>) dst(%dma_wait3A_104 : memref<128xf32, #tpu.memory_space<vmem_shared>>)
      tpu.yield
    }) : () -> ()
    %add3A_43 = arith.constant 256 : i32
    %add3A_44 = arith.addi %mul3A_38, %add3A_43 : i32
    "tpu.region"() ({
      %run_scoped3A = tpu.sem_alloc : memref<!tpu.dma_semaphore, #tpu.memory_space<semaphore_mem>>
      %dma_start3A_101 = tpu.memref_slice %arg9[%add3A_44] : memref<10240xf32, #tpu.memory_space<vmem_shared>> -> memref<128xf32, #tpu.memory_space<vmem_shared>>
      %dma_start3A_102 = tpu.memref_slice %arg9[%add3A_44] : memref<10240xf32, #tpu.memory_space<vmem_shared>> -> memref<128xf32, #tpu.memory_space<vmem_shared>>
      tpu.enqueue_dma source(%arg8 : memref<128xf32, #tpu.memory_space<vmem>>) target(%dma_start3A_102 : memref<128xf32, #tpu.memory_space<vmem_shared>>) target_semaphore(%run_scoped3A : memref<!tpu.dma_semaphore, #tpu.memory_space<semaphore_mem>>)
      %dma_wait3A_103 = tpu.memref_slice %arg9[%add3A_44] : memref<10240xf32, #tpu.memory_space<vmem_shared>> -> memref<128xf32, #tpu.memory_space<vmem_shared>>
      %dma_wait3A_104 = tpu.memref_slice %arg9[%add3A_44] : memref<10240xf32, #tpu.memory_space<vmem_shared>> -> memref<128xf32, #tpu.memory_space<vmem_shared>>
      tpu.wait_dma2 semaphore(%run_scoped3A : memref<!tpu.dma_semaphore, #tpu.memory_space<semaphore_mem>>) src(%arg8 : memref<128xf32, #tpu.memory_space<vmem>>) dst(%dma_wait3A_104 : memref<128xf32, #tpu.memory_space<vmem_shared>>)
      tpu.yield
    }) : () -> ()
    %add3A_45 = arith.constant 384 : i32
    %add3A_46 = arith.addi %mul3A_38, %add3A_45 : i32
    "tpu.region"() ({
      %run_scoped3A = tpu.sem_alloc : memref<!tpu.dma_semaphore, #tpu.memory_space<semaphore_mem>>
      %dma_start3A_101 = tpu.memref_slice %arg9[%add3A_46] : memref<10240xf32, #tpu.memory_space<vmem_shared>> -> memref<128xf32, #tpu.memory_space<vmem_shared>>
      %dma_start3A_102 = tpu.memref_slice %arg9[%add3A_46] : memref<10240xf32, #tpu.memory_space<vmem_shared>> -> memref<128xf32, #tpu.memory_space<vmem_shared>>
      tpu.enqueue_dma source(%arg8 : memref<128xf32, #tpu.memory_space<vmem>>) target(%dma_start3A_102 : memref<128xf32, #tpu.memory_space<vmem_shared>>) target_semaphore(%run_scoped3A : memref<!tpu.dma_semaphore, #tpu.memory_space<semaphore_mem>>)
      %dma_wait3A_103 = tpu.memref_slice %arg9[%add3A_46] : memref<10240xf32, #tpu.memory_space<vmem_shared>> -> memref<128xf32, #tpu.memory_space<vmem_shared>>
      %dma_wait3A_104 = tpu.memref_slice %arg9[%add3A_46] : memref<10240xf32, #tpu.memory_space<vmem_shared>> -> memref<128xf32, #tpu.memory_space<vmem_shared>>
      tpu.wait_dma2 semaphore(%run_scoped3A : memref<!tpu.dma_semaphore, #tpu.memory_space<semaphore_mem>>) src(%arg8 : memref<128xf32, #tpu.memory_space<vmem>>) dst(%dma_wait3A_104 : memref<128xf32, #tpu.memory_space<vmem_shared>>)
      tpu.yield
    }) : () -> ()
    %add3A_47 = arith.constant 512 : i32
    %add3A_48 = arith.addi %mul3A_38, %add3A_47 : i32
    "tpu.region"() ({
      %run_scoped3A = tpu.sem_alloc : memref<!tpu.dma_semaphore, #tpu.memory_space<semaphore_mem>>
      %dma_start3A_101 = tpu.memref_slice %arg9[%add3A_48] : memref<10240xf32, #tpu.memory_space<vmem_shared>> -> memref<128xf32, #tpu.memory_space<vmem_shared>>
      %dma_start3A_102 = tpu.memref_slice %arg9[%add3A_48] : memref<10240xf32, #tpu.memory_space<vmem_shared>> -> memref<128xf32, #tpu.memory_space<vmem_shared>>
      tpu.enqueue_dma source(%arg8 : memref<128xf32, #tpu.memory_space<vmem>>) target(%dma_start3A_102 : memref<128xf32, #tpu.memory_space<vmem_shared>>) target_semaphore(%run_scoped3A : memref<!tpu.dma_semaphore, #tpu.memory_space<semaphore_mem>>)
      %dma_wait3A_103 = tpu.memref_slice %arg9[%add3A_48] : memref<10240xf32, #tpu.memory_space<vmem_shared>> -> memref<128xf32, #tpu.memory_space<vmem_shared>>
      %dma_wait3A_104 = tpu.memref_slice %arg9[%add3A_48] : memref<10240xf32, #tpu.memory_space<vmem_shared>> -> memref<128xf32, #tpu.memory_space<vmem_shared>>
      tpu.wait_dma2 semaphore(%run_scoped3A : memref<!tpu.dma_semaphore, #tpu.memory_space<semaphore_mem>>) src(%arg8 : memref<128xf32, #tpu.memory_space<vmem>>) dst(%dma_wait3A_104 : memref<128xf32, #tpu.memory_space<vmem_shared>>)
      tpu.yield
    }) : () -> ()
    %barrier3A = arith.constant 0 : index
    tpu.barrier barrier_id(%barrier3A)
    %dma_start3A = arith.constant 0 : i32
    %dma_start3A_49 = arith.constant 0 : i32
    %dma_start3A_50 = tpu.memref_slice %arg6[%dma_start3A, %dma_start3A_49] : memref<40x128xi32, #tpu.memory_space<vmem>> -> memref<1x128xi32, #tpu.memory_space<vmem>>
    %dma_start3A_51 = tpu.memref_squeeze %dma_start3A_50 : memref<1x128xi32, #tpu.memory_space<vmem>> -> memref<128xi32, #tpu.memory_space<vmem>>
    %dma_start3A_52 = arith.constant 0 : i32
    %dma_start3A_53 = tpu.memref_slice %arg2[%dma_start3A_52] : memref<10000xf32, #tpu.memory_space<hbm>> -> memref<10000xf32, #tpu.memory_space<hbm>>
    tpu.enqueue_indirect_dma source(%dma_start3A_53 : memref<10000xf32, #tpu.memory_space<hbm>>) target(%arg10 : memref<128xf32, #tpu.memory_space<vmem>>) offsets(%dma_start3A_51 : memref<128xi32, #tpu.memory_space<vmem>>) semaphore(%arg12 : memref<!tpu.dma_semaphore, #tpu.memory_space<semaphore_mem>>)
    %dma_start3A_54 = arith.constant 1 : i32
    %dma_start3A_55 = arith.constant 0 : i32
    %dma_start3A_56 = tpu.memref_slice %arg6[%dma_start3A_54, %dma_start3A_55] : memref<40x128xi32, #tpu.memory_space<vmem>> -> memref<1x128xi32, #tpu.memory_space<vmem>>
    %dma_start3A_57 = tpu.memref_squeeze %dma_start3A_56 : memref<1x128xi32, #tpu.memory_space<vmem>> -> memref<128xi32, #tpu.memory_space<vmem>>
    %dma_start3A_58 = arith.constant 0 : i32
    %dma_start3A_59 = tpu.memref_slice %arg2[%dma_start3A_58] : memref<10000xf32, #tpu.memory_space<hbm>> -> memref<10000xf32, #tpu.memory_space<hbm>>
    tpu.enqueue_indirect_dma source(%dma_start3A_59 : memref<10000xf32, #tpu.memory_space<hbm>>) target(%arg11 : memref<128xf32, #tpu.memory_space<vmem>>) offsets(%dma_start3A_57 : memref<128xi32, #tpu.memory_space<vmem>>) semaphore(%arg13 : memref<!tpu.dma_semaphore, #tpu.memory_space<semaphore_mem>>)
    %scan3A = arith.constant 0 : i32
    %scan3A_60 = arith.constant 0 : i32
    %scan3A_61 = arith.constant 19 : i32
    %scan3A_62 = arith.addi %scan3A_60, %scan3A_61 : i32
    %scan3A_63 = arith.constant 1 : i32
    scf.for %scan3A_101 = %scan3A_60 to %scan3A_62 step %scan3A_63  : i32 {
      %mul3A_102 = arith.constant 2 : i32
      %mul3A_103 = arith.muli %scan3A_101, %mul3A_102 : i32
      %add3A_104 = arith.constant 0 : i32
      %add3A_105 = arith.addi %mul3A_103, %add3A_104 : i32
      %dma_wait3A_106 = arith.constant 0 : i32
      %dma_wait3A_107 = tpu.memref_slice %arg6[%add3A_105, %dma_wait3A_106] : memref<40x128xi32, #tpu.memory_space<vmem>> -> memref<1x128xi32, #tpu.memory_space<vmem>>
      %dma_wait3A_108 = tpu.memref_squeeze %dma_wait3A_107 : memref<1x128xi32, #tpu.memory_space<vmem>> -> memref<128xi32, #tpu.memory_space<vmem>>
      %dma_wait3A_109 = arith.constant 0 : i32
      %dma_wait3A_110 = tpu.memref_slice %arg2[%dma_wait3A_109] : memref<10000xf32, #tpu.memory_space<hbm>> -> memref<10000xf32, #tpu.memory_space<hbm>>
      tpu.wait_indirect_dma semaphore(%arg12 : memref<!tpu.dma_semaphore, #tpu.memory_space<semaphore_mem>>) src(%dma_wait3A_110 : memref<10000xf32, #tpu.memory_space<hbm>>) dst(%arg10 : memref<128xf32, #tpu.memory_space<vmem>>)
      %add3A_111 = arith.constant 0 : i32
      %add3A_112 = arith.addi %mul3A_103, %add3A_111 : i32
      %dma_start3A_113 = arith.constant 0 : i32
      %dma_start3A_114 = tpu.memref_slice %arg7[%add3A_112, %dma_start3A_113] : memref<40x128xi32, #tpu.memory_space<vmem>> -> memref<1x128xi32, #tpu.memory_space<vmem>>
      %dma_start3A_115 = tpu.memref_squeeze %dma_start3A_114 : memref<1x128xi32, #tpu.memory_space<vmem>> -> memref<128xi32, #tpu.memory_space<vmem>>
      %dma_start3A_116 = arith.constant 0 : i32
      %dma_start3A_117 = tpu.memref_slice %arg9[%dma_start3A_116] : memref<10240xf32, #tpu.memory_space<vmem_shared>> -> memref<10240xf32, #tpu.memory_space<vmem_shared>>
      tpu.enqueue_indirect_dma source(%arg10 : memref<128xf32, #tpu.memory_space<vmem>>) target(%dma_start3A_117 : memref<10240xf32, #tpu.memory_space<vmem_shared>>) offsets(%dma_start3A_115 : memref<128xi32, #tpu.memory_space<vmem>>) semaphore(%arg14 : memref<!tpu.dma_semaphore, #tpu.memory_space<semaphore_mem>>) {add = true}
      %add3A_118 = arith.constant 1 : i32
      %add3A_119 = arith.addi %mul3A_103, %add3A_118 : i32
      %dma_wait3A_120 = arith.constant 0 : i32
      %dma_wait3A_121 = tpu.memref_slice %arg6[%add3A_119, %dma_wait3A_120] : memref<40x128xi32, #tpu.memory_space<vmem>> -> memref<1x128xi32, #tpu.memory_space<vmem>>
      %dma_wait3A_122 = tpu.memref_squeeze %dma_wait3A_121 : memref<1x128xi32, #tpu.memory_space<vmem>> -> memref<128xi32, #tpu.memory_space<vmem>>
      %dma_wait3A_123 = arith.constant 0 : i32
      %dma_wait3A_124 = tpu.memref_slice %arg2[%dma_wait3A_123] : memref<10000xf32, #tpu.memory_space<hbm>> -> memref<10000xf32, #tpu.memory_space<hbm>>
      tpu.wait_indirect_dma semaphore(%arg13 : memref<!tpu.dma_semaphore, #tpu.memory_space<semaphore_mem>>) src(%dma_wait3A_124 : memref<10000xf32, #tpu.memory_space<hbm>>) dst(%arg11 : memref<128xf32, #tpu.memory_space<vmem>>)
      %add3A_125 = arith.constant 1 : i32
      %add3A_126 = arith.addi %mul3A_103, %add3A_125 : i32
      %dma_start3A_127 = arith.constant 0 : i32
      %dma_start3A_128 = tpu.memref_slice %arg7[%add3A_126, %dma_start3A_127] : memref<40x128xi32, #tpu.memory_space<vmem>> -> memref<1x128xi32, #tpu.memory_space<vmem>>
      %dma_start3A_129 = tpu.memref_squeeze %dma_start3A_128 : memref<1x128xi32, #tpu.memory_space<vmem>> -> memref<128xi32, #tpu.memory_space<vmem>>
      %dma_start3A_130 = arith.constant 0 : i32
      %dma_start3A_131 = tpu.memref_slice %arg9[%dma_start3A_130] : memref<10240xf32, #tpu.memory_space<vmem_shared>> -> memref<10240xf32, #tpu.memory_space<vmem_shared>>
      tpu.enqueue_indirect_dma source(%arg11 : memref<128xf32, #tpu.memory_space<vmem>>) target(%dma_start3A_131 : memref<10240xf32, #tpu.memory_space<vmem_shared>>) offsets(%dma_start3A_129 : memref<128xi32, #tpu.memory_space<vmem>>) semaphore(%arg15 : memref<!tpu.dma_semaphore, #tpu.memory_space<semaphore_mem>>) {add = true}
      %add3A_132 = arith.constant 0 : i32
      %add3A_133 = arith.addi %mul3A_103, %add3A_132 : i32
      %dma_wait3A_134 = arith.constant 0 : i32
      %dma_wait3A_135 = tpu.memref_slice %arg7[%add3A_133, %dma_wait3A_134] : memref<40x128xi32, #tpu.memory_space<vmem>> -> memref<1x128xi32, #tpu.memory_space<vmem>>
      %dma_wait3A_136 = tpu.memref_squeeze %dma_wait3A_135 : memref<1x128xi32, #tpu.memory_space<vmem>> -> memref<128xi32, #tpu.memory_space<vmem>>
      %dma_wait3A_137 = arith.constant 0 : i32
      %dma_wait3A_138 = tpu.memref_slice %arg9[%dma_wait3A_137] : memref<10240xf32, #tpu.memory_space<vmem_shared>> -> memref<10240xf32, #tpu.memory_space<vmem_shared>>
      tpu.wait_indirect_dma semaphore(%arg14 : memref<!tpu.dma_semaphore, #tpu.memory_space<semaphore_mem>>) src(%arg10 : memref<128xf32, #tpu.memory_space<vmem>>) dst(%dma_wait3A_138 : memref<10240xf32, #tpu.memory_space<vmem_shared>>)
      %add3A_139 = arith.constant 2 : i32
      %add3A_140 = arith.addi %mul3A_103, %add3A_139 : i32
      %add3A_141 = arith.constant 0 : i32
      %add3A_142 = arith.addi %add3A_140, %add3A_141 : i32
      %dma_start3A_143 = arith.constant 0 : i32
      %dma_start3A_144 = tpu.memref_slice %arg6[%add3A_142, %dma_start3A_143] : memref<40x128xi32, #tpu.memory_space<vmem>> -> memref<1x128xi32, #tpu.memory_space<vmem>>
      %dma_start3A_145 = tpu.memref_squeeze %dma_start3A_144 : memref<1x128xi32, #tpu.memory_space<vmem>> -> memref<128xi32, #tpu.memory_space<vmem>>
      %dma_start3A_146 = arith.constant 0 : i32
      %dma_start3A_147 = tpu.memref_slice %arg2[%dma_start3A_146] : memref<10000xf32, #tpu.memory_space<hbm>> -> memref<10000xf32, #tpu.memory_space<hbm>>
      tpu.enqueue_indirect_dma source(%dma_start3A_147 : memref<10000xf32, #tpu.memory_space<hbm>>) target(%arg10 : memref<128xf32, #tpu.memory_space<vmem>>) offsets(%dma_start3A_145 : memref<128xi32, #tpu.memory_space<vmem>>) semaphore(%arg12 : memref<!tpu.dma_semaphore, #tpu.memory_space<semaphore_mem>>)
      %add3A_148 = arith.constant 1 : i32
      %add3A_149 = arith.addi %mul3A_103, %add3A_148 : i32
      %dma_wait3A_150 = arith.constant 0 : i32
      %dma_wait3A_151 = tpu.memref_slice %arg7[%add3A_149, %dma_wait3A_150] : memref<40x128xi32, #tpu.memory_space<vmem>> -> memref<1x128xi32, #tpu.memory_space<vmem>>
      %dma_wait3A_152 = tpu.memref_squeeze %dma_wait3A_151 : memref<1x128xi32, #tpu.memory_space<vmem>> -> memref<128xi32, #tpu.memory_space<vmem>>
      %dma_wait3A_153 = arith.constant 0 : i32
      %dma_wait3A_154 = tpu.memref_slice %arg9[%dma_wait3A_153] : memref<10240xf32, #tpu.memory_space<vmem_shared>> -> memref<10240xf32, #tpu.memory_space<vmem_shared>>
      tpu.wait_indirect_dma semaphore(%arg15 : memref<!tpu.dma_semaphore, #tpu.memory_space<semaphore_mem>>) src(%arg11 : memref<128xf32, #tpu.memory_space<vmem>>) dst(%dma_wait3A_154 : memref<10240xf32, #tpu.memory_space<vmem_shared>>)
      %add3A_155 = arith.constant 2 : i32
      %add3A_156 = arith.addi %mul3A_103, %add3A_155 : i32
      %add3A_157 = arith.constant 1 : i32
      %add3A_158 = arith.addi %add3A_156, %add3A_157 : i32
      %dma_start3A_159 = arith.constant 0 : i32
      %dma_start3A_160 = tpu.memref_slice %arg6[%add3A_158, %dma_start3A_159] : memref<40x128xi32, #tpu.memory_space<vmem>> -> memref<1x128xi32, #tpu.memory_space<vmem>>
      %dma_start3A_161 = tpu.memref_squeeze %dma_start3A_160 : memref<1x128xi32, #tpu.memory_space<vmem>> -> memref<128xi32, #tpu.memory_space<vmem>>
      %dma_start3A_162 = arith.constant 0 : i32
      %dma_start3A_163 = tpu.memref_slice %arg2[%dma_start3A_162] : memref<10000xf32, #tpu.memory_space<hbm>> -> memref<10000xf32, #tpu.memory_space<hbm>>
      tpu.enqueue_indirect_dma source(%dma_start3A_163 : memref<10000xf32, #tpu.memory_space<hbm>>) target(%arg11 : memref<128xf32, #tpu.memory_space<vmem>>) offsets(%dma_start3A_161 : memref<128xi32, #tpu.memory_space<vmem>>) semaphore(%arg13 : memref<!tpu.dma_semaphore, #tpu.memory_space<semaphore_mem>>)
    }
    %scan3A_64 = arith.constant 19 : i32
    %dma_wait3A = arith.constant 38 : i32
    %dma_wait3A_65 = arith.constant 0 : i32
    %dma_wait3A_66 = tpu.memref_slice %arg6[%dma_wait3A, %dma_wait3A_65] : memref<40x128xi32, #tpu.memory_space<vmem>> -> memref<1x128xi32, #tpu.memory_space<vmem>>
    %dma_wait3A_67 = tpu.memref_squeeze %dma_wait3A_66 : memref<1x128xi32, #tpu.memory_space<vmem>> -> memref<128xi32, #tpu.memory_space<vmem>>
    %dma_wait3A_68 = arith.constant 0 : i32
    %dma_wait3A_69 = tpu.memref_slice %arg2[%dma_wait3A_68] : memref<10000xf32, #tpu.memory_space<hbm>> -> memref<10000xf32, #tpu.memory_space<hbm>>
    tpu.wait_indirect_dma semaphore(%arg12 : memref<!tpu.dma_semaphore, #tpu.memory_space<semaphore_mem>>) src(%dma_wait3A_69 : memref<10000xf32, #tpu.memory_space<hbm>>) dst(%arg10 : memref<128xf32, #tpu.memory_space<vmem>>)
    %dma_start3A_70 = arith.constant 38 : i32
    %dma_start3A_71 = arith.constant 0 : i32
    %dma_start3A_72 = tpu.memref_slice %arg7[%dma_start3A_70, %dma_start3A_71] : memref<40x128xi32, #tpu.memory_space<vmem>> -> memref<1x128xi32, #tpu.memory_space<vmem>>
    %dma_start3A_73 = tpu.memref_squeeze %dma_start3A_72 : memref<1x128xi32, #tpu.memory_space<vmem>> -> memref<128xi32, #tpu.memory_space<vmem>>
    %dma_start3A_74 = arith.constant 0 : i32
    %dma_start3A_75 = tpu.memref_slice %arg9[%dma_start3A_74] : memref<10240xf32, #tpu.memory_space<vmem_shared>> -> memref<10240xf32, #tpu.memory_space<vmem_shared>>
    tpu.enqueue_indirect_dma source(%arg10 : memref<128xf32, #tpu.memory_space<vmem>>) target(%dma_start3A_75 : memref<10240xf32, #tpu.memory_space<vmem_shared>>) offsets(%dma_start3A_73 : memref<128xi32, #tpu.memory_space<vmem>>) semaphore(%arg14 : memref<!tpu.dma_semaphore, #tpu.memory_space<semaphore_mem>>) {add = true}
    %dma_wait3A_76 = arith.constant 39 : i32
    %dma_wait3A_77 = arith.constant 0 : i32
    %dma_wait3A_78 = tpu.memref_slice %arg6[%dma_wait3A_76, %dma_wait3A_77] : memref<40x128xi32, #tpu.memory_space<vmem>> -> memref<1x128xi32, #tpu.memory_space<vmem>>
    %dma_wait3A_79 = tpu.memref_squeeze %dma_wait3A_78 : memref<1x128xi32, #tpu.memory_space<vmem>> -> memref<128xi32, #tpu.memory_space<vmem>>
    %dma_wait3A_80 = arith.constant 0 : i32
    %dma_wait3A_81 = tpu.memref_slice %arg2[%dma_wait3A_80] : memref<10000xf32, #tpu.memory_space<hbm>> -> memref<10000xf32, #tpu.memory_space<hbm>>
    tpu.wait_indirect_dma semaphore(%arg13 : memref<!tpu.dma_semaphore, #tpu.memory_space<semaphore_mem>>) src(%dma_wait3A_81 : memref<10000xf32, #tpu.memory_space<hbm>>) dst(%arg11 : memref<128xf32, #tpu.memory_space<vmem>>)
    %dma_start3A_82 = arith.constant 39 : i32
    %dma_start3A_83 = arith.constant 0 : i32
    %dma_start3A_84 = tpu.memref_slice %arg7[%dma_start3A_82, %dma_start3A_83] : memref<40x128xi32, #tpu.memory_space<vmem>> -> memref<1x128xi32, #tpu.memory_space<vmem>>
    %dma_start3A_85 = tpu.memref_squeeze %dma_start3A_84 : memref<1x128xi32, #tpu.memory_space<vmem>> -> memref<128xi32, #tpu.memory_space<vmem>>
    %dma_start3A_86 = arith.constant 0 : i32
    %dma_start3A_87 = tpu.memref_slice %arg9[%dma_start3A_86] : memref<10240xf32, #tpu.memory_space<vmem_shared>> -> memref<10240xf32, #tpu.memory_space<vmem_shared>>
    tpu.enqueue_indirect_dma source(%arg11 : memref<128xf32, #tpu.memory_space<vmem>>) target(%dma_start3A_87 : memref<10240xf32, #tpu.memory_space<vmem_shared>>) offsets(%dma_start3A_85 : memref<128xi32, #tpu.memory_space<vmem>>) semaphore(%arg15 : memref<!tpu.dma_semaphore, #tpu.memory_space<semaphore_mem>>) {add = true}
    %dma_wait3A_88 = arith.constant 38 : i32
    %dma_wait3A_89 = arith.constant 0 : i32
    %dma_wait3A_90 = tpu.memref_slice %arg7[%dma_wait3A_88, %dma_wait3A_89] : memref<40x128xi32, #tpu.memory_space<vmem>> -> memref<1x128xi32, #tpu.memory_space<vmem>>
    %dma_wait3A_91 = tpu.memref_squeeze %dma_wait3A_90 : memref<1x128xi32, #tpu.memory_space<vmem>> -> memref<128xi32, #tpu.memory_space<vmem>>
    %dma_wait3A_92 = arith.constant 0 : i32
    %dma_wait3A_93 = tpu.memref_slice %arg9[%dma_wait3A_92] : memref<10240xf32, #tpu.memory_space<vmem_shared>> -> memref<10240xf32, #tpu.memory_space<vmem_shared>>
    tpu.wait_indirect_dma semaphore(%arg14 : memref<!tpu.dma_semaphore, #tpu.memory_space<semaphore_mem>>) src(%arg10 : memref<128xf32, #tpu.memory_space<vmem>>) dst(%dma_wait3A_93 : memref<10240xf32, #tpu.memory_space<vmem_shared>>)
    %dma_wait3A_94 = arith.constant 39 : i32
    %dma_wait3A_95 = arith.constant 0 : i32
    %dma_wait3A_96 = tpu.memref_slice %arg7[%dma_wait3A_94, %dma_wait3A_95] : memref<40x128xi32, #tpu.memory_space<vmem>> -> memref<1x128xi32, #tpu.memory_space<vmem>>
    %dma_wait3A_97 = tpu.memref_squeeze %dma_wait3A_96 : memref<1x128xi32, #tpu.memory_space<vmem>> -> memref<128xi32, #tpu.memory_space<vmem>>
    %dma_wait3A_98 = arith.constant 0 : i32
    %dma_wait3A_99 = tpu.memref_slice %arg9[%dma_wait3A_98] : memref<10240xf32, #tpu.memory_space<vmem_shared>> -> memref<10240xf32, #tpu.memory_space<vmem_shared>>
    tpu.wait_indirect_dma semaphore(%arg15 : memref<!tpu.dma_semaphore, #tpu.memory_space<semaphore_mem>>) src(%arg11 : memref<128xf32, #tpu.memory_space<vmem>>) dst(%dma_wait3A_99 : memref<10240xf32, #tpu.memory_space<vmem_shared>>)
    %barrier3A_100 = arith.constant 0 : index
    tpu.barrier barrier_id(%barrier3A_100)
    "tpu.region"() ({
      %run_scoped3A = tpu.sem_alloc : memref<!tpu.dma_semaphore, #tpu.memory_space<semaphore_mem>>
      %dma_start3A_101 = tpu.memref_slice %arg5[%arg0, %mul3A_38] : memref<2x10240xf32, #tpu.memory_space<hbm>> -> memref<1x640xf32, #tpu.memory_space<hbm>>
      %dma_start3A_102 = tpu.memref_squeeze %dma_start3A_101 : memref<1x640xf32, #tpu.memory_space<hbm>> -> memref<640xf32, #tpu.memory_space<hbm>>
      %dma_start3A_103 = tpu.memref_slice %arg9[%mul3A_38] : memref<10240xf32, #tpu.memory_space<vmem_shared>> -> memref<640xf32, #tpu.memory_space<vmem_shared>>
      tpu.enqueue_dma source(%dma_start3A_103 : memref<640xf32, #tpu.memory_space<vmem_shared>>) target(%dma_start3A_102 : memref<640xf32, #tpu.memory_space<hbm>>) target_semaphore(%run_scoped3A : memref<!tpu.dma_semaphore, #tpu.memory_space<semaphore_mem>>)
      %dma_wait3A_104 = tpu.memref_slice %arg5[%arg0, %mul3A_38] : memref<2x10240xf32, #tpu.memory_space<hbm>> -> memref<1x640xf32, #tpu.memory_space<hbm>>
      %dma_wait3A_105 = tpu.memref_squeeze %dma_wait3A_104 : memref<1x640xf32, #tpu.memory_space<hbm>> -> memref<640xf32, #tpu.memory_space<hbm>>
      %dma_wait3A_106 = tpu.memref_slice %arg9[%mul3A_38] : memref<10240xf32, #tpu.memory_space<vmem_shared>> -> memref<640xf32, #tpu.memory_space<vmem_shared>>
      tpu.wait_dma2 semaphore(%run_scoped3A : memref<!tpu.dma_semaphore, #tpu.memory_space<semaphore_mem>>) src(%dma_wait3A_106 : memref<640xf32, #tpu.memory_space<vmem_shared>>) dst(%dma_wait3A_105 : memref<640xf32, #tpu.memory_space<hbm>>)
      tpu.yield
    }) : () -> ()
    return
  }
}

module attributes {stable_mosaic.version = 14 : i64} {
  func.func @_mm_body(%arg0: i32, %arg1: memref<1000x300xf32, #tpu.memory_space<vmem>>, %arg2: memref<128x300xf32, #tpu.memory_space<vmem>>, %arg3: memref<1000x128xf32, #tpu.memory_space<vmem>>) attributes {dimension_semantics = [#tpu.dimension_semantics<arbitrary>], iteration_bounds = array<i64: 10>, scalar_prefetch = 0 : i64, scratch_operands = 0 : i64, tpu.core_type = #tpu.core_type<tc>, window_params = [{transform_indices = @transform_0, window_bounds = array<i64: 1000, 300>}, {pipeline_mode = #tpu.pipeline_mode<synchronous>, transform_indices = @transform_1, window_bounds = array<i64: 128, 300>}, {transform_indices = @transform_2, window_bounds = array<i64: 1000, 128>}]} {
    %get3A = arith.constant 0 : index
    %get3A_0 = arith.constant 0 : index
    %get3A_1 = vector.load %arg1[%get3A, %get3A_0] : memref<1000x300xf32, #tpu.memory_space<vmem>>, vector<1000x300xf32>
    %get3A_2 = arith.constant 0 : index
    %get3A_3 = arith.constant 0 : index
    %get3A_4 = vector.load %arg2[%get3A_2, %get3A_3] : memref<128x300xf32, #tpu.memory_space<vmem>>, vector<128x300xf32>
    %dot_general3A = arith.constant dense<0.000000e+00> : vector<1000x128xf32>
    %dot_general3A_5 = tpu.matmul %get3A_1, %get3A_4, %dot_general3A {dimension_numbers = #tpu.dot_dimension_numbers<[1], [1], [0], [0], [0, 0, 1, 0], [], []>, transpose_lhs_hint = false} : vector<1000x300xf32>, vector<128x300xf32>, vector<1000x128xf32> -> vector<1000x128xf32>
    %swap3A = arith.constant 0 : index
    %swap3A_6 = arith.constant 0 : index
    %swap3A_7 = vector.load %arg3[%swap3A, %swap3A_6] : memref<1000x128xf32, #tpu.memory_space<vmem>>, vector<1000x128xf32>
    tpu.vector_store %arg3[%swap3A, %swap3A_6], %dot_general3A_5 {strides = array<i32>} : memref<1000x128xf32, #tpu.memory_space<vmem>>, vector<1000x128xf32>,
    return
  }
  func.func @transform_0(%arg0: i32) -> (i32, i32) {
    %c0_i32 = arith.constant 0 : i32
    %c0_i32_0 = arith.constant 0 : i32
    return %arg0, %c0_i32 : i32, i32
  }
  func.func @transform_1(%arg0: i32) -> (i32, i32) {
    %c0_i32 = arith.constant 0 : i32
    %c0_i32_0 = arith.constant 0 : i32
    %c0_i32_1 = arith.constant 0 : i32
    return %c0_i32, %c0_i32_0 : i32, i32
  }
  func.func @transform_2(%arg0: i32) -> (i32, i32) {
    %c0_i32 = arith.constant 0 : i32
    %c0_i32_0 = arith.constant 0 : i32
    return %arg0, %c0_i32 : i32, i32
  }
}

module attributes {stable_mosaic.version = 14 : i64} {
  func.func @_k2_body(%arg0: i32, %arg1: memref<1x1000x128xf32, #tpu.memory_space<vmem>>, %arg2: memref<1x1000x128xf32, #tpu.memory_space<vmem>>, %arg3: memref<1000x128xf32, #tpu.memory_space<vmem>>, %arg4: memref<1x1000x1xf32, #tpu.memory_space<vmem>>, %arg5: memref<1x1000x1xf32, #tpu.memory_space<vmem>>, %arg6: memref<1x128xf32, #tpu.memory_space<vmem>>, %arg7: memref<1x128xf32, #tpu.memory_space<vmem>>, %arg8: memref<1x128xf32, #tpu.memory_space<vmem>>, %arg9: memref<1x128xf32, #tpu.memory_space<vmem>>, %arg10: memref<1x128xf32, #tpu.memory_space<vmem>>, %arg11: memref<128x128xf32, #tpu.memory_space<vmem>>, %arg12: memref<128x128xf32, #tpu.memory_space<vmem>>, %arg13: memref<1x128xf32, #tpu.memory_space<vmem>>, %arg14: memref<1x128xf32, #tpu.memory_space<vmem>>, %arg15: memref<1x1xf32, #tpu.memory_space<vmem>>, %arg16: memref<1000x1xf32, #tpu.memory_space<vmem>>, %arg17: memref<1000x1xf32, #tpu.memory_space<vmem>>) attributes {dimension_semantics = [#tpu.dimension_semantics<arbitrary>], iteration_bounds = array<i64: 10>, scalar_prefetch = 0 : i64, scratch_operands = 0 : i64, tpu.core_type = #tpu.core_type<tc>, window_params = [{transform_indices = @transform_0, window_bounds = array<i64: 1, 1000, 128>}, {transform_indices = @transform_1, window_bounds = array<i64: 1, 1000, 128>}, {transform_indices = @transform_2, window_bounds = array<i64: 1000, 128>}, {transform_indices = @transform_3, window_bounds = array<i64: 1, 1000, 1>}, {transform_indices = @transform_4, window_bounds = array<i64: 1, 1000, 1>}, {pipeline_mode = #tpu.pipeline_mode<synchronous>, transform_indices = @transform_5, window_bounds = array<i64: 1, 128>}, {pipeline_mode = #tpu.pipeline_mode<synchronous>, transform_indices = @transform_6, window_bounds = array<i64: 1, 128>}, {pipeline_mode = #tpu.pipeline_mode<synchronous>, transform_indices = @transform_7, window_bounds = array<i64: 1, 128>}, {pipeline_mode = #tpu.pipeline_mode<synchronous>, transform_indices = @transform_8, window_bounds = array<i64: 1, 128>}, {pipeline_mode = #tpu.pipeline_mode<synchronous>, transform_indices = @transform_9, window_bounds = array<i64: 1, 128>}, {pipeline_mode = #tpu.pipeline_mode<synchronous>, transform_indices = @transform_10, window_bounds = array<i64: 128, 128>}, {pipeline_mode = #tpu.pipeline_mode<synchronous>, transform_indices = @transform_11, window_bounds = array<i64: 128, 128>}, {pipeline_mode = #tpu.pipeline_mode<synchronous>, transform_indices = @transform_12, window_bounds = array<i64: 1, 128>}, {pipeline_mode = #tpu.pipeline_mode<synchronous>, transform_indices = @transform_13, window_bounds = array<i64: 1, 128>}, {pipeline_mode = #tpu.pipeline_mode<synchronous>, transform_indices = @transform_14, window_bounds = array<i64: 1, 1>}, {transform_indices = @transform_15, window_bounds = array<i64: 1000, 1>}, {transform_indices = @transform_16, window_bounds = array<i64: 1000, 1>}]} {
    %get3A = arith.constant 0 : index
    %get3A_0 = arith.constant 0 : index
    %get3A_1 = arith.constant 0 : index
    %get3A_2 = vector.load %arg4[%get3A, %get3A_0, %get3A_1] : memref<1x1000x1xf32, #tpu.memory_space<vmem>>, vector<1x1000x1xf32>
    %get3A_3 = vector.shape_cast %get3A_2 : vector<1x1000x1xf32> to vector<1000x1xf32>
    %get3A_4 = arith.constant 0 : index
    %get3A_5 = arith.constant 0 : index
    %get3A_6 = arith.constant 0 : index
    %get3A_7 = vector.load %arg5[%get3A_4, %get3A_5, %get3A_6] : memref<1x1000x1xf32, #tpu.memory_space<vmem>>, vector<1x1000x1xf32>
    %get3A_8 = vector.shape_cast %get3A_7 : vector<1x1000x1xf32> to vector<1000x1xf32>
    %add3A = arith.addf %get3A_3, %get3A_8 : vector<1000x1xf32>
    %max3A = arith.constant 1.000000e+00 : f32
    %max3A_9 = vector.broadcast %max3A : f32 to vector<1000x1xf32>
    %max3A_10 = arith.maximumf %add3A, %max3A_9 : vector<1000x1xf32>
    %get3A_11 = arith.constant 0 : index
    %get3A_12 = arith.constant 0 : index
    %get3A_13 = arith.constant 0 : index
    %get3A_14 = vector.load %arg1[%get3A_11, %get3A_12, %get3A_13] : memref<1x1000x128xf32, #tpu.memory_space<vmem>>, vector<1x1000x128xf32>
    %get3A_15 = vector.shape_cast %get3A_14 : vector<1x1000x128xf32> to vector<1000x128xf32>
    %get3A_16 = arith.constant 0 : index
    %get3A_17 = arith.constant 0 : index
    %get3A_18 = arith.constant 0 : index
    %get3A_19 = vector.load %arg2[%get3A_16, %get3A_17, %get3A_18] : memref<1x1000x128xf32, #tpu.memory_space<vmem>>, vector<1x1000x128xf32>
    %get3A_20 = vector.shape_cast %get3A_19 : vector<1x1000x128xf32> to vector<1000x128xf32>
    %add3A_21 = arith.addf %get3A_15, %get3A_20 : vector<1000x128xf32>
    %div3A = vector.broadcast %max3A_10 : vector<1000x1xf32> to vector<1000x128xf32>
    %div3A_22 = arith.divf %add3A_21, %div3A : vector<1000x128xf32>
    %get3A_23 = arith.constant 0 : index
    %get3A_24 = arith.constant 0 : index
    %get3A_25 = vector.load %arg6[%get3A_23, %get3A_24] : memref<1x128xf32, #tpu.memory_space<vmem>>, vector<1x128xf32>
    %add3A_26 = vector.broadcast %get3A_25 : vector<1x128xf32> to vector<1000x128xf32>
    %add3A_27 = arith.addf %div3A_22, %add3A_26 : vector<1000x128xf32>
    %get3A_28 = arith.constant 0 : index
    %get3A_29 = arith.constant 0 : index
    %get3A_30 = vector.load %arg3[%get3A_28, %get3A_29] : memref<1000x128xf32, #tpu.memory_space<vmem>>, vector<1000x128xf32>
    %add3A_31 = arith.addf %add3A_27, %get3A_30 : vector<1000x128xf32>
    %get3A_32 = arith.constant 0 : index
    %get3A_33 = arith.constant 0 : index
    %get3A_34 = vector.load %arg7[%get3A_32, %get3A_33] : memref<1x128xf32, #tpu.memory_space<vmem>>, vector<1x128xf32>
    %get3A_35 = arith.constant 0 : index
    %get3A_36 = arith.constant 0 : index
    %get3A_37 = vector.load %arg10[%get3A_35, %get3A_36] : memref<1x128xf32, #tpu.memory_space<vmem>>, vector<1x128xf32>
    %add3A_38 = arith.constant 9.99999974E-6 : f32
    %add3A_39 = vector.broadcast %add3A_38 : f32 to vector<1x128xf32>
    %add3A_40 = arith.addf %get3A_37, %add3A_39 : vector<1x128xf32>
    %rsqrt3A = math.rsqrt %add3A_40 : vector<1x128xf32>
    %mul3A = arith.mulf %get3A_34, %rsqrt3A : vector<1x128xf32>
    %get3A_41 = arith.constant 0 : index
    %get3A_42 = arith.constant 0 : index
    %get3A_43 = vector.load %arg9[%get3A_41, %get3A_42] : memref<1x128xf32, #tpu.memory_space<vmem>>, vector<1x128xf32>
    %sub3A = vector.broadcast %get3A_43 : vector<1x128xf32> to vector<1000x128xf32>
    %sub3A_44 = arith.subf %add3A_31, %sub3A : vector<1000x128xf32>
    %mul3A_45 = vector.broadcast %mul3A : vector<1x128xf32> to vector<1000x128xf32>
    %mul3A_46 = arith.mulf %mul3A_45, %sub3A_44 : vector<1000x128xf32>
    %get3A_47 = arith.constant 0 : index
    %get3A_48 = arith.constant 0 : index
    %get3A_49 = vector.load %arg8[%get3A_47, %get3A_48] : memref<1x128xf32, #tpu.memory_space<vmem>>, vector<1x128xf32>
    %add3A_50 = vector.broadcast %get3A_49 : vector<1x128xf32> to vector<1000x128xf32>
    %add3A_51 = arith.addf %mul3A_46, %add3A_50 : vector<1000x128xf32>
    %max3A_52 = arith.constant 0.000000e+00 : f32
    %max3A_53 = vector.broadcast %max3A_52 : f32 to vector<1000x128xf32>
    %max3A_54 = arith.maximumf %add3A_51, %max3A_53 : vector<1000x128xf32>
    %get3A_55 = arith.constant 0 : index
    %get3A_56 = arith.constant 0 : index
    %get3A_57 = vector.load %arg11[%get3A_55, %get3A_56] : memref<128x128xf32, #tpu.memory_space<vmem>>, vector<128x128xf32>
    %get3A_58 = arith.constant 0 : index
    %get3A_59 = arith.constant 0 : index
    %get3A_60 = vector.load %arg13[%get3A_58, %get3A_59] : memref<1x128xf32, #tpu.memory_space<vmem>>, vector<1x128xf32>
    %dot_general3A = arith.constant dense<0.000000e+00> : vector<128x1xf32>
    %dot_general3A_61 = tpu.matmul %get3A_57, %get3A_60, %dot_general3A {dimension_numbers = #tpu.dot_dimension_numbers<[0], [1], [1], [0], [0, 1, 1, 0], [], []>, transpose_lhs_hint = false} : vector<128x128xf32>, vector<1x128xf32>, vector<128x1xf32> -> vector<128x1xf32>
    %get3A_62 = arith.constant 0 : index
    %get3A_63 = arith.constant 0 : index
    %get3A_64 = vector.load %arg12[%get3A_62, %get3A_63] : memref<128x128xf32, #tpu.memory_space<vmem>>, vector<128x128xf32>
    %get3A_65 = arith.constant 0 : index
    %get3A_66 = arith.constant 0 : index
    %get3A_67 = vector.load %arg13[%get3A_65, %get3A_66] : memref<1x128xf32, #tpu.memory_space<vmem>>, vector<1x128xf32>
    %dot_general3A_68 = arith.constant dense<0.000000e+00> : vector<128x1xf32>
    %dot_general3A_69 = tpu.matmul %get3A_64, %get3A_67, %dot_general3A_68 {dimension_numbers = #tpu.dot_dimension_numbers<[0], [1], [1], [0], [0, 1, 1, 0], [], []>, transpose_lhs_hint = false} : vector<128x128xf32>, vector<1x128xf32>, vector<128x1xf32> -> vector<128x1xf32>
    %dot_general3A_70 = arith.constant dense<0.000000e+00> : vector<1000x1xf32>
    %dot_general3A_71 = tpu.matmul %max3A_54, %dot_general3A_61, %dot_general3A_70 {dimension_numbers = #tpu.dot_dimension_numbers<[1], [0], [0], [1], [0, 0, 1, 1], [], []>, transpose_lhs_hint = false} : vector<1000x128xf32>, vector<128x1xf32>, vector<1000x1xf32> -> vector<1000x1xf32>
    %swap3A = arith.constant 0 : index
    %swap3A_72 = arith.constant 0 : index
    %swap3A_73 = vector.load %arg16[%swap3A, %swap3A_72] : memref<1000x1xf32, #tpu.memory_space<vmem>>, vector<1000x1xf32>
    tpu.vector_store %arg16[%swap3A, %swap3A_72], %dot_general3A_71 {strides = array<i32>} : memref<1000x1xf32, #tpu.memory_space<vmem>>, vector<1000x1xf32>,
    %get3A_74 = arith.constant 0 : index
    %get3A_75 = arith.constant 0 : index
    %get3A_76 = vector.load %arg14[%get3A_74, %get3A_75] : memref<1x128xf32, #tpu.memory_space<vmem>>, vector<1x128xf32>
    %get3A_77 = arith.constant 0 : index
    %get3A_78 = arith.constant 0 : index
    %get3A_79 = vector.load %arg13[%get3A_77, %get3A_78] : memref<1x128xf32, #tpu.memory_space<vmem>>, vector<1x128xf32>
    %mul3A_80 = arith.mulf %get3A_76, %get3A_79 : vector<1x128xf32>
    %reduce_sum3A = vector.shape_cast %mul3A_80 : vector<1x128xf32> to vector<1x1x128xf32>
    %reduce_sum3A_81 = arith.constant dense<0.000000e+00> : vector<1xf32>
    %reduce_sum3A_82 = vector.multi_reduction <add>, %reduce_sum3A, %reduce_sum3A_81 [1, 2] : vector<1x1x128xf32> to vector<1xf32>
    %reduce_sum3A_83 = vector.shape_cast %reduce_sum3A_82 : vector<1xf32> to vector<1x1x1xf32>
    %reduce_sum3A_84 = vector.extract %reduce_sum3A_83[0, 0, 0] : f32 from vector<1x1x1xf32>
    %get3A_85 = arith.constant 0 : index
    %get3A_86 = arith.constant 0 : index
    %get3A_87 = vector.load %arg15[%get3A_85, %get3A_86] : memref<1x1xf32, #tpu.memory_space<vmem>>, vector<1x1xf32>
    %get3A_88 = vector.extract %get3A_87[0, 0] : f32 from vector<1x1xf32>
    %add3A_89 = arith.addf %reduce_sum3A_84, %get3A_88 : f32
    %dot_general3A_90 = arith.constant dense<0.000000e+00> : vector<1000x1xf32>
    %dot_general3A_91 = tpu.matmul %max3A_54, %dot_general3A_69, %dot_general3A_90 {dimension_numbers = #tpu.dot_dimension_numbers<[1], [0], [0], [1], [0, 0, 1, 1], [], []>, transpose_lhs_hint = false} : vector<1000x128xf32>, vector<128x1xf32>, vector<1000x1xf32> -> vector<1000x1xf32>
    %add3A_92 = vector.broadcast %add3A_89 : f32 to vector<1000x1xf32>
    %add3A_93 = arith.addf %dot_general3A_91, %add3A_92 : vector<1000x1xf32>
    %swap3A_94 = arith.constant 0 : index
    %swap3A_95 = arith.constant 0 : index
    %swap3A_96 = vector.load %arg17[%swap3A_94, %swap3A_95] : memref<1000x1xf32, #tpu.memory_space<vmem>>, vector<1000x1xf32>
    tpu.vector_store %arg17[%swap3A_94, %swap3A_95], %add3A_93 {strides = array<i32>} : memref<1000x1xf32, #tpu.memory_space<vmem>>, vector<1000x1xf32>,
    return
  }
  func.func @transform_0(%arg0: i32) -> (i32, i32, i32) {
    %c0_i32 = arith.constant 0 : i32
    %c0_i32_0 = arith.constant 0 : i32
    %c0_i32_1 = arith.constant 0 : i32
    return %c0_i32, %arg0, %c0_i32_0 : i32, i32, i32
  }
  func.func @transform_1(%arg0: i32) -> (i32, i32, i32) {
    %c1_i32 = arith.constant 1 : i32
    %c0_i32 = arith.constant 0 : i32
    %c0_i32_0 = arith.constant 0 : i32
    return %c1_i32, %arg0, %c0_i32 : i32, i32, i32
  }
  func.func @transform_2(%arg0: i32) -> (i32, i32) {
    %c0_i32 = arith.constant 0 : i32
    %c0_i32_0 = arith.constant 0 : i32
    return %arg0, %c0_i32 : i32, i32
  }
  func.func @transform_3(%arg0: i32) -> (i32, i32, i32) {
    %c0_i32 = arith.constant 0 : i32
    %c0_i32_0 = arith.constant 0 : i32
    %c0_i32_1 = arith.constant 0 : i32
    return %c0_i32, %arg0, %c0_i32_0 : i32, i32, i32
  }
  func.func @transform_4(%arg0: i32) -> (i32, i32, i32) {
    %c1_i32 = arith.constant 1 : i32
    %c0_i32 = arith.constant 0 : i32
    %c0_i32_0 = arith.constant 0 : i32
    return %c1_i32, %arg0, %c0_i32 : i32, i32, i32
  }
  func.func @transform_5(%arg0: i32) -> (i32, i32) {
    %c0_i32 = arith.constant 0 : i32
    %c0_i32_0 = arith.constant 0 : i32
    %c0_i32_1 = arith.constant 0 : i32
    return %c0_i32, %c0_i32_0 : i32, i32
  }
  func.func @transform_6(%arg0: i32) -> (i32, i32) {
    %c0_i32 = arith.constant 0 : i32
    %c0_i32_0 = arith.constant 0 : i32
    %c0_i32_1 = arith.constant 0 : i32
    return %c0_i32, %c0_i32_0 : i32, i32
  }
  func.func @transform_7(%arg0: i32) -> (i32, i32) {
    %c0_i32 = arith.constant 0 : i32
    %c0_i32_0 = arith.constant 0 : i32
    %c0_i32_1 = arith.constant 0 : i32
    return %c0_i32, %c0_i32_0 : i32, i32
  }
  func.func @transform_8(%arg0: i32) -> (i32, i32) {
    %c0_i32 = arith.constant 0 : i32
    %c0_i32_0 = arith.constant 0 : i32
    %c0_i32_1 = arith.constant 0 : i32
    return %c0_i32, %c0_i32_0 : i32, i32
  }
  func.func @transform_9(%arg0: i32) -> (i32, i32) {
    %c0_i32 = arith.constant 0 : i32
    %c0_i32_0 = arith.constant 0 : i32
    %c0_i32_1 = arith.constant 0 : i32
    return %c0_i32, %c0_i32_0 : i32, i32
  }
  func.func @transform_10(%arg0: i32) -> (i32, i32) {
    %c0_i32 = arith.constant 0 : i32
    %c0_i32_0 = arith.constant 0 : i32
    %c0_i32_1 = arith.constant 0 : i32
    return %c0_i32, %c0_i32_0 : i32, i32
  }
  func.func @transform_11(%arg0: i32) -> (i32, i32) {
    %c0_i32 = arith.constant 0 : i32
    %c0_i32_0 = arith.constant 0 : i32
    %c0_i32_1 = arith.constant 0 : i32
    return %c0_i32, %c0_i32_0 : i32, i32
  }
  func.func @transform_12(%arg0: i32) -> (i32, i32) {
    %c0_i32 = arith.constant 0 : i32
    %c0_i32_0 = arith.constant 0 : i32
    %c0_i32_1 = arith.constant 0 : i32
    return %c0_i32, %c0_i32_0 : i32, i32
  }
  func.func @transform_13(%arg0: i32) -> (i32, i32) {
    %c0_i32 = arith.constant 0 : i32
    %c0_i32_0 = arith.constant 0 : i32
    %c0_i32_1 = arith.constant 0 : i32
    return %c0_i32, %c0_i32_0 : i32, i32
  }
  func.func @transform_14(%arg0: i32) -> (i32, i32) {
    %c0_i32 = arith.constant 0 : i32
    %c0_i32_0 = arith.constant 0 : i32
    %c0_i32_1 = arith.constant 0 : i32
    return %c0_i32, %c0_i32_0 : i32, i32
  }
  func.func @transform_15(%arg0: i32) -> (i32, i32) {
    %c0_i32 = arith.constant 0 : i32
    %c0_i32_0 = arith.constant 0 : i32
    return %arg0, %c0_i32 : i32, i32
  }
  func.func @transform_16(%arg0: i32) -> (i32, i32) {
    %c0_i32 = arith.constant 0 : i32
    %c0_i32_0 = arith.constant 0 : i32
    return %arg0, %c0_i32 : i32, i32
  }
}

module attributes {stable_mosaic.version = 14 : i64} {
  func.func @_k3_body(%arg0: i32, %arg1: memref<1x2000x1xf32, #tpu.memory_space<vmem>>, %arg2: memref<1x2000x1xf32, #tpu.memory_space<vmem>>, %arg3: memref<1x2000x1xf32, #tpu.memory_space<vmem>>, %arg4: memref<1x2000x1xf32, #tpu.memory_space<vmem>>, %arg5: memref<2000x1xf32, #tpu.memory_space<vmem>>, %arg6: memref<2000x1xf32, #tpu.memory_space<vmem>>) attributes {dimension_semantics = [#tpu.dimension_semantics<arbitrary>], iteration_bounds = array<i64: 5>, scalar_prefetch = 0 : i64, scratch_operands = 0 : i64, tpu.core_type = #tpu.core_type<tc>, window_params = [{transform_indices = @transform_0, window_bounds = array<i64: 1, 2000, 1>}, {transform_indices = @transform_1, window_bounds = array<i64: 1, 2000, 1>}, {transform_indices = @transform_2, window_bounds = array<i64: 1, 2000, 1>}, {transform_indices = @transform_3, window_bounds = array<i64: 1, 2000, 1>}, {transform_indices = @transform_4, window_bounds = array<i64: 2000, 1>}, {transform_indices = @transform_5, window_bounds = array<i64: 2000, 1>}]} {
    %get3A = arith.constant 0 : index
    %get3A_0 = arith.constant 0 : index
    %get3A_1 = arith.constant 0 : index
    %get3A_2 = vector.load %arg3[%get3A, %get3A_0, %get3A_1] : memref<1x2000x1xf32, #tpu.memory_space<vmem>>, vector<1x2000x1xf32>
    %get3A_3 = vector.shape_cast %get3A_2 : vector<1x2000x1xf32> to vector<2000x1xf32>
    %get3A_4 = arith.constant 0 : index
    %get3A_5 = arith.constant 0 : index
    %get3A_6 = arith.constant 0 : index
    %get3A_7 = vector.load %arg4[%get3A_4, %get3A_5, %get3A_6] : memref<1x2000x1xf32, #tpu.memory_space<vmem>>, vector<1x2000x1xf32>
    %get3A_8 = vector.shape_cast %get3A_7 : vector<1x2000x1xf32> to vector<2000x1xf32>
    %add3A = arith.addf %get3A_3, %get3A_8 : vector<2000x1xf32>
    %max3A = arith.constant 1.000000e+00 : f32
    %max3A_9 = vector.broadcast %max3A : f32 to vector<2000x1xf32>
    %max3A_10 = arith.maximumf %add3A, %max3A_9 : vector<2000x1xf32>
    %get3A_11 = arith.constant 0 : index
    %get3A_12 = arith.constant 0 : index
    %get3A_13 = arith.constant 0 : index
    %get3A_14 = vector.load %arg1[%get3A_11, %get3A_12, %get3A_13] : memref<1x2000x1xf32, #tpu.memory_space<vmem>>, vector<1x2000x1xf32>
    %get3A_15 = vector.shape_cast %get3A_14 : vector<1x2000x1xf32> to vector<2000x1xf32>
    %get3A_16 = arith.constant 0 : index
    %get3A_17 = arith.constant 0 : index
    %get3A_18 = arith.constant 0 : index
    %get3A_19 = vector.load %arg2[%get3A_16, %get3A_17, %get3A_18] : memref<1x2000x1xf32, #tpu.memory_space<vmem>>, vector<1x2000x1xf32>
    %get3A_20 = vector.shape_cast %get3A_19 : vector<1x2000x1xf32> to vector<2000x1xf32>
    %add3A_21 = arith.addf %get3A_15, %get3A_20 : vector<2000x1xf32>
    %div3A = arith.divf %add3A_21, %max3A_10 : vector<2000x1xf32>
    %get3A_22 = arith.constant 0 : index
    %get3A_23 = arith.constant 0 : index
    %get3A_24 = vector.load %arg5[%get3A_22, %get3A_23] : memref<2000x1xf32, #tpu.memory_space<vmem>>, vector<2000x1xf32>
    %add3A_25 = arith.addf %div3A, %get3A_24 : vector<2000x1xf32>
    %swap3A = arith.constant 0 : index
    %swap3A_26 = arith.constant 0 : index
    %swap3A_27 = vector.load %arg6[%swap3A, %swap3A_26] : memref<2000x1xf32, #tpu.memory_space<vmem>>, vector<2000x1xf32>
    tpu.vector_store %arg6[%swap3A, %swap3A_26], %add3A_25 {strides = array<i32>} : memref<2000x1xf32, #tpu.memory_space<vmem>>, vector<2000x1xf32>,
    return
  }
  func.func @transform_0(%arg0: i32) -> (i32, i32, i32) {
    %c0_i32 = arith.constant 0 : i32
    %c0_i32_0 = arith.constant 0 : i32
    %c0_i32_1 = arith.constant 0 : i32
    return %c0_i32, %arg0, %c0_i32_0 : i32, i32, i32
  }
  func.func @transform_1(%arg0: i32) -> (i32, i32, i32) {
    %c1_i32 = arith.constant 1 : i32
    %c0_i32 = arith.constant 0 : i32
    %c0_i32_0 = arith.constant 0 : i32
    return %c1_i32, %arg0, %c0_i32 : i32, i32, i32
  }
  func.func @transform_2(%arg0: i32) -> (i32, i32, i32) {
    %c0_i32 = arith.constant 0 : i32
    %c0_i32_0 = arith.constant 0 : i32
    %c0_i32_1 = arith.constant 0 : i32
    return %c0_i32, %arg0, %c0_i32_0 : i32, i32, i32
  }
  func.func @transform_3(%arg0: i32) -> (i32, i32, i32) {
    %c1_i32 = arith.constant 1 : i32
    %c0_i32 = arith.constant 0 : i32
    %c0_i32_0 = arith.constant 0 : i32
    return %c1_i32, %arg0, %c0_i32 : i32, i32, i32
  }
  func.func @transform_4(%arg0: i32) -> (i32, i32) {
    %c0_i32 = arith.constant 0 : i32
    %c0_i32_0 = arith.constant 0 : i32
    return %arg0, %c0_i32 : i32, i32
  }
  func.func @transform_5(%arg0: i32) -> (i32, i32) {
    %c0_i32 = arith.constant 0 : i32
    %c0_i32_0 = arith.constant 0 : i32
    return %arg0, %c0_i32 : i32, i32
  }
}

</mosaic_0001>

<sc_bundles>
// kernel: kernel.11.cloned.1.call-start
scs
__scs_entry_jumppad:
0x0: {  	(pc) =	sbr.rel $0x88, $3  }
0x1: {  	(tag) =	ssettag $0x0;
	lr =	simm.s32 $0x1  }
0x2: {  	[smem:$0x3F93] =	sst lr;
	_ =	strace $0xD0000000  }
0x3: {  	_ = 	snop  }
0x4: {  	_ = 	snop  }
0x5: {  	_ = 	snop  }
0x6: {  	_ = 	snop  }
0x7: {  	_ = 	snop  }
__scs_overlays_trampoline_lowered:
0x8: {  	[smem:$0x3FA2] =	sst s0  }
0x9: {  	[smem:$0x3FA3] =	sst s1  }
0xa: {  	[smem:$0x3FA4] =	sst s2  }
0xb: {  	[smem:$0x3FA5] =	sst s3  }
0xc: {  	[smem:$0x3FA6] =	sst s4  }
0xd: {  	[smem:$0x3FA7] =	sst s5  }
0xe: {  	[smem:$0x3FA8] =	sst s6  }
0xf: {  	[smem:$0x3FA9] =	sst s7  }
0x10: {  	[smem:$0x3FAA] =	sst s8  }
0x11: {  	[smem:$0x3FAB] =	sst s9;
	s0 =	simm.s32 @!p0 $0x0  }
0x12: {  	s1 =	sld [smem:$0x3F91];
	s0 =	simm.s32 @p0 $0x1  }
0x13: {  	[smem:$0x3FAC] =	sst s0;
	s0 =	simm.s32 @!p1 $0x0  }
0x14: {  	s2 =	sld [smem:$0x3F90];
	s0 =	simm.s32 @p1 $0x1  }
0x15: {  	[smem:$0x3FAD] =	sst s0;
	s0 =	simm.s32 @!p2 $0x0  }
0x16: {  	s3 =	sld [smem:$0x3FDB];
	s0 =	simm.s32 @p2 $0x1  }
0x17: {  	s4 =	simm.s32 $0x1BF5;
	[smem:$0x3FAF] =	sst s0  }
0x18: {  	s0 =	sld [smem:$0x3F92];
	_ =	swait.ge [sflag:s4], $0x0  }
0x19: {  	s7 =	sld [smem:$0x3F93]  }
0x1a: {  	s8 =	sadd.s32 $0xFFFFE003, lr  }
0x1b: {  	s9 =	sadd.s32 $0xFFFFFEF7, lr;
	s5 =	simm.s32 $0xFFFFFFFF;
	p2 =	slt.u32 s8, $0xFFFFF086  }
0x1c: {  	p1 =	slt.u32 s9, $0xF7A;
	s5 =	simm.s32 @!p2 $0x0  }
0x1d: {  	s5 =	simm.s32 @p1 $0x1;
	p0 =	seq.s32 s7, s2  }
0x1e: {  	s7 =	smul.u32 @!p0 $0xF7A, s2;
	p2 =	seq.s32 @!p0 s5, $0x0  }
0x1f: {  	s9 =	smul.u32 $0xF7A, s1;
	s8 =	simm.s32 @!p0 $0x1BF5;
	p2 =	por !p2, p0  }
0x20: {  	[sflag:s8] =	ssyncset.s32 @!p0 $0xFFFFF086;
	s6 =	sadd.s32 @!p0 s3, s7;
	s7 =	simm.s32 @!p0 $0x108  }
0x21: {  	s3 =	sadd.s32 s3, s9;
	s6 =	sadd.s32 @!p0 $0x88, s6;
	s7 =	simm.s32 @p2 $0x1082  }
0x22: {  	[simem:s7], [sflag:s8] =	dma.local @!p0 [hbm:s6], $0xF7A  }
0x23: {  	s9 =	sor.u32 $0xD0000000, s2;
	s6 =	simm.s32 $0x108;
	_ =	swait.ge @!p0 [sflag:s8], $0x0  }
0x24: {  	s3 =	sadd.s32 $0x88, s3;
	s6 =	simm.s32 @!p1 $0x1082;
	[sflag:s4] =	ssyncset.s32 $0xFFFFF086  }
0x25: {  	[simem:s6], [sflag:s4] =	dma.local [hbm:s3], $0xF7A  }
0x26: {  	[smem:$0x3F93] =	sst s1;
	(tag) =	ssettag s2;
	_ =	strace s9  }
0x27: {  	s1 =	sld [smem:$0x3FA3]  }
0x28: {  	s2 =	sld [smem:$0x3FA4]  }
0x29: {  	s4 =	sld [smem:$0x3FA6]  }
0x2a: {  	p0 =	seq.s32 s5, $0x0;
	s5 =	sld [smem:$0x3FA7]  }
0x2b: {  	s6 =	sld [smem:$0x3FA8]  }
0x2c: {  	s7 =	sld [smem:$0x3FA9]  }
0x2d: {  	s3 =	simm.s32 $0x108;
	s8 =	sld [smem:$0x3FAA]  }
0x2e: {  	s3 =	simm.s32 @!p0 $0x1082;
	s9 =	sld [smem:$0x3FAB]  }
0x2f: {  	lr =	sadd.s32 s0, s3;
	s0 =	sld [smem:$0x3FA2]  }
0x30: {  	s3 =	sld [smem:$0x3FA5]  }
0x31: {  	[smem:$0x3FAE] =	sst s10  }
0x32: {  	s10 =	sld [smem:$0x3FAC];
	_ =	sdelay $0x3  }
0x33: {  	p0 =	seq.s32 s10, $0x1;
	s10 =	sld [smem:$0x3FAE];
	_ =	sdelay $0x3  }
0x34: {  	[smem:$0x3FAE] =	sst s10  }
0x35: {  	s10 =	sld [smem:$0x3FAD];
	_ =	sdelay $0x3  }
0x36: {  	p1 =	seq.s32 s10, $0x1;
	s10 =	sld [smem:$0x3FAE];
	_ =	sdelay $0x3  }
0x37: {  	[smem:$0x3FAE] =	sst s10  }
0x38: {  	s10 =	sld [smem:$0x3FAF]  }
0x39: {  	_ = 	snop;
	(pc) =	sbr.ind lr, $3  }
0x3a: {  	_ = 	snop  }
0x3b: {  	_ = 	snop  }
0x3c: {  	p2 =	seq.s32 s10, $0x1;
	s10 =	sld [smem:$0x3FAE]  }
0x3d: {  	_ =	shalt  }
0x3e: {  	_ =	shalt  }
0x3f: {  	_ =	shalt  }
0x40: {  	_ =	shalt  }
0x41: {  	_ =	shalt  }
0x42: {  	_ =	shalt  }
0x43: {  	_ =	shalt  }
0x44: {  	_ =	shalt  }
0x45: {  	_ =	shalt  }
0x46: {  	_ =	shalt  }
0x47: {  	_ =	shalt  }
0x48: {  	_ =	shalt  }
0x49: {  	_ =	shalt  }
0x4a: {  	_ =	shalt  }
0x4b: {  	_ =	shalt  }
0x4c: {  	_ =	shalt  }
0x4d: {  	_ =	shalt  }
0x4e: {  	_ =	shalt  }
0x4f: {  	_ =	shalt  }
0x50: {  	_ =	shalt  }
0x51: {  	_ =	shalt  }
0x52: {  	_ =	shalt  }
0x53: {  	_ =	shalt  }
0x54: {  	_ =	shalt  }
0x55: {  	_ =	shalt  }
0x56: {  	_ =	shalt  }
0x57: {  	_ =	shalt  }
0x58: {  	_ =	shalt  }
0x59: {  	_ =	shalt  }
0x5a: {  	_ =	shalt  }
0x5b: {  	_ =	shalt  }
0x5c: {  	_ =	shalt  }
0x5d: {  	_ =	shalt  }
0x5e: {  	_ =	shalt  }
0x5f: {  	_ =	shalt  }
0x60: {  	_ =	shalt  }
0x61: {  	_ =	shalt  }
0x62: {  	_ =	shalt  }
0x63: {  	_ =	shalt  }
0x64: {  	_ =	shalt  }
0x65: {  	_ =	shalt  }
0x66: {  	_ =	shalt  }
0x67: {  	_ =	shalt  }
0x68: {  	_ =	shalt  }
0x69: {  	_ =	shalt  }
0x6a: {  	_ =	shalt  }
0x6b: {  	_ =	shalt  }
0x6c: {  	_ =	shalt  }
0x6d: {  	_ =	shalt  }
0x6e: {  	_ =	shalt  }
0x6f: {  	_ =	shalt  }
0x70: {  	_ =	shalt  }
0x71: {  	_ =	shalt  }
0x72: {  	_ =	shalt  }
0x73: {  	_ =	shalt  }
0x74: {  	_ =	shalt  }
0x75: {  	_ =	shalt  }
0x76: {  	_ =	shalt  }
0x77: {  	_ =	shalt  }
0x78: {  	_ =	shalt  }
0x79: {  	_ =	shalt  }
0x7a: {  	_ =	shalt  }
0x7b: {  	_ =	shalt  }
0x7c: {  	_ =	shalt  }
0x7d: {  	_ =	shalt  }
0x7e: {  	_ =	shalt  }
0x7f: {  	_ =	shalt  }
0x80: {  	_ =	shalt  }
0x81: {  	_ =	shalt  }
0x82: {  	_ =	shalt  }
0x83: {  	_ =	shalt  }
0x84: {  	_ =	shalt  }
0x85: {  	_ =	shalt  }
0x86: {  	_ =	shalt  }
0x87: {  	_ =	shalt  }
.Lfunc_end0:
.L_simem_size_0:
called_computation.1_lowered:
.L_overlay_start_0:
0x88: {  	s2 =	sld [smem:$0x3FD9]  }
0x89: {  	s3 =	sld [smem:$0x3FFE];
	_ =	sdelay $0x1  }
0x8a: {  	s1 =	srdreg.scid  }
0x8b: {  	s0 =	sand.u32 $0x1, s1  }
0x8c: {  	s16 =	sshll.u32 s0, $0xA;
	s2 =	sadd.s32 s3, s2  }
0x8d: {  	s2 =	sadd.s32 s2, s16  }
0x8e: {  	[smem:$0x3FBA] =	sst s2  }
0x8f: {  	_ = 	snop  }
0x90: {  	(tm) =	ssettm $0x1  }
0x91: {  	s17 =	sld [smem:$0x3FFB];
	_ =	sdelay $0x3  }
0x92: {  	_ =	strace s17  }
0x93: {  	s2 =	sld [smem:$0x3FFC];
	_ =	sdelay $0x3  }
0x94: {  	_ =	strace s2  }
0x95: {  	s2 =	sld [smem:$0x3FFD];
	_ =	sdelay $0x3  }
0x96: {  	_ =	strace s2  }
0x97: {  	_ =	strace $0x8FFFFFFF  }
0x98: {  	s18 =	sld [smem:$0x3FDB];
	_ =	sdelay $0x1  }
0x99: {  	s19 =	simm.s32 $_scs_section_size  }
0x9a: {  	s4 =	simm.s32 $_size__tile_overlayer_lowered;
	s5 =	simm.s32 $_tile_overlayer_lowered  }
0x9b: {  	s22 =	simm.s32 $0x1BFF;
	s21 =	sshll.u32 s5, $0x1;
	s2 =	sadd.s32 s19, s18  }
0x9c: {  	s6 =	simm.s32 $0x0;
	s20 =	sshll.u32 s4, $0x1;
	s4 =	sadd.s32 s21, s2  }
0x9d: {  	[timem:s6], [sflag:s22] =	dma.local [hbm:s4], s20  }
0x9e: {  	_ =	swait.ge [sflag:s22], s20  }
0x9f: {  	s3 =	ssub.s32 $0x0, s20;
	[sflag:s22] =	ssyncset.done $0x0  }
0xa0: {  	[sflag:s22] =	ssyncadd.s32 s3;
	_ =	sdelay $0x1  }
0xa1: {  	s23 =	simm.s32 $0x1B8B  }
0xa2: {  	_ =	swait.ge [sflag:s23], $0x1  }
0xa3: {  	[sflag:s23] =	ssyncset.done $0x0  }
0xa4: {  	s25 =	simm.s32 $0x1B8E;
	s24 =	sld [smem:$0x3FFE];
	[sflag:s23] =	ssyncadd.s32 $0xFFFFFFFF  }
0xa5: {  	s26 =	simm.s32 $execute0_lowered;
	[smem:$0x3FD2] =	sst s25  }
0xa6: {  	s4 =	sshll.u32 s26, $0x1;
	_ =	strace $0x80000049;
	[dreg:$0x1] =	wrdreg $0xFFFFFFFF  }
0xa7: {  	s28 =	simm.s32 $_size_execute0_lowered;
	s2 =	sadd.s32 s2, s4;
	[dreg:$0x0] =	wrdreg $0x0  }
0xa8: {  	s4 =	sshll.u32 s28, $0x1;
	[dreg:$0x2] =	wrdreg s2  }
0xa9: {  	[dreg:$0x3] =	wrdreg s4  }
0xaa: {  	[dreg:$0x4] =	wrdreg $0xC0  }
0xab: {  	_ =	task [dreg:s6], $0x5FFFF  }
0xac: {  	[dreg:$0x1] =	wrdreg $0xFFFFFFFF  }
0xad: {  	[dreg:$0x0] =	wrdreg $0x60  }
0xae: {  	[dreg:$0x2] =	wrdreg s24  }
0xaf: {  	[dreg:$0x3] =	wrdreg $0x28800  }
0xb0: {  	[dreg:$0x4] =	wrdreg $0x9  }
0xb1: {  	_ =	task.clear_ibuf [dreg:s6], $0x5FFFF;
	_ =	strace $0x90000049  }
0xb2: {  	s29 =	simm.s32 $0x9;
	_ =	strace $0x8000004B  }
0xb3: {  	_ =	swait.ge [sflag:s29], $0x1  }
0xb4: {  	[sflag:s29] =	ssyncadd.s32 $0xFFFFFFFF  }
0xb5: {  	_ =	strace $0x9000004B  }
0xb6: {  	_ =	sfence  }
0xb7: {  	s30 =	sld [smem:$0x0];
	_ =	sdelay $0x2  }
0xb8: {  	s31 =	sshll.u32 s1, $0xD;
	s1 =	sshrl.u32 s1, $0x2  }
0xb9: {  	s3 =	sand.u32 $0x4000, s31;
	s1 =	sadd.s32 s1, s30  }
0xba: {  	s0 =	sor.u32 s3, s0;
	s1 =	sshll.u32 s1, $0x11  }
0xbb: {  	s0 =	sor.u32 s1, s0  }
0xbc: {  	s0 =	sadd.s32 $0x8F2B, s0  }
0xbd: {  	[sflag:s0] =	ssyncadd.remote.s32 $0x1  }
0xbe: {  	_ =	sfence.sel $0xFFFF  }
0xbf: {  	[dreg:$0x0] =	wrdreg $0xFFFFFFFF;
	(pc) =	sbr.abs _section_cstart, $3  }
0xc0: {  	[dreg:$0x1] =	wrdreg $0xFFFFFFFF  }
0xc1: {  	_ =	task.clear_ibuf [dreg:s6], $0x2FFFF;
	_ =	strace $0x9FFFFFFF  }
0xc2: {  	(tm) =	ssettm $0x7FFFFFFF  }
0xc3: {  	_ =	shalt  }
tec
execute0_lowered:
.L_overlay_start_1:
0x0: {  	(tag) =	ssettag $0x1  }
0x1: {  	s0 =	rddreg [dreg:$0x0]  }
0x2: {  	s2 =	rddreg [dreg:$0x1]  }
0x3: {  	s4 =	srdreg.scid;
	s1 =	stileid.u32  }
0x4: {  	s3 =	simm.s32 $0x0;
	s14 =	simm.s32 $0x5;
	s15 =	simm.s32 $0x1400  }
0x5: {  	s16 =	simm.s32 $0x2800;
	s17 =	simm.s32 $0x80;
	s18 =	simm.s32 $0x2B00  }
0x6: {  	s19 =	simm.s32 $0x2B80;
	s20 =	simm.s32 $0x1;
	s21 =	simm.s32 $0x2  }
0x7: {  	s22 =	simm.s32 $0x3;
	s23 =	simm.s32 $0x4;
	s28 =	simm.s32 $0x20  }
0x8: {  	s29 =	simm.s32 $0x10;
	s30 =	simm.s32 $0x0;
	s5 =	sand.u32 $0x1, s4  }
0x9: {  	s24 =	sshll.u32 s1, $0x1;
	[smem:$0x7FF] =	sst s3;
	s6 =	smul.u32 $0x500, s1  }
0xa: {  	s25 =	smul.u32 $0xA00, s1;
	s31 =	sshll.u32 s1, $0x6;
	s4 =	sor.u32 s5, s24  }
0xb: {  	_ =	strace $0x8000004A;
	s8 =	sshll.u32 s5, $0x7;
	s5 =	ssub.s32 $0x2, s5  }
0xc: {  	s24 =	simm.s32 $0x2700;
	s7 =	smul.u32 $0x280, s4;
	s4 =	sadd.s32 $0x51C00, s0  }
0xd: {  	s6 =	sor.u32 s8, s6;
	s26 =	sshrl.u32 s5, $0x1;
	s8 =	sshrl.u32 s25, $0x2  }
0xe: {  	s25 =	sor.u32 $0x1C05, s31;
	s6 =	sshrl.u32 s6, $0x3;
	s13 =	ssub.s32 s5, s26  }
0xf: {  	s26 =	simm.s32 $0x2780;
	s7 =	sadd.s32 s7, s0;
	s0 =	sadd.s32 s6, s0  }
0x10: {  	s6 =	sadd.s32 s8, s2;
	s13 =	smax.u32 s13, $0x1;
	s5 =	sadd.s32 $0x9E200, s7  }
0x11: {  	s7 =	sadd.s32 $0xA3200, s7;
	s8 =	sadd.s32 $0x80, s6;
	s9 =	sadd.s32 $0x100, s6  }
0x12: {  	v0 =	vimm.f32 $0.0e+00;
	s10 =	sadd.s32 $0x180, s6;
	s11 =	sadd.s32 $0x200, s6;
	s12 =	sadd.s32 $0x52200, s0  }
.LBB2_1:
0x13: {  	[tilespmem:$0x2800] =	vst v0  }
0x14: {  	[tilespmem:$0x2810] =	vst v0  }
0x15: {  	[tilespmem:$0x2820] =	vst v0  }
0x16: {  	[tilespmem:$0x2830] =	vst v0  }
0x17: {  	[tilespmem:$0x2840] =	vst v0  }
0x18: {  	[tilespmem:$0x2850] =	vst v0  }
0x19: {  	[tilespmem:$0x2860] =	vst v0  }
0x1a: {  	[tilespmem:$0x2870] =	vst v0  }
0x1b: {  	[tilespmem:s3], [sflag:$0x5] =	stream.linear.gather [hbm4b:s5+s3], $0x1400, $0x38;
	[tilespmem:$0x2C00] =	vst v63  }
0x1c: {  	_ =	swait.ge [sflag:s14], $0x1400  }
0x1d: {  	[sflag:s14] =	ssyncset.done $0x0  }
0x1e: {  	[sflag:s14] =	ssyncadd.s32 $0xFFFFEC00  }
0x1f: {  	[tilespmem:s15], [sflag:$0x5] =	stream.linear.gather [hbm4b:s7+s3], $0x1400, $0x38;
	[tilespmem:$0x2C00] =	vst v63  }
0x20: {  	_ =	swait.ge [sflag:s14], $0x1400  }
0x21: {  	[sflag:s14] =	ssyncset.done $0x0  }
0x22: {  	[sflag:s14] =	ssyncadd.s32 $0xFFFFEC00  }
0x23: {  	[spmem:s6] =	stream.linear.scatter [tilespmem:s16], [sflag:$0x5], $0x80, $0x38;
	[tilespmem:$0x2C00] =	vst v63  }
0x24: {  	_ =	swait.ge [sflag:s14], $0x80  }
0x25: {  	[sflag:s14] =	ssyncset.done $0x0  }
0x26: {  	[sflag:s14] =	ssyncadd.s32 $0xFFFFFF80  }
0x27: {  	[spmem:s8] =	stream.linear.scatter [tilespmem:s16], [sflag:$0x5], $0x80, $0x38;
	[tilespmem:$0x2C00] =	vst v63  }
0x28: {  	_ =	swait.ge [sflag:s14], $0x80  }
0x29: {  	[sflag:s14] =	ssyncset.done $0x0  }
0x2a: {  	[sflag:s14] =	ssyncadd.s32 $0xFFFFFF80  }
0x2b: {  	[spmem:s9] =	stream.linear.scatter [tilespmem:s16], [sflag:$0x5], $0x80, $0x38;
	[tilespmem:$0x2C00] =	vst v63  }
0x2c: {  	_ =	swait.ge [sflag:s14], $0x80  }
0x2d: {  	[sflag:s14] =	ssyncset.done $0x0  }
0x2e: {  	[sflag:s14] =	ssyncadd.s32 $0xFFFFFF80  }
0x2f: {  	[spmem:s10] =	stream.linear.scatter [tilespmem:s16], [sflag:$0x5], $0x80, $0x38;
	[tilespmem:$0x2C00] =	vst v63  }
0x30: {  	_ =	swait.ge [sflag:s14], $0x80  }
0x31: {  	[sflag:s14] =	ssyncset.done $0x0  }
0x32: {  	[sflag:s14] =	ssyncadd.s32 $0xFFFFFF80  }
0x33: {  	[spmem:s11] =	stream.linear.scatter [tilespmem:s16], [sflag:$0x5], $0x80, $0x38;
	[tilespmem:$0x2C00] =	vst v63  }
0x34: {  	_ =	swait.ge [sflag:s14], $0x80  }
0x35: {  	[sflag:s14] =	ssyncset.done $0x0  }
0x36: {  	[sflag:s14] =	ssyncadd.s32 $0xFFFFFF80  }
0x37: {  	[bflag:$0x0] =	sbarrier.arrive $0xFFFF  }
0x38: {  	[tilespmem:s18], [sflag:$0x1] =	stream.indirect.gather [hbm4b:s4+s17], $0x1, s3, s17, $0xb8;
	[tilespmem:$0x2C00] =	vst v63  }
0x39: {  	_ = 	snop  }
0x3a: {  	[tilespmem:s19], [sflag:$0x2] =	stream.indirect.gather [hbm4b:s4+s17], $0x1, s17, s17, $0xb8;
	[tilespmem:$0x2C00] =	vst v63  }
0x3b: {  	_ =	swait.ge [sflag:s20], $0x80  }
0x3c: {  	[sflag:s20] =	ssyncset.done $0x0  }
0x3d: {  	s0 =	simm.s32 $0x1400;
	[sflag:s20] =	ssyncadd.s32 $0xFFFFFF80  }
0x3e: {  	[spmem:s2] =	stream.indirect.scatter.add.f32 [tilespmem:s18], [sflag:$0x3], $0x1, s0, s17, $0xb8;
	[tilespmem:$0x2C00] =	vst v63  }
0x3f: {  	_ =	swait.ge [sflag:s21], $0x80  }
0x40: {  	[sflag:s21] =	ssyncset.done $0x0  }
0x41: {  	s1 =	simm.s32 $0x1480;
	[sflag:s21] =	ssyncadd.s32 $0xFFFFFF80  }
0x42: {  	[spmem:s2] =	stream.indirect.scatter.add.f32 [tilespmem:s19], [sflag:$0x4], $0x1, s1, s17, $0xb8;
	[tilespmem:$0x2C00] =	vst v63  }
0x43: {  	_ =	swait.ge [sflag:s22], $0x80  }
0x44: {  	[sflag:s22] =	ssyncset.done $0x0  }
0x45: {  	s1 =	simm.s32 $0x100;
	[sflag:s22] =	ssyncadd.s32 $0xFFFFFF80  }
0x46: {  	[tilespmem:s18], [sflag:$0x1] =	stream.indirect.gather [hbm4b:s4+s17], $0x1, s1, s17, $0xb8;
	[tilespmem:$0x2C00] =	vst v63  }
0x47: {  	_ =	swait.ge [sflag:s23], $0x80  }
0x48: {  	[sflag:s23] =	ssyncset.done $0x0  }
0x49: {  	s31 =	simm.s32 $0x400;
	s0 =	simm.s32 $0x180;
	[sflag:s23] =	ssyncadd.s32 $0xFFFFFF80  }
.LBB2_2:
0x4a: {  	[tilespmem:s19], [sflag:$0x2] =	stream.indirect.gather [hbm4b:s4+s17], $0x1, s0, s17, $0xb8;
	[tilespmem:$0x2C00] =	vst v63  }
0x4b: {  	s0 =	smov.u32 s31  }
0x4c: {  	p0 =	sne.s32 s31, $0x4800;
	s31 =	sadd.s32 $0x400, s31;
	_ =	swait.ge [sflag:s20], $0x80  }
0x4d: {  	s0 =	sshra.s32 s0, $0x2;
	[sflag:s20] =	ssyncset.done $0x0  }
0x4e: {  	s1 =	sadd.s32 $0x1400, s0;
	[sflag:s20] =	ssyncadd.s32 $0xFFFFFF80  }
0x4f: {  	[spmem:s2] =	stream.indirect.scatter.add.f32 [tilespmem:s18], [sflag:$0x3], $0x1, s1, s17, $0xb8;
	[tilespmem:$0x2C00] =	vst v63  }
0x50: {  	_ =	swait.ge [sflag:s21], $0x80  }
0x51: {  	[sflag:s21] =	ssyncset.done $0x0  }
0x52: {  	s1 =	sadd.s32 $0x1480, s0;
	[sflag:s21] =	ssyncadd.s32 $0xFFFFFF80  }
0x53: {  	[spmem:s2] =	stream.indirect.scatter.add.f32 [tilespmem:s19], [sflag:$0x4], $0x1, s1, s17, $0xb8;
	[tilespmem:$0x2C00] =	vst v63  }
0x54: {  	_ =	swait.ge [sflag:s22], $0x80  }
0x55: {  	[sflag:s22] =	ssyncset.done $0x0  }
.Ltmp0:
0x56: {  	s1 =	sadd.s32 $0x100, s0;
	[sflag:s22] =	ssyncadd.s32 $0xFFFFFF80;
	(pc) =	sbr.rel @p0 .LBB2_2-.Ltmp0, $4  }
0x57: {  	[tilespmem:s18], [sflag:$0x1] =	stream.indirect.gather [hbm4b:s4+s17], $0x1, s1, s17, $0xb8;
	[tilespmem:$0x2C00] =	vst v63  }
0x58: {  	_ =	swait.ge [sflag:s23], $0x80  }
0x59: {  	[sflag:s23] =	ssyncset.done $0x0  }
0x5a: {  	s0 =	sadd.s32 $0x180, s0;
	[sflag:s23] =	ssyncadd.s32 $0xFFFFFF80  }
0x5b: {  	[tilespmem:s19], [sflag:$0x2] =	stream.indirect.gather [hbm4b:s4+s17], $0x1, s0, s17, $0xb8;
	[tilespmem:$0x2C00] =	vst v63  }
0x5c: {  	_ =	swait.ge [sflag:s20], $0x80  }
0x5d: {  	[sflag:s20] =	ssyncset.done $0x0  }
0x5e: {  	[sflag:s20] =	ssyncadd.s32 $0xFFFFFF80  }
0x5f: {  	[spmem:s2] =	stream.indirect.scatter.add.f32 [tilespmem:s18], [sflag:$0x3], $0x1, s24, s17, $0xb8;
	[tilespmem:$0x2C00] =	vst v63  }
0x60: {  	_ =	swait.ge [sflag:s21], $0x80  }
0x61: {  	[sflag:s21] =	ssyncset.done $0x0  }
0x62: {  	[sflag:s21] =	ssyncadd.s32 $0xFFFFFF80  }
0x63: {  	[spmem:s2] =	stream.indirect.scatter.add.f32 [tilespmem:s19], [sflag:$0x4], $0x1, s26, s17, $0xb8;
	[tilespmem:$0x2C00] =	vst v63  }
0x64: {  	_ =	swait.ge [sflag:s22], $0x80  }
0x65: {  	[sflag:s22] =	ssyncset.done $0x0  }
0x66: {  	[sflag:s22] =	ssyncadd.s32 $0xFFFFFF80  }
0x67: {  	_ =	swait.ge [sflag:s23], $0x80  }
0x68: {  	s30 =	sadd.s32 $0x1, s30;
	[sflag:s23] =	ssyncset.done $0x0  }
0x69: {  	p0 =	sne.s32 s30, s13;
	[sflag:s23] =	ssyncadd.s32 $0xFFFFFF80  }
.Ltmp1:
0x6a: {  	s31 =	sshrl.u32 s6, $0x3;
	[bflag:$0x0] =	sbarrier.arrive $0xFFFF;
	(pc) =	sbr.rel @p0 .LBB2_1-.Ltmp1, $4  }
0x6b: {  	[hbm:s12@s28], [sflag:s25] =	dma.strided [spmem:s31@s29], $0x50, s20, $0x10   }
0x6c: {  	_ =	swait.ge [sflag:s14], $0x50  }
0x6d: {  	[sflag:s14] =	ssyncset.done $0x0  }
0x6e: {  	[sflag:s14] =	ssyncadd.s32 $0xFFFFFFB0  }
0x6f: {  	_ =	sfence.sel $0x180000  }
0x70: {  	[bflag:$0x0] =	sbarrier.arrive $0xFFFF  }
0x71: {  	_ =	strace $0x9000004A  }
0x72: {  	s0 =	stileid.u32;
	[bflag:$0x2] =	sbarrier.arrive $0xFFFF  }
0x73: {  	p0 =	sne.s32 s0, $0x0;
	s0 =	rddreg [dreg:$0x2]  }
0x74: {  	s0 =	sadd.s32 @!p0 $0x100000, s0  }
0x75: {  	[sflag:s0] =	ssyncadd.tile.s32 @!p0 $0x1;
	_ =	shalt  }
.Lfunc_end2:
_tile_overlayer_lowered:
.L_overlay_start_2:
0x76: {  	(tag) =	ssettag $0x2  }
0x77: {  	s0 =	rddreg [dreg:$0x0];
	s2 =	stileid.u32  }
0x78: {  	s1 =	rddreg [dreg:$0x1];
	p0 =	sne.s32 s2, $0x0  }
0x79: {  	s3 =	rddreg [dreg:$0x2];
	[bflag:$0x3] =	sbarrier.arrive $0xFFFF;
	s2 =	simm.s32 @!p0 $0x1C05  }
0x7a: {  	[timem:s3], [sflag:s2] =	dma.local @!p0 [hbm:s0], s1  }
0x7b: {  	s0 =	simm.s32 @!p0 $0x5  }
0x7c: {  	_ =	swait.ge @!p0 [sflag:s0], s1  }
0x7d: {  	s1 =	ssub.s32 @!p0 $0x0, s1;
	[sflag:s0] =	ssyncset.done @!p0 $0x0  }
0x7e: {  	[sflag:s0] =	ssyncadd.s32 @!p0 s1  }
0x7f: {  	[bflag:$0x3] =	sbarrier.arrive $0xFFFF  }
0x80: {  	_ =	shalt  }

// kernel: kernel.8.cloned.1.call-start
scs
__scs_entry_jumppad:
0x0: {  	(pc) =	sbr.rel $0x88, $3  }
0x1: {  	(tag) =	ssettag $0x0;
	lr =	simm.s32 $0x1  }
0x2: {  	[smem:$0x3F93] =	sst lr;
	_ =	strace $0xD0000000  }
0x3: {  	_ = 	snop  }
0x4: {  	_ = 	snop  }
0x5: {  	_ = 	snop  }
0x6: {  	_ = 	snop  }
0x7: {  	_ = 	snop  }
__scs_overlays_trampoline_lowered:
0x8: {  	[smem:$0x3FA2] =	sst s0  }
0x9: {  	[smem:$0x3FA3] =	sst s1  }
0xa: {  	[smem:$0x3FA4] =	sst s2  }
0xb: {  	[smem:$0x3FA5] =	sst s3  }
0xc: {  	[smem:$0x3FA6] =	sst s4  }
0xd: {  	[smem:$0x3FA7] =	sst s5  }
0xe: {  	[smem:$0x3FA8] =	sst s6  }
0xf: {  	[smem:$0x3FA9] =	sst s7  }
0x10: {  	[smem:$0x3FAA] =	sst s8  }
0x11: {  	[smem:$0x3FAB] =	sst s9;
	s0 =	simm.s32 @!p0 $0x0  }
0x12: {  	s1 =	sld [smem:$0x3F91];
	s0 =	simm.s32 @p0 $0x1  }
0x13: {  	[smem:$0x3FAC] =	sst s0;
	s0 =	simm.s32 @!p1 $0x0  }
0x14: {  	s2 =	sld [smem:$0x3F90];
	s0 =	simm.s32 @p1 $0x1  }
0x15: {  	[smem:$0x3FAD] =	sst s0;
	s0 =	simm.s32 @!p2 $0x0  }
0x16: {  	s3 =	sld [smem:$0x3FDB];
	s0 =	simm.s32 @p2 $0x1  }
0x17: {  	s4 =	simm.s32 $0x1BF5;
	[smem:$0x3FAF] =	sst s0  }
0x18: {  	s0 =	sld [smem:$0x3F92];
	_ =	swait.ge [sflag:s4], $0x0  }
0x19: {  	s7 =	sld [smem:$0x3F93]  }
0x1a: {  	s8 =	sadd.s32 $0xFFFFE003, lr  }
0x1b: {  	s9 =	sadd.s32 $0xFFFFFEF7, lr;
	s5 =	simm.s32 $0xFFFFFFFF;
	p2 =	slt.u32 s8, $0xFFFFF086  }
0x1c: {  	p1 =	slt.u32 s9, $0xF7A;
	s5 =	simm.s32 @!p2 $0x0  }
0x1d: {  	s5 =	simm.s32 @p1 $0x1;
	p0 =	seq.s32 s7, s2  }
0x1e: {  	s7 =	smul.u32 @!p0 $0xF7A, s2;
	p2 =	seq.s32 @!p0 s5, $0x0  }
0x1f: {  	s9 =	smul.u32 $0xF7A, s1;
	s8 =	simm.s32 @!p0 $0x1BF5;
	p2 =	por !p2, p0  }
0x20: {  	[sflag:s8] =	ssyncset.s32 @!p0 $0xFFFFF086;
	s6 =	sadd.s32 @!p0 s3, s7;
	s7 =	simm.s32 @!p0 $0x108  }
0x21: {  	s3 =	sadd.s32 s3, s9;
	s6 =	sadd.s32 @!p0 $0x88, s6;
	s7 =	simm.s32 @p2 $0x1082  }
0x22: {  	[simem:s7], [sflag:s8] =	dma.local @!p0 [hbm:s6], $0xF7A  }
0x23: {  	s9 =	sor.u32 $0xD0000000, s2;
	s6 =	simm.s32 $0x108;
	_ =	swait.ge @!p0 [sflag:s8], $0x0  }
0x24: {  	s3 =	sadd.s32 $0x88, s3;
	s6 =	simm.s32 @!p1 $0x1082;
	[sflag:s4] =	ssyncset.s32 $0xFFFFF086  }
0x25: {  	[simem:s6], [sflag:s4] =	dma.local [hbm:s3], $0xF7A  }
0x26: {  	[smem:$0x3F93] =	sst s1;
	(tag) =	ssettag s2;
	_ =	strace s9  }
0x27: {  	s1 =	sld [smem:$0x3FA3]  }
0x28: {  	s2 =	sld [smem:$0x3FA4]  }
0x29: {  	s4 =	sld [smem:$0x3FA6]  }
0x2a: {  	p0 =	seq.s32 s5, $0x0;
	s5 =	sld [smem:$0x3FA7]  }
0x2b: {  	s6 =	sld [smem:$0x3FA8]  }
0x2c: {  	s7 =	sld [smem:$0x3FA9]  }
0x2d: {  	s3 =	simm.s32 $0x108;
	s8 =	sld [smem:$0x3FAA]  }
0x2e: {  	s3 =	simm.s32 @!p0 $0x1082;
	s9 =	sld [smem:$0x3FAB]  }
0x2f: {  	lr =	sadd.s32 s0, s3;
	s0 =	sld [smem:$0x3FA2]  }
0x30: {  	s3 =	sld [smem:$0x3FA5]  }
0x31: {  	[smem:$0x3FAE] =	sst s10  }
0x32: {  	s10 =	sld [smem:$0x3FAC];
	_ =	sdelay $0x3  }
0x33: {  	p0 =	seq.s32 s10, $0x1;
	s10 =	sld [smem:$0x3FAE];
	_ =	sdelay $0x3  }
0x34: {  	[smem:$0x3FAE] =	sst s10  }
0x35: {  	s10 =	sld [smem:$0x3FAD];
	_ =	sdelay $0x3  }
0x36: {  	p1 =	seq.s32 s10, $0x1;
	s10 =	sld [smem:$0x3FAE];
	_ =	sdelay $0x3  }
0x37: {  	[smem:$0x3FAE] =	sst s10  }
0x38: {  	s10 =	sld [smem:$0x3FAF]  }
0x39: {  	_ = 	snop;
	(pc) =	sbr.ind lr, $3  }
0x3a: {  	_ = 	snop  }
0x3b: {  	_ = 	snop  }
0x3c: {  	p2 =	seq.s32 s10, $0x1;
	s10 =	sld [smem:$0x3FAE]  }
0x3d: {  	_ =	shalt  }
0x3e: {  	_ =	shalt  }
0x3f: {  	_ =	shalt  }
0x40: {  	_ =	shalt  }
0x41: {  	_ =	shalt  }
0x42: {  	_ =	shalt  }
0x43: {  	_ =	shalt  }
0x44: {  	_ =	shalt  }
0x45: {  	_ =	shalt  }
0x46: {  	_ =	shalt  }
0x47: {  	_ =	shalt  }
0x48: {  	_ =	shalt  }
0x49: {  	_ =	shalt  }
0x4a: {  	_ =	shalt  }
0x4b: {  	_ =	shalt  }
0x4c: {  	_ =	shalt  }
0x4d: {  	_ =	shalt  }
0x4e: {  	_ =	shalt  }
0x4f: {  	_ =	shalt  }
0x50: {  	_ =	shalt  }
0x51: {  	_ =	shalt  }
0x52: {  	_ =	shalt  }
0x53: {  	_ =	shalt  }
0x54: {  	_ =	shalt  }
0x55: {  	_ =	shalt  }
0x56: {  	_ =	shalt  }
0x57: {  	_ =	shalt  }
0x58: {  	_ =	shalt  }
0x59: {  	_ =	shalt  }
0x5a: {  	_ =	shalt  }
0x5b: {  	_ =	shalt  }
0x5c: {  	_ =	shalt  }
0x5d: {  	_ =	shalt  }
0x5e: {  	_ =	shalt  }
0x5f: {  	_ =	shalt  }
0x60: {  	_ =	shalt  }
0x61: {  	_ =	shalt  }
0x62: {  	_ =	shalt  }
0x63: {  	_ =	shalt  }
0x64: {  	_ =	shalt  }
0x65: {  	_ =	shalt  }
0x66: {  	_ =	shalt  }
0x67: {  	_ =	shalt  }
0x68: {  	_ =	shalt  }
0x69: {  	_ =	shalt  }
0x6a: {  	_ =	shalt  }
0x6b: {  	_ =	shalt  }
0x6c: {  	_ =	shalt  }
0x6d: {  	_ =	shalt  }
0x6e: {  	_ =	shalt  }
0x6f: {  	_ =	shalt  }
0x70: {  	_ =	shalt  }
0x71: {  	_ =	shalt  }
0x72: {  	_ =	shalt  }
0x73: {  	_ =	shalt  }
0x74: {  	_ =	shalt  }
0x75: {  	_ =	shalt  }
0x76: {  	_ =	shalt  }
0x77: {  	_ =	shalt  }
0x78: {  	_ =	shalt  }
0x79: {  	_ =	shalt  }
0x7a: {  	_ =	shalt  }
0x7b: {  	_ =	shalt  }
0x7c: {  	_ =	shalt  }
0x7d: {  	_ =	shalt  }
0x7e: {  	_ =	shalt  }
0x7f: {  	_ =	shalt  }
0x80: {  	_ =	shalt  }
0x81: {  	_ =	shalt  }
0x82: {  	_ =	shalt  }
0x83: {  	_ =	shalt  }
0x84: {  	_ =	shalt  }
0x85: {  	_ =	shalt  }
0x86: {  	_ =	shalt  }
0x87: {  	_ =	shalt  }
.Lfunc_end0:
.L_simem_size_0:
called_computation_lowered:
.L_overlay_start_0:
0x88: {  	s2 =	sld [smem:$0x3FD9]  }
0x89: {  	s3 =	sld [smem:$0x3FFE];
	_ =	sdelay $0x1  }
0x8a: {  	s1 =	srdreg.scid  }
0x8b: {  	s0 =	sand.u32 $0x1, s1  }
0x8c: {  	s16 =	sshll.u32 s0, $0xA;
	s2 =	sadd.s32 s3, s2  }
0x8d: {  	s2 =	sadd.s32 s2, s16  }
0x8e: {  	[smem:$0x3FBA] =	sst s2  }
0x8f: {  	_ = 	snop  }
0x90: {  	(tm) =	ssettm $0x1  }
0x91: {  	s17 =	sld [smem:$0x3FFB];
	_ =	sdelay $0x3  }
0x92: {  	_ =	strace s17  }
0x93: {  	s2 =	sld [smem:$0x3FFC];
	_ =	sdelay $0x3  }
0x94: {  	_ =	strace s2  }
0x95: {  	s2 =	sld [smem:$0x3FFD];
	_ =	sdelay $0x3  }
0x96: {  	_ =	strace s2  }
0x97: {  	_ =	strace $0x8FFFFFFF  }
0x98: {  	s18 =	sld [smem:$0x3FDB];
	_ =	sdelay $0x1  }
0x99: {  	s19 =	simm.s32 $_scs_section_size  }
0x9a: {  	s4 =	simm.s32 $_size__tile_overlayer_lowered;
	s5 =	simm.s32 $_tile_overlayer_lowered  }
0x9b: {  	s22 =	simm.s32 $0x1BFF;
	s21 =	sshll.u32 s5, $0x1;
	s2 =	sadd.s32 s19, s18  }
0x9c: {  	s6 =	simm.s32 $0x0;
	s20 =	sshll.u32 s4, $0x1;
	s4 =	sadd.s32 s21, s2  }
0x9d: {  	[timem:s6], [sflag:s22] =	dma.local [hbm:s4], s20  }
0x9e: {  	_ =	swait.ge [sflag:s22], s20  }
0x9f: {  	s3 =	ssub.s32 $0x0, s20;
	[sflag:s22] =	ssyncset.done $0x0  }
0xa0: {  	[sflag:s22] =	ssyncadd.s32 s3;
	_ =	sdelay $0x1  }
0xa1: {  	s23 =	simm.s32 $0x1B8B  }
0xa2: {  	_ =	swait.ge [sflag:s23], $0x1  }
0xa3: {  	[sflag:s23] =	ssyncset.done $0x0  }
0xa4: {  	s25 =	simm.s32 $0x1B8E;
	s24 =	sld [smem:$0x3FFE];
	[sflag:s23] =	ssyncadd.s32 $0xFFFFFFFF  }
0xa5: {  	s26 =	simm.s32 $execute0_lowered;
	[smem:$0x3FD2] =	sst s25  }
0xa6: {  	s4 =	sshll.u32 s26, $0x1;
	_ =	strace $0x80000046;
	[dreg:$0x1] =	wrdreg $0xFFFFFFFF  }
0xa7: {  	s28 =	simm.s32 $_size_execute0_lowered;
	s2 =	sadd.s32 s2, s4;
	[dreg:$0x0] =	wrdreg $0x0  }
0xa8: {  	s4 =	sshll.u32 s28, $0x1;
	[dreg:$0x2] =	wrdreg s2  }
0xa9: {  	[dreg:$0x3] =	wrdreg s4  }
0xaa: {  	[dreg:$0x4] =	wrdreg $0xC0  }
0xab: {  	_ =	task [dreg:s6], $0x5FFFF  }
0xac: {  	[dreg:$0x1] =	wrdreg $0xFFFFFFFF  }
0xad: {  	[dreg:$0x0] =	wrdreg $0x60  }
0xae: {  	[dreg:$0x2] =	wrdreg s24  }
0xaf: {  	[dreg:$0x3] =	wrdreg $0x2C800  }
0xb0: {  	[dreg:$0x4] =	wrdreg $0x16C800  }
0xb1: {  	[dreg:$0x5] =	wrdreg $0x9  }
0xb2: {  	_ =	task.clear_ibuf [dreg:s6], $0x6FFFF;
	_ =	strace $0x90000046  }
0xb3: {  	s29 =	simm.s32 $0x9;
	_ =	strace $0x80000048  }
0xb4: {  	_ =	swait.ge [sflag:s29], $0x1  }
0xb5: {  	[sflag:s29] =	ssyncadd.s32 $0xFFFFFFFF  }
0xb6: {  	_ =	strace $0x90000048  }
0xb7: {  	_ =	sfence  }
0xb8: {  	s30 =	sld [smem:$0x0];
	_ =	sdelay $0x2  }
0xb9: {  	s31 =	sshll.u32 s1, $0xD;
	s1 =	sshrl.u32 s1, $0x2  }
0xba: {  	s3 =	sand.u32 $0x4000, s31;
	s1 =	sadd.s32 s1, s30  }
0xbb: {  	s0 =	sor.u32 s3, s0;
	s1 =	sshll.u32 s1, $0x11  }
0xbc: {  	s0 =	sor.u32 s1, s0  }
0xbd: {  	s0 =	sadd.s32 $0x8F2B, s0  }
0xbe: {  	[sflag:s0] =	ssyncadd.remote.s32 $0x1  }
0xbf: {  	_ =	sfence.sel $0xFFFF  }
0xc0: {  	[dreg:$0x0] =	wrdreg $0xFFFFFFFF;
	(pc) =	sbr.abs _section_cstart, $3  }
0xc1: {  	[dreg:$0x1] =	wrdreg $0xFFFFFFFF  }
0xc2: {  	_ =	task.clear_ibuf [dreg:s6], $0x2FFFF;
	_ =	strace $0x9FFFFFFF  }
0xc3: {  	(tm) =	ssettm $0x7FFFFFFF  }
tec
execute0_lowered:
.L_overlay_start_1:
0x0: {  	(tag) =	ssettag $0x1  }
0x1: {  	s0 =	rddreg [dreg:$0x0]  }
0x2: {  	s1 =	rddreg [dreg:$0x1]  }
0x3: {  	s3 =	rddreg [dreg:$0x2]  }
0x4: {  	s2 =	srdreg.scid;
	s10 =	stileid.u32;
	s7 =	simm.s32 $0x0  }
0x5: {  	s17 =	simm.s32 $0x7;
	s19 =	simm.s32 $0x2880;
	s6 =	smul.u32 $0x14000, s10  }
0x6: {  	s28 =	simm.s32 $0x5;
	s29 =	simm.s32 $0x4;
	s21 =	smul.u32 $0x500, s10  }
0x7: {  	s30 =	simm.s32 $0x6;
	s31 =	simm.s32 $0x2700;
	s23 =	smul.u32 $0xA00, s10  }
0x8: {  	s2 =	sand.u32 $0x1, s2;
	s5 =	sshll.u32 s10, $0x1;
	s10 =	smul.u32 $0x50000, s10  }
0x9: {  	s18 =	simm.s32 $0x0;
	[smem:$0x7FF] =	sst s7;
	s4 =	smul.u32 $0x140000, s2  }
0xa: {  	s5 =	sor.u32 s2, s5;
	_ =	strace $0x80000047;
	s22 =	sshll.u32 s2, $0x7  }
0xb: {  	s2 =	ssub.s32 $0x2, s2;
	s20 =	smul.u32 $0x280, s5;
	s5 =	sadd.s32 $0x77000, s0  }
0xc: {  	s9 =	sshrl.u32 s2, $0x1;
	s7 =	sshrl.u32 s23, $0x2;
	s25 =	sshrl.u32 s10, $0x2  }
0xd: {  	s23 =	simm.s32 $0x1;
	s4 =	sadd.s32 s6, s4;
	s6 =	sor.u32 s22, s21  }
0xe: {  	s2 =	ssub.s32 s2, s9;
	s7 =	sadd.s32 s7, s3;
	s9 =	sadd.s32 s25, s1  }
0xf: {  	s21 =	simm.s32 $0x16F00;
	s22 =	simm.s32 $0x1AF00;
	s25 =	simm.s32 $0x2  }
0x10: {  	s4 =	sshrl.u32 s4, $0x3;
	s8 =	sadd.s32 s20, s0;
	s6 =	sshrl.u32 s6, $0x3  }
0x11: {  	s10 =	sadd.s32 $0x80, s7;
	s11 =	sadd.s32 $0x100, s7;
	s12 =	sadd.s32 $0x180, s7  }
0x12: {  	s13 =	sadd.s32 $0x200, s7;
	s16 =	smax.u32 s2, $0x1;
	s20 =	simm.s32 $0x80  }
0x13: {  	s4 =	sadd.s32 s4, s0;
	s0 =	sadd.s32 s6, s0;
	s24 =	sadd.s32 $0x9E200, s8  }
0x14: {  	s26 =	sadd.s32 $0xA3200, s8;
	s8 =	simm.s32 $0x10;
	[dreg:$0x4] =	wrdreg s24  }
0x15: {  	[dreg:$0x5] =	wrdreg s26;
	s14 =	sadd.s32 $0xA8C00, s4;
	s15 =	sadd.s32 $0xA8200, s0  }
0x16: {  	v0 =	vimm.f32 $0.0e+00;
	v1 =	vimm.f32 $1.000000000e+00;
	s24 =	simm.s32 $0x2800;
	s26 =	simm.s32 $0x3;
	s0 =	simm.s32 $0x2780  }
.LBB2_1:
0x17: {  	[tilespmem:$0x2880] =	vst v0  }
0x18: {  	[tilespmem:$0x2890] =	vst v0  }
0x19: {  	[tilespmem:$0x28A0] =	vst v0  }
0x1a: {  	[tilespmem:$0x28B0] =	vst v0  }
0x1b: {  	[tilespmem:$0x28C0] =	vst v0  }
0x1c: {  	[tilespmem:$0x28D0] =	vst v0  }
0x1d: {  	[tilespmem:$0x28E0] =	vst v0  }
0x1e: {  	[tilespmem:$0x28F0] =	vst v0  }
0x1f: {  	[tilespmem:$0x2900] =	vst v0  }
0x20: {  	[tilespmem:$0x2910] =	vst v0  }
0x21: {  	[tilespmem:$0x2920] =	vst v0  }
0x22: {  	[tilespmem:$0x2930] =	vst v0  }
0x23: {  	[tilespmem:$0x2940] =	vst v0  }
0x24: {  	[tilespmem:$0x2950] =	vst v0  }
0x25: {  	[tilespmem:$0x2960] =	vst v0  }
0x26: {  	[tilespmem:$0x2970] =	vst v0  }
0x27: {  	[tilespmem:$0x2980] =	vst v0  }
0x28: {  	[tilespmem:$0x2990] =	vst v0  }
0x29: {  	[tilespmem:$0x29A0] =	vst v0  }
0x2a: {  	[tilespmem:$0x29B0] =	vst v0  }
0x2b: {  	[tilespmem:$0x29C0] =	vst v0  }
0x2c: {  	[tilespmem:$0x29D0] =	vst v0  }
0x2d: {  	[tilespmem:$0x29E0] =	vst v0  }
0x2e: {  	[tilespmem:$0x29F0] =	vst v0  }
0x2f: {  	[tilespmem:$0x2A00] =	vst v0  }
0x30: {  	[tilespmem:$0x2A10] =	vst v0  }
0x31: {  	[tilespmem:$0x2A20] =	vst v0  }
0x32: {  	[tilespmem:$0x2A30] =	vst v0  }
0x33: {  	[tilespmem:$0x2A40] =	vst v0  }
0x34: {  	[tilespmem:$0x2A50] =	vst v0  }
0x35: {  	[tilespmem:$0x2A60] =	vst v0  }
0x36: {  	[tilespmem:$0x2A70] =	vst v0  }
0x37: {  	[tilespmem:$0x2A80] =	vst v0  }
0x38: {  	[tilespmem:$0x2A90] =	vst v0  }
0x39: {  	[tilespmem:$0x2AA0] =	vst v0  }
0x3a: {  	[tilespmem:$0x2AB0] =	vst v0  }
0x3b: {  	[tilespmem:$0x2AC0] =	vst v0  }
0x3c: {  	[tilespmem:$0x2AD0] =	vst v0  }
0x3d: {  	[tilespmem:$0x2AE0] =	vst v0  }
0x3e: {  	[tilespmem:$0x2AF0] =	vst v0  }
0x3f: {  	[tilespmem:$0x2B00] =	vst v0  }
0x40: {  	[tilespmem:$0x2B10] =	vst v0  }
0x41: {  	[tilespmem:$0x2B20] =	vst v0  }
0x42: {  	[tilespmem:$0x2B30] =	vst v0  }
0x43: {  	[tilespmem:$0x2B40] =	vst v0  }
0x44: {  	[tilespmem:$0x2B50] =	vst v0  }
0x45: {  	[tilespmem:$0x2B60] =	vst v0  }
0x46: {  	[tilespmem:$0x2B70] =	vst v0  }
0x47: {  	[tilespmem:$0x2B80] =	vst v0  }
0x48: {  	[tilespmem:$0x2B90] =	vst v0  }
0x49: {  	[tilespmem:$0x2BA0] =	vst v0  }
0x4a: {  	[tilespmem:$0x2BB0] =	vst v0  }
0x4b: {  	[tilespmem:$0x2BC0] =	vst v0  }
0x4c: {  	[tilespmem:$0x2BD0] =	vst v0  }
0x4d: {  	[tilespmem:$0x2BE0] =	vst v0  }
0x4e: {  	[tilespmem:$0x2BF0] =	vst v0  }
0x4f: {  	[tilespmem:$0x2C00] =	vst v0  }
0x50: {  	[tilespmem:$0x2C10] =	vst v0  }
0x51: {  	[tilespmem:$0x2C20] =	vst v0  }
0x52: {  	[tilespmem:$0x2C30] =	vst v0  }
0x53: {  	[tilespmem:$0x2C40] =	vst v0  }
0x54: {  	[tilespmem:$0x2C50] =	vst v0  }
0x55: {  	[tilespmem:$0x2C60] =	vst v0  }
0x56: {  	[tilespmem:$0x2C70] =	vst v0  }
0x57: {  	[tilespmem:$0x2800] =	vst v1  }
0x58: {  	[tilespmem:$0x2810] =	vst v1  }
0x59: {  	[tilespmem:$0x2820] =	vst v1  }
0x5a: {  	[tilespmem:$0x2830] =	vst v1  }
0x5b: {  	[tilespmem:$0x2840] =	vst v1  }
0x5c: {  	[tilespmem:$0x2850] =	vst v1  }
0x5d: {  	[tilespmem:$0x2860] =	vst v1  }
0x5e: {  	[tilespmem:$0x2870] =	vst v1;
	s2 =	simm.s32 $0x0;
	s4 =	rddreg [dreg:$0x4]  }
0x5f: {  	[tilespmem:s2], [sflag:$0x7] =	stream.linear.gather [hbm4b:s4+s2], $0x1400, $0x38;
	[tilespmem:$0x1EF00] =	vst v63  }
0x60: {  	_ =	swait.ge [sflag:s17], $0x1400  }
0x61: {  	[sflag:s17] =	ssyncset.done $0x0  }
0x62: {  	s4 =	simm.s32 $0x1400;
	s6 =	rddreg [dreg:$0x5];
	[sflag:s17] =	ssyncadd.s32 $0xFFFFEC00  }
0x63: {  	[tilespmem:s4], [sflag:$0x7] =	stream.linear.gather [hbm4b:s6+s2], $0x1400, $0x38;
	[tilespmem:$0x1EF00] =	vst v63  }
0x64: {  	_ =	swait.ge [sflag:s17], $0x1400  }
0x65: {  	[sflag:s17] =	ssyncset.done $0x0  }
0x66: {  	s6 =	sadd.s32 $0x0, s9;
	[sflag:s17] =	ssyncadd.s32 $0xFFFFEC00  }
0x67: {  	[spmem:s6] =	stream.linear.scatter [tilespmem:s19], [sflag:$0x7], $0x400, $0x38;
	[tilespmem:$0x1EF00] =	vst v63  }
0x68: {  	s2 =	simm.s32 $0x1000;
	_ =	swait.ge [sflag:s17], $0x400  }
.LBB2_2:
0x69: {  	s4 =	sshra.s32 s2, $0x2;
	[sflag:s17] =	ssyncset.done $0x0;
	p0 =	sne.s32 s2, $0x4F000  }
.Ltmp0:
0x6a: {  	s4 =	sadd.s32 s4, s9;
	[sflag:s17] =	ssyncadd.s32 $0xFFFFFC00;
	(pc) =	sbr.rel @p0 .LBB2_2-.Ltmp0, $3  }
0x6b: {  	[spmem:s4] =	stream.linear.scatter [tilespmem:s19], [sflag:$0x7], $0x400, $0x38;
	[tilespmem:$0x1EF00] =	vst v63  }
0x6c: {  	s2 =	sadd.s32 $0x1000, s2;
	_ =	sdelay $0x1  }
0x6d: {  	_ =	swait.ge [sflag:s17], $0x400  }
0x6e: {  	[sflag:s17] =	ssyncset.done $0x0  }
0x6f: {  	[sflag:s17] =	ssyncadd.s32 $0xFFFFFC00  }
0x70: {  	[spmem:s7] =	stream.linear.scatter [tilespmem:s19], [sflag:$0x7], $0x80, $0x38;
	[tilespmem:$0x1EF00] =	vst v63  }
0x71: {  	_ =	swait.ge [sflag:s17], $0x80  }
0x72: {  	[sflag:s17] =	ssyncset.done $0x0  }
0x73: {  	[sflag:s17] =	ssyncadd.s32 $0xFFFFFF80  }
0x74: {  	[spmem:s10] =	stream.linear.scatter [tilespmem:s19], [sflag:$0x7], $0x80, $0x38;
	[tilespmem:$0x1EF00] =	vst v63  }
0x75: {  	_ =	swait.ge [sflag:s17], $0x80  }
0x76: {  	[sflag:s17] =	ssyncset.done $0x0  }
0x77: {  	[sflag:s17] =	ssyncadd.s32 $0xFFFFFF80  }
0x78: {  	[spmem:s11] =	stream.linear.scatter [tilespmem:s19], [sflag:$0x7], $0x80, $0x38;
	[tilespmem:$0x1EF00] =	vst v63  }
0x79: {  	_ =	swait.ge [sflag:s17], $0x80  }
0x7a: {  	[sflag:s17] =	ssyncset.done $0x0  }
0x7b: {  	[sflag:s17] =	ssyncadd.s32 $0xFFFFFF80  }
0x7c: {  	[spmem:s12] =	stream.linear.scatter [tilespmem:s19], [sflag:$0x7], $0x80, $0x38;
	[tilespmem:$0x1EF00] =	vst v63  }
0x7d: {  	_ =	swait.ge [sflag:s17], $0x80  }
0x7e: {  	[sflag:s17] =	ssyncset.done $0x0  }
0x7f: {  	[sflag:s17] =	ssyncadd.s32 $0xFFFFFF80  }
0x80: {  	[spmem:s13] =	stream.linear.scatter [tilespmem:s19], [sflag:$0x7], $0x80, $0x38;
	[tilespmem:$0x1EF00] =	vst v63  }
0x81: {  	_ =	swait.ge [sflag:s17], $0x80  }
0x82: {  	[sflag:s17] =	ssyncset.done $0x0  }
0x83: {  	[sflag:s17] =	ssyncadd.s32 $0xFFFFFF80  }
0x84: {  	s2 =	simm.s32 $0x0;
	[bflag:$0x0] =	sbarrier.arrive $0xFFFF  }
0x85: {  	[tilespmem:s21], [sflag:$0x1] =	stream.indirect.gather [hbm4b:s5+s20], $0x80, s2, s20, $0xb8;
	[tilespmem:$0x1EF00] =	vst v63  }
0x86: {  	_ = 	snop  }
0x87: {  	[tilespmem:s22], [sflag:$0x2] =	stream.indirect.gather [hbm4b:s5+s20], $0x80, s20, s20, $0xb8;
	[tilespmem:$0x1EF00] =	vst v63  }
0x88: {  	_ =	swait.ge [sflag:s23], $0x4000  }
0x89: {  	[sflag:s23] =	ssyncset.done $0x0  }
0x8a: {  	s6 =	simm.s32 $0x1400;
	[sflag:s23] =	ssyncadd.s32 $0xFFFFC000  }
0x8b: {  	[spmem:s1] =	stream.indirect.scatter.add.f32 [tilespmem:s21], [sflag:$0x3], $0x80, s6, s20, $0xb8;
	[tilespmem:$0x1EF00] =	vst v63  }
0x8c: {  	_ = 	snop  }
0x8d: {  	[spmem:s3] =	stream.indirect.scatter.add.f32 [tilespmem:s24], [sflag:$0x5], $0x1, s6, s20, $0xb8;
	[tilespmem:$0x1EF00] =	vst v63  }
0x8e: {  	_ =	swait.ge [sflag:s25], $0x4000  }
0x8f: {  	[sflag:s25] =	ssyncset.done $0x0  }
0x90: {  	s4 =	simm.s32 $0x1480;
	[sflag:s25] =	ssyncadd.s32 $0xFFFFC000  }
0x91: {  	[spmem:s1] =	stream.indirect.scatter.add.f32 [tilespmem:s22], [sflag:$0x4], $0x80, s4, s20, $0xb8;
	[tilespmem:$0x1EF00] =	vst v63  }
0x92: {  	_ = 	snop  }
0x93: {  	[spmem:s3] =	stream.indirect.scatter.add.f32 [tilespmem:s24], [sflag:$0x6], $0x1, s4, s20, $0xb8;
	[tilespmem:$0x1EF00] =	vst v63  }
0x94: {  	_ =	swait.ge [sflag:s26], $0x4000  }
0x95: {  	[sflag:s26] =	ssyncset.done $0x0  }
0x96: {  	[sflag:s26] =	ssyncadd.s32 $0xFFFFC000  }
0x97: {  	_ =	swait.ge [sflag:s28], $0x80  }
0x98: {  	[sflag:s28] =	ssyncset.done $0x0  }
0x99: {  	s6 =	simm.s32 $0x100;
	[sflag:s28] =	ssyncadd.s32 $0xFFFFFF80  }
0x9a: {  	[tilespmem:s21], [sflag:$0x1] =	stream.indirect.gather [hbm4b:s5+s20], $0x80, s6, s20, $0xb8;
	[tilespmem:$0x1EF00] =	vst v63  }
0x9b: {  	_ =	swait.ge [sflag:s29], $0x4000  }
0x9c: {  	[sflag:s29] =	ssyncset.done $0x0  }
0x9d: {  	[sflag:s29] =	ssyncadd.s32 $0xFFFFC000  }
0x9e: {  	_ =	swait.ge [sflag:s30], $0x80  }
0x9f: {  	[sflag:s30] =	ssyncset.done $0x0  }
0xa0: {  	s2 =	simm.s32 $0x400;
	s4 =	simm.s32 $0x180;
	[sflag:s30] =	ssyncadd.s32 $0xFFFFFF80  }
.LBB2_4:
0xa1: {  	[tilespmem:s22], [sflag:$0x2] =	stream.indirect.gather [hbm4b:s5+s20], $0x80, s4, s20, $0xb8;
	[tilespmem:$0x1EF00] =	vst v63  }
0xa2: {  	s4 =	smov.u32 s2  }
0xa3: {  	p0 =	sne.s32 s2, $0x4800;
	s2 =	sadd.s32 $0x400, s2;
	_ =	swait.ge [sflag:s23], $0x4000  }
0xa4: {  	s4 =	sshra.s32 s4, $0x2;
	[sflag:s23] =	ssyncset.done $0x0  }
0xa5: {  	s6 =	sadd.s32 $0x1400, s4;
	[sflag:s23] =	ssyncadd.s32 $0xFFFFC000  }
0xa6: {  	[spmem:s1] =	stream.indirect.scatter.add.f32 [tilespmem:s21], [sflag:$0x3], $0x80, s6, s20, $0xb8;
	[tilespmem:$0x1EF00] =	vst v63  }
0xa7: {  	_ = 	snop  }
0xa8: {  	[spmem:s3] =	stream.indirect.scatter.add.f32 [tilespmem:s24], [sflag:$0x5], $0x1, s6, s20, $0xb8;
	[tilespmem:$0x1EF00] =	vst v63  }
0xa9: {  	_ =	swait.ge [sflag:s25], $0x4000  }
0xaa: {  	[sflag:s25] =	ssyncset.done $0x0  }
0xab: {  	s6 =	sadd.s32 $0x1480, s4;
	[sflag:s25] =	ssyncadd.s32 $0xFFFFC000  }
0xac: {  	[spmem:s1] =	stream.indirect.scatter.add.f32 [tilespmem:s22], [sflag:$0x4], $0x80, s6, s20, $0xb8;
	[tilespmem:$0x1EF00] =	vst v63  }
0xad: {  	_ = 	snop  }
0xae: {  	[spmem:s3] =	stream.indirect.scatter.add.f32 [tilespmem:s24], [sflag:$0x6], $0x1, s6, s20, $0xb8;
	[tilespmem:$0x1EF00] =	vst v63  }
0xaf: {  	_ =	swait.ge [sflag:s26], $0x4000  }
0xb0: {  	[sflag:s26] =	ssyncset.done $0x0  }
0xb1: {  	[sflag:s26] =	ssyncadd.s32 $0xFFFFC000  }
0xb2: {  	_ =	swait.ge [sflag:s28], $0x80  }
0xb3: {  	[sflag:s28] =	ssyncset.done $0x0  }
0xb4: {  	s6 =	sadd.s32 $0x100, s4;
	[sflag:s28] =	ssyncadd.s32 $0xFFFFFF80  }
0xb5: {  	[tilespmem:s21], [sflag:$0x1] =	stream.indirect.gather [hbm4b:s5+s20], $0x80, s6, s20, $0xb8;
	[tilespmem:$0x1EF00] =	vst v63  }
0xb6: {  	_ =	swait.ge [sflag:s29], $0x4000  }
.Ltmp1:
0xb7: {  	[sflag:s29] =	ssyncset.done $0x0;
	(pc) =	sbr.rel @p0 .LBB2_4-.Ltmp1, $4  }
0xb8: {  	[sflag:s29] =	ssyncadd.s32 $0xFFFFC000  }
0xb9: {  	_ =	swait.ge [sflag:s30], $0x80  }
0xba: {  	[sflag:s30] =	ssyncset.done $0x0  }
0xbb: {  	s4 =	sadd.s32 $0x180, s4;
	[sflag:s30] =	ssyncadd.s32 $0xFFFFFF80  }
0xbc: {  	[tilespmem:s22], [sflag:$0x2] =	stream.indirect.gather [hbm4b:s5+s20], $0x80, s4, s20, $0xb8;
	[tilespmem:$0x1EF00] =	vst v63  }
0xbd: {  	_ =	swait.ge [sflag:s23], $0x4000  }
0xbe: {  	[sflag:s23] =	ssyncset.done $0x0  }
0xbf: {  	[sflag:s23] =	ssyncadd.s32 $0xFFFFC000  }
0xc0: {  	[spmem:s1] =	stream.indirect.scatter.add.f32 [tilespmem:s21], [sflag:$0x3], $0x80, s31, s20, $0xb8;
	[tilespmem:$0x1EF00] =	vst v63  }
0xc1: {  	_ = 	snop  }
0xc2: {  	[spmem:s3] =	stream.indirect.scatter.add.f32 [tilespmem:s24], [sflag:$0x5], $0x1, s31, s20, $0xb8;
	[tilespmem:$0x1EF00] =	vst v63  }
0xc3: {  	_ =	swait.ge [sflag:s25], $0x4000  }
0xc4: {  	[sflag:s25] =	ssyncset.done $0x0  }
0xc5: {  	[sflag:s25] =	ssyncadd.s32 $0xFFFFC000  }
0xc6: {  	[spmem:s1] =	stream.indirect.scatter.add.f32 [tilespmem:s22], [sflag:$0x4], $0x80, s0, s20, $0xb8;
	[tilespmem:$0x1EF00] =	vst v63  }
0xc7: {  	_ = 	snop  }
0xc8: {  	[spmem:s3] =	stream.indirect.scatter.add.f32 [tilespmem:s24], [sflag:$0x6], $0x1, s0, s20, $0xb8;
	[tilespmem:$0x1EF00] =	vst v63  }
0xc9: {  	_ =	swait.ge [sflag:s26], $0x4000  }
0xca: {  	[sflag:s26] =	ssyncset.done $0x0  }
0xcb: {  	[sflag:s26] =	ssyncadd.s32 $0xFFFFC000  }
0xcc: {  	_ =	swait.ge [sflag:s28], $0x80  }
0xcd: {  	[sflag:s28] =	ssyncset.done $0x0  }
0xce: {  	[sflag:s28] =	ssyncadd.s32 $0xFFFFFF80  }
0xcf: {  	_ =	swait.ge [sflag:s29], $0x4000  }
0xd0: {  	[sflag:s29] =	ssyncset.done $0x0  }
0xd1: {  	[sflag:s29] =	ssyncadd.s32 $0xFFFFC000  }
0xd2: {  	_ =	swait.ge [sflag:s30], $0x80  }
0xd3: {  	s2 =	stileid.u32;
	[sflag:s30] =	ssyncset.done $0x0  }
0xd4: {  	s2 =	sshll.u32 s2, $0x6;
	[sflag:s30] =	ssyncadd.s32 $0xFFFFFF80  }
0xd5: {  	s6 =	sshrl.u32 s9, $0x3;
	s2 =	sor.u32 $0x1C07, s2;
	[bflag:$0x0] =	sbarrier.arrive $0xFFFF  }
0xd6: {  	[hbm:s14], [sflag:s2] =	dma.local [spmem:s6], $0x2800  }
0xd7: {  	s18 =	sadd.s32 $0x1, s18;
	_ =	swait.ge [sflag:s17], $0x2800  }
0xd8: {  	s4 =	sshrl.u32 s7, $0x3;
	p0 =	sne.s32 s18, s16;
	[sflag:s17] =	ssyncset.done $0x0  }
.Ltmp2:
0xd9: {  	s6 =	simm.s32 $0x20;
	[sflag:s17] =	ssyncadd.s32 $0xFFFFD800;
	(pc) =	sbr.rel @p0 .LBB2_1-.Ltmp2, $4  }
0xda: {  	[hbm:s15@s6], [sflag:s2] =	dma.strided [spmem:s4@s8], $0x50, s23, $0x10   }
0xdb: {  	_ =	swait.ge [sflag:s17], $0x50  }
0xdc: {  	[sflag:s17] =	ssyncset.done $0x0  }
0xdd: {  	[sflag:s17] =	ssyncadd.s32 $0xFFFFFFB0  }
0xde: {  	_ =	sfence.sel $0x180000  }
0xdf: {  	[bflag:$0x0] =	sbarrier.arrive $0xFFFF  }
0xe0: {  	_ =	strace $0x90000047  }
0xe1: {  	s0 =	stileid.u32;
	[bflag:$0x2] =	sbarrier.arrive $0xFFFF  }
0xe2: {  	p0 =	sne.s32 s0, $0x0;
	s0 =	rddreg [dreg:$0x3]  }
0xe3: {  	s0 =	sadd.s32 @!p0 $0x100000, s0  }
0xe4: {  	[sflag:s0] =	ssyncadd.tile.s32 @!p0 $0x1;
	_ =	shalt  }
.Lfunc_end2:
_tile_overlayer_lowered:
.L_overlay_start_2:
0xe5: {  	(tag) =	ssettag $0x2  }
0xe6: {  	s0 =	rddreg [dreg:$0x0];
	s2 =	stileid.u32  }
0xe7: {  	s1 =	rddreg [dreg:$0x1];
	p0 =	sne.s32 s2, $0x0  }
0xe8: {  	s3 =	rddreg [dreg:$0x2];
	[bflag:$0x3] =	sbarrier.arrive $0xFFFF;
	s2 =	simm.s32 @!p0 $0x1C07  }
0xe9: {  	[timem:s3], [sflag:s2] =	dma.local @!p0 [hbm:s0], s1  }
0xea: {  	s0 =	simm.s32 @!p0 $0x7  }
0xeb: {  	_ =	swait.ge @!p0 [sflag:s0], s1  }
0xec: {  	s1 =	ssub.s32 @!p0 $0x0, s1;
	[sflag:s0] =	ssyncset.done @!p0 $0x0  }
0xed: {  	[sflag:s0] =	ssyncadd.s32 @!p0 s1  }
0xee: {  	[bflag:$0x3] =	sbarrier.arrive $0xFFFF  }
0xef: {  	_ =	shalt  }

</sc_bundles>
